<compile_context>
chip_gen: v7x
topology: tpu7x:2x2x1
jax: 0.10.2.dev20260603
libtpu: 0.0.44.dev20260713+nightly
codegen_flags: <defaults>
</compile_context>

<pallas_src>
import math

import jax
import jax.numpy as jnp
from jax.experimental import pallas as pl
from jax.experimental.pallas import tpu as pltpu

_PRE_N = 2000
_PAD_N = 2048
_POST_N = 1000
_BLK = 128
_NBLK = _PAD_N // _BLK
_TH = 0.7
_IMG = 800.0
_CLIP = float(math.log(1000.0 / 16.0))


def _rpn_kernel(logits_ref, reg_ref, anc_ref, scores_ref, props_ref, keep_ref,
                s_in, s_kb):
    l = logits_ref[0]
    scores_ref[...] = jax.nn.sigmoid(l)[None]

    ax1 = anc_ref[:, 0, :]
    ay1 = anc_ref[:, 1, :]
    ax2 = anc_ref[:, 2, :]
    ay2 = anc_ref[:, 3, :]
    dx = reg_ref[:, 0, :]
    dy = reg_ref[:, 1, :]
    dw = jnp.minimum(reg_ref[:, 2, :], _CLIP)
    dh = jnp.minimum(reg_ref[:, 3, :], _CLIP)

    widths = ax2 - ax1 + 1.0
    heights = ay2 - ay1 + 1.0
    ctr_x = ax1 + 0.5 * widths
    ctr_y = ay1 + 0.5 * heights
    pred_ctr_x = dx * widths + ctr_x
    pred_ctr_y = dy * heights + ctr_y
    pred_w = jnp.exp(dw) * widths
    pred_h = jnp.exp(dh) * heights

    x1 = jnp.clip(pred_ctr_x - 0.5 * pred_w, 0.0, _IMG - 1.0)
    y1 = jnp.clip(pred_ctr_y - 0.5 * pred_h, 0.0, _IMG - 1.0)
    x2 = jnp.clip(pred_ctr_x + 0.5 * pred_w - 1.0, 0.0, _IMG - 1.0)
    y2 = jnp.clip(pred_ctr_y + 0.5 * pred_h - 1.0, 0.0, _IMG - 1.0)

    props_ref[...] = jnp.concatenate([x1, y1, x2, y2], axis=0)[None]

    ws = x2 - x1 + 1.0
    hs = y2 - y1 + 1.0
    x_ctr = x1 + ws / 2.0
    y_ctr = y1 + hs / 2.0

    col = jax.lax.broadcasted_iota(jnp.int32, (1, _PAD_N), 1)
    valid = (ws >= 0.0) & (hs >= 0.0) & (x_ctr < _IMG) & (y_ctr < _IMG)
    keep = (valid & (col < _PRE_N)).astype(jnp.float32)

    areas = ws * hs
    x1t = jnp.reshape(x1, (_PAD_N, 1))
    y1t = jnp.reshape(y1, (_PAD_N, 1))
    x2t = jnp.reshape(x2, (_PAD_N, 1))
    y2t = jnp.reshape(y2, (_PAD_N, 1))
    art = jnp.reshape(areas, (_PAD_N, 1))

    lcol = jax.lax.broadcasted_iota(jnp.int32, (1, _BLK), 1)

    for b in range(_NBLK):
        lo, hi = b * _BLK, (b + 1) * _BLK
        xx1 = jnp.maximum(x1t[lo:hi], x1)
        yy1 = jnp.maximum(y1t[lo:hi], y1)
        xx2 = jnp.minimum(x2t[lo:hi], x2)
        yy2 = jnp.minimum(y2t[lo:hi], y2)
        w = jnp.maximum(xx2 - xx1 + 1.0, 0.0)
        h = jnp.maximum(yy2 - yy1 + 1.0, 0.0)
        inter = w * h
        iou_blk = inter / (art[lo:hi] + areas - inter)
        over = (iou_blk > _TH).astype(jnp.float32)

        s_in[...] = over[:, lo:hi]
        s_kb[...] = keep[:, lo:hi]

        def body(i, carry):
            row = s_in[pl.ds(i, 1), :]
            kv = s_kb[...]
            ki = jnp.max(kv * (lcol == i).astype(jnp.float32))
            sup = row * (lcol > i).astype(jnp.float32) * ki
            s_kb[...] = s_kb[...] * (1.0 - sup)
            return carry

        jax.lax.fori_loop(0, _BLK, body, 0)
        kb = s_kb[...]
        parts = ([keep[:, :lo]] if lo > 0 else []) + [kb] \
            + ([keep[:, hi:]] if hi < _PAD_N else [])
        keep = jnp.concatenate(parts, axis=1) if len(parts) > 1 else kb
        if b + 1 < _NBLK:
            kbt = jnp.reshape(kb, (_BLK, 1))
            sup_any = jnp.max(over * kbt, axis=0, keepdims=True)
            later = (col >= hi).astype(jnp.float32)
            keep = keep * (1.0 - sup_any * later)

    keep_ref[...] = (keep > 0.5).astype(jnp.int32)[None]


@jax.jit
def kernel(anchors, objectness, box_regression):
    N, A, H, W = objectness.shape
    obj = jnp.transpose(objectness, (0, 2, 3, 1)).reshape(N, -1)
    reg = box_regression.reshape(N, A, 4, H, W)
    reg = jnp.transpose(reg, (0, 3, 4, 1, 2)).reshape(N, -1, 4)

    top_logits, top_idx = jax.lax.top_k(obj, _PRE_N)
    reg_t = jnp.take_along_axis(reg, top_idx[..., None], axis=1)
    anc_t = jnp.take_along_axis(anchors, top_idx[..., None], axis=1)

    pad = _PAD_N - _PRE_N
    logits_p = jnp.pad(top_logits, ((0, 0), (0, pad)),
                       constant_values=-30.0)[:, None, :]
    reg_p = jnp.transpose(jnp.pad(reg_t, ((0, 0), (0, pad), (0, 0))), (0, 2, 1))
    anc_p = jnp.transpose(jnp.pad(anc_t, ((0, 0), (0, pad), (0, 0))), (0, 2, 1))

    scores, props, keep = pl.pallas_call(
        _rpn_kernel,
        grid=(N,),
        in_specs=[
            pl.BlockSpec((1, 1, _PAD_N), lambda i: (i, 0, 0)),
            pl.BlockSpec((1, 4, _PAD_N), lambda i: (i, 0, 0)),
            pl.BlockSpec((1, 4, _PAD_N), lambda i: (i, 0, 0)),
        ],
        out_specs=[
            pl.BlockSpec((1, 1, _PAD_N), lambda i: (i, 0, 0)),
            pl.BlockSpec((1, 4, _PAD_N), lambda i: (i, 0, 0)),
            pl.BlockSpec((1, 1, _PAD_N), lambda i: (i, 0, 0)),
        ],
        out_shape=[
            jax.ShapeDtypeStruct((N, 1, _PAD_N), jnp.float32),
            jax.ShapeDtypeStruct((N, 4, _PAD_N), jnp.float32),
            jax.ShapeDtypeStruct((N, 1, _PAD_N), jnp.int32),
        ],
        scratch_shapes=[
            pltpu.VMEM((_BLK, _BLK), jnp.float32),
            pltpu.VMEM((1, _BLK), jnp.float32),
        ],
    )(logits_p, reg_p, anc_p)

    keep2 = keep[:, 0, :_PRE_N] > 0
    props2 = jnp.transpose(props, (0, 2, 1))[:, :_PRE_N, :]
    scores2 = scores[:, 0, :_PRE_N]

    ar = jnp.arange(_PRE_N)
    order = jnp.where(keep2, ar[None, :], _PRE_N + ar[None, :])
    sel = jnp.argsort(order, axis=1)[:, :_POST_N]
    kept = jnp.take_along_axis(keep2, sel, axis=1)
    out_boxes = jnp.where(kept[..., None],
                          jnp.take_along_axis(props2, sel[..., None], axis=1),
                          0.0)
    out_scores = jnp.where(kept, jnp.take_along_axis(scores2, sel, axis=1), -1.0)
    return jnp.concatenate([out_boxes, out_scores[..., None]], axis=2)

# --- scband reference (transcript-rebuilt; emitter-appended) ---
"""Pipeline reference for scband-fpnrpnbox-selector-75866302316589 (READ-ONLY COPY).

The authoritative reference and input builder live on the scoring server;
editing this copy changes nothing except your own understanding.
"""

import jax, jax.numpy as jnp
import numpy as np

PRE_NMS_TOP_N = 2000
POST_NMS_TOP_N = 1000
NMS_THRESH = 0.7
MIN_SIZE = 0
IMG_H = 800
IMG_W = 800
BBOX_XFORM_CLIP = float(np.log(1000.0 / 16.0))


def setup_inputs(seed: int = 0) -> dict:
    key = jax.random.key(seed)
    k1, k2, k3, k4, k5 = jax.random.split(key, 5)
    N, A, H, W = 2, 3, 128, 128
    M = A * H * W
    # anchors in xyxy coords inside an 800x800 image
    cx = jax.random.uniform(k1, (N, M)) * IMG_W
    cy = jax.random.uniform(k2, (N, M)) * IMG_H
    wh = jax.random.uniform(k3, (N, M, 2)) * 120.0 + 16.0
    anchors = jnp.stack([cx - wh[..., 0] / 2.0,
                         cy - wh[..., 1] / 2.0,
                         cx + wh[..., 0] / 2.0,
                         cy + wh[..., 1] / 2.0], axis=-1).astype(jnp.float32)
    objectness = jax.random.normal(k4, (N, A, H, W), dtype=jnp.float32)
    box_regression = jax.random.normal(k5, (N, A * 4, H, W), dtype=jnp.float32) * 0.2
    return {"anchors": anchors, "objectness": objectness, "box_regression": box_regression}


def _decode(rel_codes, boxes):
    # BoxCoder.decode with weights (1,1,1,1), legacy +1 convention
    TO_REMOVE = 1.0
    widths = boxes[:, 2] - boxes[:, 0] + TO_REMOVE
    heights = boxes[:, 3] - boxes[:, 1] + TO_REMOVE
    ctr_x = boxes[:, 0] + 0.5 * widths
    ctr_y = boxes[:, 1] + 0.5 * heights
    dx = rel_codes[:, 0]
    dy = rel_codes[:, 1]
    dw = jnp.minimum(rel_codes[:, 2], BBOX_XFORM_CLIP)
    dh = jnp.minimum(rel_codes[:, 3], BBOX_XFORM_CLIP)
    pred_ctr_x = dx * widths + ctr_x
    pred_ctr_y = dy * heights + ctr_y
    pred_w = jnp.exp(dw) * widths
    pred_h = jnp.exp(dh) * heights
    x1 = pred_ctr_x - 0.5 * pred_w
    y1 = pred_ctr_y - 0.5 * pred_h
    x2 = pred_ctr_x + 0.5 * pred_w - 1.0
    y2 = pred_ctr_y + 0.5 * pred_h - 1.0
    return jnp.stack([x1, y1, x2, y2], axis=1)


def _clip_boxes(boxes):
    # mirrors _clip_boxes_to_image stacking order
    b1 = jnp.clip(boxes[:, 0::2], 0.0, IMG_W - 1.0)
    b2 = jnp.clip(boxes[:, 1::2], 0.0, IMG_H - 1.0)
    return jnp.stack((b1, b2), axis=2).reshape(boxes.shape[0], -1)


def _pairwise_iou(boxes):
    x1, y1, x2, y2 = boxes[:, 0], boxes[:, 1], boxes[:, 2], boxes[:, 3]
    areas = (x2 - x1 + 1.0) * (y2 - y1 + 1.0)
    xx1 = jnp.maximum(x1[:, None], x1[None, :])
    yy1 = jnp.maximum(y1[:, None], y1[None, :])
    xx2 = jnp.minimum(x2[:, None], x2[None, :])
    yy2 = jnp.minimum(y2[:, None], y2[None, :])
    w = jnp.maximum(xx2 - xx1 + 1.0, 0.0)
    h = jnp.maximum(yy2 - yy1 + 1.0, 0.0)
    inter = w * h
    return inter / (areas[:, None] + areas[None, :] - inter)


def _nms_keep(boxes, valid, thresh):
    n = boxes.shape[0]
    iou = _pairwise_iou(boxes)
    idxs = jnp.arange(n)

    def body(i, keep):
        suppress = (iou[i] > thresh) & (idxs > i) & keep[i]
        return keep & (~suppress)

    return jax.lax.fori_loop(0, n, body, valid)


def _per_image(obj_flat, reg_flat, anchors_img):
    scores = jax.nn.sigmoid(obj_flat)
    n = min(PRE_NMS_TOP_N, scores.shape[0])
    top_scores, top_idx = jax.lax.top_k(scores, n)
    reg = jnp.take(reg_flat, top_idx, axis=0)
    anc = jnp.take(anchors_img, top_idx, axis=0)
    props = _decode(reg, anc)
    props = _clip_boxes(props)
    ws = props[:, 2] - props[:, 0] + 1.0
    hs = props[:, 3] - props[:, 1] + 1.0
    x_ctr = props[:, 0] + ws / 2.0
    y_ctr = props[:, 1] + hs / 2.0
    valid = (ws >= MIN_SIZE) & (hs >= MIN_SIZE) & (x_ctr < IMG_W) & (y_ctr < IMG_H)
    keep = _nms_keep(jax.lax.stop_gradient(props), valid, NMS_THRESH)
    order = jnp.where(keep, jnp.arange(n), n + jnp.arange(n))
    sel = jnp.argsort(order)[:POST_NMS_TOP_N]
    kept = jnp.take(keep, sel)
    out_boxes = jnp.where(kept[:, None], jnp.take(props, sel, axis=0), 0.0)
    out_scores = jnp.where(kept, jnp.take(top_scores, sel), -1.0)
    return jnp.concatenate([out_boxes, out_scores[:, None]], axis=1)


def reference(anchors, objectness, box_regression):
    N, A, H, W = objectness.shape
    obj = jnp.transpose(objectness, (0, 2, 3, 1)).reshape(N, -1)
    reg = box_regression.reshape(N, -1, 4, H, W)
    reg = jnp.transpose(reg, (0, 3, 4, 1, 2)).reshape(N, -1, 4)
    return jax.vmap(_per_image)(obj, reg, anchors)

if __name__ == "__main__":
    import jax
    _d = setup_inputs()
    print(jax.jit(kernel)(*tuple(_d.values())))

</pallas_src>

<mosaic_0001>
module attributes {stable_mosaic.version = 14 : i64} {
  func.func @_rpn_kernel(%arg0: i32, %arg1: memref<1x1x2048xf32, #tpu.memory_space<vmem>>, %arg2: memref<1x4x2048xf32, #tpu.memory_space<vmem>>, %arg3: memref<1x4x2048xf32, #tpu.memory_space<vmem>>, %arg4: memref<1x1x2048xf32, #tpu.memory_space<vmem>>, %arg5: memref<1x4x2048xf32, #tpu.memory_space<vmem>>, %arg6: memref<1x1x2048xi32, #tpu.memory_space<vmem>>, %arg7: memref<128x128xf32, #tpu.memory_space<vmem>>, %arg8: memref<1x128xf32, #tpu.memory_space<vmem>>) attributes {dimension_semantics = [#tpu.dimension_semantics<arbitrary>], iteration_bounds = array<i64: 2>, scalar_prefetch = 0 : i64, scratch_operands = 2 : i64, tpu.core_type = #tpu.core_type<tc>, window_params = [{transform_indices = @transform_0, window_bounds = array<i64: 1, 1, 2048>}, {transform_indices = @transform_1, window_bounds = array<i64: 1, 4, 2048>}, {transform_indices = @transform_2, window_bounds = array<i64: 1, 4, 2048>}, {transform_indices = @transform_3, window_bounds = array<i64: 1, 1, 2048>}, {transform_indices = @transform_4, window_bounds = array<i64: 1, 4, 2048>}, {transform_indices = @transform_5, window_bounds = array<i64: 1, 1, 2048>}]} {
    %get3A = arith.constant 0 : index
    %get3A_0 = arith.constant 0 : index
    %get3A_1 = arith.constant 0 : index
    %get3A_2 = vector.load %arg1[%get3A, %get3A_0, %get3A_1] : memref<1x1x2048xf32, #tpu.memory_space<vmem>>, vector<1x1x2048xf32>
    %get3A_3 = vector.shape_cast %get3A_2 : vector<1x1x2048xf32> to vector<1x2048xf32>
    %logistic3A = arith.negf %get3A_3 : vector<1x2048xf32>
    %logistic3A_4 = math.exp %logistic3A : vector<1x2048xf32>
    %logistic3A_5 = arith.constant 1.000000e+00 : f32
    %logistic3A_6 = vector.broadcast %logistic3A_5 : f32 to vector<1x2048xf32>
    %logistic3A_7 = arith.addf %logistic3A_6, %logistic3A_4 : vector<1x2048xf32>
    %logistic3A_8 = arith.divf %logistic3A_6, %logistic3A_7 : vector<1x2048xf32>
    %broadcast_in_dim3A = vector.shape_cast %logistic3A_8 : vector<1x2048xf32> to vector<1x1x2048xf32>
    %swap3A = arith.constant 0 : index
    %swap3A_9 = arith.constant 0 : index
    %swap3A_10 = arith.constant 0 : index
    %swap3A_11 = vector.load %arg4[%swap3A, %swap3A_9, %swap3A_10] : memref<1x1x2048xf32, #tpu.memory_space<vmem>>, vector<1x1x2048xf32>
    tpu.vector_store %arg4[%swap3A, %swap3A_9, %swap3A_10], %broadcast_in_dim3A {strides = array<i32>} : memref<1x1x2048xf32, #tpu.memory_space<vmem>>, vector<1x1x2048xf32>,
    %get3A_12 = arith.constant 0 : index
    %get3A_13 = arith.constant 0 : index
    %get3A_14 = arith.constant 0 : index
    %get3A_15 = vector.load %arg3[%get3A_12, %get3A_13, %get3A_14] : memref<1x4x2048xf32, #tpu.memory_space<vmem>>, vector<1x1x2048xf32>
    %get3A_16 = vector.shape_cast %get3A_15 : vector<1x1x2048xf32> to vector<1x2048xf32>
    %get3A_17 = arith.constant 0 : index
    %get3A_18 = arith.constant 1 : index
    %get3A_19 = arith.constant 0 : index
    %get3A_20 = vector.load %arg3[%get3A_17, %get3A_18, %get3A_19] : memref<1x4x2048xf32, #tpu.memory_space<vmem>>, vector<1x1x2048xf32>
    %get3A_21 = vector.shape_cast %get3A_20 : vector<1x1x2048xf32> to vector<1x2048xf32>
    %get3A_22 = arith.constant 0 : index
    %get3A_23 = arith.constant 2 : index
    %get3A_24 = arith.constant 0 : index
    %get3A_25 = vector.load %arg3[%get3A_22, %get3A_23, %get3A_24] : memref<1x4x2048xf32, #tpu.memory_space<vmem>>, vector<1x1x2048xf32>
    %get3A_26 = vector.shape_cast %get3A_25 : vector<1x1x2048xf32> to vector<1x2048xf32>
    %get3A_27 = arith.constant 0 : index
    %get3A_28 = arith.constant 3 : index
    %get3A_29 = arith.constant 0 : index
    %get3A_30 = vector.load %arg3[%get3A_27, %get3A_28, %get3A_29] : memref<1x4x2048xf32, #tpu.memory_space<vmem>>, vector<1x1x2048xf32>
    %get3A_31 = vector.shape_cast %get3A_30 : vector<1x1x2048xf32> to vector<1x2048xf32>
    %get3A_32 = arith.constant 0 : index
    %get3A_33 = arith.constant 0 : index
    %get3A_34 = arith.constant 0 : index
    %get3A_35 = vector.load %arg2[%get3A_32, %get3A_33, %get3A_34] : memref<1x4x2048xf32, #tpu.memory_space<vmem>>, vector<1x1x2048xf32>
    %get3A_36 = vector.shape_cast %get3A_35 : vector<1x1x2048xf32> to vector<1x2048xf32>
    %get3A_37 = arith.constant 0 : index
    %get3A_38 = arith.constant 1 : index
    %get3A_39 = arith.constant 0 : index
    %get3A_40 = vector.load %arg2[%get3A_37, %get3A_38, %get3A_39] : memref<1x4x2048xf32, #tpu.memory_space<vmem>>, vector<1x1x2048xf32>
    %get3A_41 = vector.shape_cast %get3A_40 : vector<1x1x2048xf32> to vector<1x2048xf32>
    %get3A_42 = arith.constant 0 : index
    %get3A_43 = arith.constant 2 : index
    %get3A_44 = arith.constant 0 : index
    %get3A_45 = vector.load %arg2[%get3A_42, %get3A_43, %get3A_44] : memref<1x4x2048xf32, #tpu.memory_space<vmem>>, vector<1x1x2048xf32>
    %get3A_46 = vector.shape_cast %get3A_45 : vector<1x1x2048xf32> to vector<1x2048xf32>
    %min3A = arith.constant 4.13516665 : f32
    %min3A_47 = vector.broadcast %min3A : f32 to vector<1x2048xf32>
    %min3A_48 = arith.minimumf %get3A_46, %min3A_47 : vector<1x2048xf32>
    %get3A_49 = arith.constant 0 : index
    %get3A_50 = arith.constant 3 : index
    %get3A_51 = arith.constant 0 : index
    %get3A_52 = vector.load %arg2[%get3A_49, %get3A_50, %get3A_51] : memref<1x4x2048xf32, #tpu.memory_space<vmem>>, vector<1x1x2048xf32>
    %get3A_53 = vector.shape_cast %get3A_52 : vector<1x1x2048xf32> to vector<1x2048xf32>
    %min3A_54 = arith.constant 4.13516665 : f32
    %min3A_55 = vector.broadcast %min3A_54 : f32 to vector<1x2048xf32>
    %min3A_56 = arith.minimumf %get3A_53, %min3A_55 : vector<1x2048xf32>
    %sub3A = arith.subf %get3A_26, %get3A_16 : vector<1x2048xf32>
    %add3A = arith.constant 1.000000e+00 : f32
    %add3A_57 = vector.broadcast %add3A : f32 to vector<1x2048xf32>
    %add3A_58 = arith.addf %sub3A, %add3A_57 : vector<1x2048xf32>
    %sub3A_59 = arith.subf %get3A_31, %get3A_21 : vector<1x2048xf32>
    %add3A_60 = arith.constant 1.000000e+00 : f32
    %add3A_61 = vector.broadcast %add3A_60 : f32 to vector<1x2048xf32>
    %add3A_62 = arith.addf %sub3A_59, %add3A_61 : vector<1x2048xf32>
    %mul3A = arith.constant 5.000000e-01 : f32
    %mul3A_63 = vector.broadcast %mul3A : f32 to vector<1x2048xf32>
    %mul3A_64 = arith.mulf %mul3A_63, %add3A_58 : vector<1x2048xf32>
    %add3A_65 = arith.addf %get3A_16, %mul3A_64 : vector<1x2048xf32>
    %mul3A_66 = arith.constant 5.000000e-01 : f32
    %mul3A_67 = vector.broadcast %mul3A_66 : f32 to vector<1x2048xf32>
    %mul3A_68 = arith.mulf %mul3A_67, %add3A_62 : vector<1x2048xf32>
    %add3A_69 = arith.addf %get3A_21, %mul3A_68 : vector<1x2048xf32>
    %mul3A_70 = arith.mulf %get3A_36, %add3A_58 : vector<1x2048xf32>
    %add3A_71 = arith.addf %mul3A_70, %add3A_65 : vector<1x2048xf32>
    %mul3A_72 = arith.mulf %get3A_41, %add3A_62 : vector<1x2048xf32>
    %add3A_73 = arith.addf %mul3A_72, %add3A_69 : vector<1x2048xf32>
    %exp3A = math.exp %min3A_48 : vector<1x2048xf32>
    %mul3A_74 = arith.mulf %exp3A, %add3A_58 : vector<1x2048xf32>
    %exp3A_75 = math.exp %min3A_56 : vector<1x2048xf32>
    %mul3A_76 = arith.mulf %exp3A_75, %add3A_62 : vector<1x2048xf32>
    %mul3A_77 = arith.constant 5.000000e-01 : f32
    %mul3A_78 = vector.broadcast %mul3A_77 : f32 to vector<1x2048xf32>
    %mul3A_79 = arith.mulf %mul3A_78, %mul3A_74 : vector<1x2048xf32>
    %sub3A_80 = arith.subf %add3A_71, %mul3A_79 : vector<1x2048xf32>
    %jit3A = arith.constant 0.000000e+00 : f32
    %jit3A_81 = arith.constant 7.990000e+02 : f32
    %max3A = vector.broadcast %jit3A : f32 to vector<1x2048xf32>
    %max3A_82 = arith.maximumf %max3A, %sub3A_80 : vector<1x2048xf32>
    %min3A_83 = vector.broadcast %jit3A_81 : f32 to vector<1x2048xf32>
    %min3A_84 = arith.minimumf %min3A_83, %max3A_82 : vector<1x2048xf32>
    %mul3A_85 = arith.constant 5.000000e-01 : f32
    %mul3A_86 = vector.broadcast %mul3A_85 : f32 to vector<1x2048xf32>
    %mul3A_87 = arith.mulf %mul3A_86, %mul3A_76 : vector<1x2048xf32>
    %sub3A_88 = arith.subf %add3A_73, %mul3A_87 : vector<1x2048xf32>
    %jit3A_89 = arith.constant 0.000000e+00 : f32
    %jit3A_90 = arith.constant 7.990000e+02 : f32
    %max3A_91 = vector.broadcast %jit3A_89 : f32 to vector<1x2048xf32>
    %max3A_92 = arith.maximumf %max3A_91, %sub3A_88 : vector<1x2048xf32>
    %min3A_93 = vector.broadcast %jit3A_90 : f32 to vector<1x2048xf32>
    %min3A_94 = arith.minimumf %min3A_93, %max3A_92 : vector<1x2048xf32>
    %mul3A_95 = arith.constant 5.000000e-01 : f32
    %mul3A_96 = vector.broadcast %mul3A_95 : f32 to vector<1x2048xf32>
    %mul3A_97 = arith.mulf %mul3A_96, %mul3A_74 : vector<1x2048xf32>
    %add3A_98 = arith.addf %add3A_71, %mul3A_97 : vector<1x2048xf32>
    %sub3A_99 = arith.constant 1.000000e+00 : f32
    %sub3A_100 = vector.broadcast %sub3A_99 : f32 to vector<1x2048xf32>
    %sub3A_101 = arith.subf %add3A_98, %sub3A_100 : vector<1x2048xf32>
    %jit3A_102 = arith.constant 0.000000e+00 : f32
    %jit3A_103 = arith.constant 7.990000e+02 : f32
    %max3A_104 = vector.broadcast %jit3A_102 : f32 to vector<1x2048xf32>
    %max3A_105 = arith.maximumf %max3A_104, %sub3A_101 : vector<1x2048xf32>
    %min3A_106 = vector.broadcast %jit3A_103 : f32 to vector<1x2048xf32>
    %min3A_107 = arith.minimumf %min3A_106, %max3A_105 : vector<1x2048xf32>
    %mul3A_108 = arith.constant 5.000000e-01 : f32
    %mul3A_109 = vector.broadcast %mul3A_108 : f32 to vector<1x2048xf32>
    %mul3A_110 = arith.mulf %mul3A_109, %mul3A_76 : vector<1x2048xf32>
    %add3A_111 = arith.addf %add3A_73, %mul3A_110 : vector<1x2048xf32>
    %sub3A_112 = arith.constant 1.000000e+00 : f32
    %sub3A_113 = vector.broadcast %sub3A_112 : f32 to vector<1x2048xf32>
    %sub3A_114 = arith.subf %add3A_111, %sub3A_113 : vector<1x2048xf32>
    %jit3A_115 = arith.constant 0.000000e+00 : f32
    %jit3A_116 = arith.constant 7.990000e+02 : f32
    %max3A_117 = vector.broadcast %jit3A_115 : f32 to vector<1x2048xf32>
    %max3A_118 = arith.maximumf %max3A_117, %sub3A_114 : vector<1x2048xf32>
    %min3A_119 = vector.broadcast %jit3A_116 : f32 to vector<1x2048xf32>
    %min3A_120 = arith.minimumf %min3A_119, %max3A_118 : vector<1x2048xf32>
    %concatenate3A = tpu.concatenate %min3A_84, %min3A_94, %min3A_107, %min3A_120 in 0 : vector<1x2048xf32>, vector<1x2048xf32>, vector<1x2048xf32>, vector<1x2048xf32> -> vector<4x2048xf32>
    %broadcast_in_dim3A_121 = vector.shape_cast %concatenate3A : vector<4x2048xf32> to vector<1x4x2048xf32>
    %swap3A_122 = arith.constant 0 : index
    %swap3A_123 = arith.constant 0 : index
    %swap3A_124 = arith.constant 0 : index
    %swap3A_125 = vector.load %arg5[%swap3A_122, %swap3A_123, %swap3A_124] : memref<1x4x2048xf32, #tpu.memory_space<vmem>>, vector<1x4x2048xf32>
    tpu.vector_store %arg5[%swap3A_122, %swap3A_123, %swap3A_124], %broadcast_in_dim3A_121 {strides = array<i32>} : memref<1x4x2048xf32, #tpu.memory_space<vmem>>, vector<1x4x2048xf32>,
    %sub3A_126 = arith.subf %min3A_107, %min3A_84 : vector<1x2048xf32>
    %add3A_127 = arith.constant 1.000000e+00 : f32
    %add3A_128 = vector.broadcast %add3A_127 : f32 to vector<1x2048xf32>
    %add3A_129 = arith.addf %sub3A_126, %add3A_128 : vector<1x2048xf32>
    %sub3A_130 = arith.subf %min3A_120, %min3A_94 : vector<1x2048xf32>
    %add3A_131 = arith.constant 1.000000e+00 : f32
    %add3A_132 = vector.broadcast %add3A_131 : f32 to vector<1x2048xf32>
    %add3A_133 = arith.addf %sub3A_130, %add3A_132 : vector<1x2048xf32>
    %div3A = arith.constant 2.000000e+00 : f32
    %div3A_134 = vector.broadcast %div3A : f32 to vector<1x2048xf32>
    %div3A_135 = arith.divf %add3A_129, %div3A_134 : vector<1x2048xf32>
    %add3A_136 = arith.addf %min3A_84, %div3A_135 : vector<1x2048xf32>
    %div3A_137 = arith.constant 2.000000e+00 : f32
    %div3A_138 = vector.broadcast %div3A_137 : f32 to vector<1x2048xf32>
    %div3A_139 = arith.divf %add3A_133, %div3A_138 : vector<1x2048xf32>
    %add3A_140 = arith.addf %min3A_94, %div3A_139 : vector<1x2048xf32>
    %iota3A = tpu.iota {dimensions = array<i32: 1>} : vector<1x2048xi32>
    %ge3A = arith.constant 0.000000e+00 : f32
    %ge3A_141 = vector.broadcast %ge3A : f32 to vector<1x2048xf32>
    %ge3A_142 = arith.cmpf oge, %add3A_129, %ge3A_141 : vector<1x2048xf32>
    %ge3A_143 = arith.constant 0.000000e+00 : f32
    %ge3A_144 = vector.broadcast %ge3A_143 : f32 to vector<1x2048xf32>
    %ge3A_145 = arith.cmpf oge, %add3A_133, %ge3A_144 : vector<1x2048xf32>
    %and3A = arith.andi %ge3A_142, %ge3A_145 : vector<1x2048xi1>
    %lt3A = arith.constant 8.000000e+02 : f32
    %lt3A_146 = vector.broadcast %lt3A : f32 to vector<1x2048xf32>
    %lt3A_147 = arith.cmpf olt, %add3A_136, %lt3A_146 : vector<1x2048xf32>
    %and3A_148 = arith.andi %and3A, %lt3A_147 : vector<1x2048xi1>
    %lt3A_149 = arith.constant 8.000000e+02 : f32
    %lt3A_150 = vector.broadcast %lt3A_149 : f32 to vector<1x2048xf32>
    %lt3A_151 = arith.cmpf olt, %add3A_140, %lt3A_150 : vector<1x2048xf32>
    %and3A_152 = arith.andi %and3A_148, %lt3A_151 : vector<1x2048xi1>
    %lt3A_153 = arith.constant 2000 : i32
    %lt3A_154 = vector.broadcast %lt3A_153 : i32 to vector<1x2048xi32>
    %lt3A_155 = arith.cmpi slt, %iota3A, %lt3A_154 : vector<1x2048xi32>
    %and3A_156 = arith.andi %and3A_152, %lt3A_155 : vector<1x2048xi1>
    %convert_element_type3A = arith.extui %and3A_156 : vector<1x2048xi1> to vector<1x2048xi32>
    %convert_element_type3A_157 = arith.sitofp %convert_element_type3A : vector<1x2048xi32> to vector<1x2048xf32>
    %mul3A_158 = arith.mulf %add3A_129, %add3A_133 : vector<1x2048xf32>
    %reshape3A = vector.shape_cast %min3A_84 : vector<1x2048xf32> to vector<2048x1xf32>
    %reshape3A_159 = vector.shape_cast %min3A_94 : vector<1x2048xf32> to vector<2048x1xf32>
    %reshape3A_160 = vector.shape_cast %min3A_107 : vector<1x2048xf32> to vector<2048x1xf32>
    %reshape3A_161 = vector.shape_cast %min3A_120 : vector<1x2048xf32> to vector<2048x1xf32>
    %reshape3A_162 = vector.shape_cast %mul3A_158 : vector<1x2048xf32> to vector<2048x1xf32>
    %iota3A_163 = tpu.iota {dimensions = array<i32: 1>} : vector<1x128xi32>
    %slice3A = vector.extract_strided_slice %reshape3A {offsets = [0, 0], sizes = [128, 1], strides = [1, 1]} : vector<2048x1xf32> to vector<128x1xf32>
    %max3A_164 = vector.broadcast %slice3A : vector<128x1xf32> to vector<128x2048xf32>
    %max3A_165 = vector.broadcast %min3A_84 : vector<1x2048xf32> to vector<128x2048xf32>
    %max3A_166 = arith.maximumf %max3A_164, %max3A_165 : vector<128x2048xf32>
    %slice3A_167 = vector.extract_strided_slice %reshape3A_159 {offsets = [0, 0], sizes = [128, 1], strides = [1, 1]} : vector<2048x1xf32> to vector<128x1xf32>
    %max3A_168 = vector.broadcast %slice3A_167 : vector<128x1xf32> to vector<128x2048xf32>
    %max3A_169 = vector.broadcast %min3A_94 : vector<1x2048xf32> to vector<128x2048xf32>
    %max3A_170 = arith.maximumf %max3A_168, %max3A_169 : vector<128x2048xf32>
    %slice3A_171 = vector.extract_strided_slice %reshape3A_160 {offsets = [0, 0], sizes = [128, 1], strides = [1, 1]} : vector<2048x1xf32> to vector<128x1xf32>
    %min3A_172 = vector.broadcast %slice3A_171 : vector<128x1xf32> to vector<128x2048xf32>
    %min3A_173 = vector.broadcast %min3A_107 : vector<1x2048xf32> to vector<128x2048xf32>
    %min3A_174 = arith.minimumf %min3A_172, %min3A_173 : vector<128x2048xf32>
    %slice3A_175 = vector.extract_strided_slice %reshape3A_161 {offsets = [0, 0], sizes = [128, 1], strides = [1, 1]} : vector<2048x1xf32> to vector<128x1xf32>
    %min3A_176 = vector.broadcast %slice3A_175 : vector<128x1xf32> to vector<128x2048xf32>
    %min3A_177 = vector.broadcast %min3A_120 : vector<1x2048xf32> to vector<128x2048xf32>
    %min3A_178 = arith.minimumf %min3A_176, %min3A_177 : vector<128x2048xf32>
    %sub3A_179 = arith.subf %min3A_174, %max3A_166 : vector<128x2048xf32>
    %add3A_180 = arith.constant 1.000000e+00 : f32
    %add3A_181 = vector.broadcast %add3A_180 : f32 to vector<128x2048xf32>
    %add3A_182 = arith.addf %sub3A_179, %add3A_181 : vector<128x2048xf32>
    %max3A_183 = arith.constant 0.000000e+00 : f32
    %max3A_184 = vector.broadcast %max3A_183 : f32 to vector<128x2048xf32>
    %max3A_185 = arith.maximumf %add3A_182, %max3A_184 : vector<128x2048xf32>
    %sub3A_186 = arith.subf %min3A_178, %max3A_170 : vector<128x2048xf32>
    %add3A_187 = arith.constant 1.000000e+00 : f32
    %add3A_188 = vector.broadcast %add3A_187 : f32 to vector<128x2048xf32>
    %add3A_189 = arith.addf %sub3A_186, %add3A_188 : vector<128x2048xf32>
    %max3A_190 = arith.constant 0.000000e+00 : f32
    %max3A_191 = vector.broadcast %max3A_190 : f32 to vector<128x2048xf32>
    %max3A_192 = arith.maximumf %add3A_189, %max3A_191 : vector<128x2048xf32>
    %mul3A_193 = arith.mulf %max3A_185, %max3A_192 : vector<128x2048xf32>
    %slice3A_194 = vector.extract_strided_slice %reshape3A_162 {offsets = [0, 0], sizes = [128, 1], strides = [1, 1]} : vector<2048x1xf32> to vector<128x1xf32>
    %add3A_195 = vector.broadcast %slice3A_194 : vector<128x1xf32> to vector<128x2048xf32>
    %add3A_196 = vector.broadcast %mul3A_158 : vector<1x2048xf32> to vector<128x2048xf32>
    %add3A_197 = arith.addf %add3A_195, %add3A_196 : vector<128x2048xf32>
    %sub3A_198 = arith.subf %add3A_197, %mul3A_193 : vector<128x2048xf32>
    %div3A_199 = arith.divf %mul3A_193, %sub3A_198 : vector<128x2048xf32>
    %gt3A = arith.constant 0.699999988 : f32
    %gt3A_200 = vector.broadcast %gt3A : f32 to vector<128x2048xf32>
    %gt3A_201 = arith.cmpf ogt, %div3A_199, %gt3A_200 : vector<128x2048xf32>
    %convert_element_type3A_202 = arith.extui %gt3A_201 : vector<128x2048xi1> to vector<128x2048xi32>
    %convert_element_type3A_203 = arith.sitofp %convert_element_type3A_202 : vector<128x2048xi32> to vector<128x2048xf32>
    %slice3A_204 = vector.extract_strided_slice %convert_element_type3A_203 {offsets = [0, 0], sizes = [128, 128], strides = [1, 1]} : vector<128x2048xf32> to vector<128x128xf32>
    %swap3A_205 = arith.constant 0 : index
    %swap3A_206 = arith.constant 0 : index
    %swap3A_207 = vector.load %arg7[%swap3A_205, %swap3A_206] : memref<128x128xf32, #tpu.memory_space<vmem>>, vector<128x128xf32>
    tpu.vector_store %arg7[%swap3A_205, %swap3A_206], %slice3A_204 {strides = array<i32>} : memref<128x128xf32, #tpu.memory_space<vmem>>, vector<128x128xf32>,
    %slice3A_208 = vector.extract_strided_slice %convert_element_type3A_157 {offsets = [0, 0], sizes = [1, 128], strides = [1, 1]} : vector<1x2048xf32> to vector<1x128xf32>
    %swap3A_209 = arith.constant 0 : index
    %swap3A_210 = arith.constant 0 : index
    %swap3A_211 = vector.load %arg8[%swap3A_209, %swap3A_210] : memref<1x128xf32, #tpu.memory_space<vmem>>, vector<1x128xf32>
    tpu.vector_store %arg8[%swap3A_209, %swap3A_210], %slice3A_208 {strides = array<i32>} : memref<1x128xf32, #tpu.memory_space<vmem>>, vector<1x128xf32>,
    %scan3A = arith.constant 0 : i32
    %scan3A_212 = arith.constant 128 : i32
    %scan3A_213 = arith.addi %scan3A, %scan3A_212 : i32
    %scan3A_214 = arith.constant 1 : i32
    scf.for %scan3A_1383 = %scan3A to %scan3A_213 step %scan3A_214  : i32 {
      %get3A_1384 = arith.index_cast %scan3A_1383 : i32 to index
      %get3A_1385 = arith.constant 0 : index
      %get3A_1386 = vector.load %arg7[%get3A_1384, %get3A_1385] : memref<128x128xf32, #tpu.memory_space<vmem>>, vector<1x128xf32>
      %get3A_1387 = arith.constant 0 : index
      %get3A_1388 = arith.constant 0 : index
      %get3A_1389 = vector.load %arg8[%get3A_1387, %get3A_1388] : memref<1x128xf32, #tpu.memory_space<vmem>>, vector<1x128xf32>
      %eq3A = vector.broadcast %scan3A_1383 : i32 to vector<1x128xi32>
      %eq3A_1390 = arith.cmpi eq, %iota3A_163, %eq3A : vector<1x128xi32>
      %convert_element_type3A_1391 = arith.extui %eq3A_1390 : vector<1x128xi1> to vector<1x128xi32>
      %convert_element_type3A_1392 = arith.sitofp %convert_element_type3A_1391 : vector<1x128xi32> to vector<1x128xf32>
      %mul3A_1393 = arith.mulf %get3A_1389, %convert_element_type3A_1392 : vector<1x128xf32>
      %reduce_max3A_1394 = vector.shape_cast %mul3A_1393 : vector<1x128xf32> to vector<1x1x128xf32>
      %reduce_max3A_1395 = arith.constant dense<0xFF800000> : vector<1xf32>
      %reduce_max3A_1396 = vector.multi_reduction <maximumf>, %reduce_max3A_1394, %reduce_max3A_1395 [1, 2] : vector<1x1x128xf32> to vector<1xf32>
      %reduce_max3A_1397 = vector.shape_cast %reduce_max3A_1396 : vector<1xf32> to vector<1x1x1xf32>
      %reduce_max3A_1398 = vector.extract %reduce_max3A_1397[0, 0, 0] : f32 from vector<1x1x1xf32>
      %gt3A_1399 = vector.broadcast %scan3A_1383 : i32 to vector<1x128xi32>
      %gt3A_1400 = arith.cmpi sgt, %iota3A_163, %gt3A_1399 : vector<1x128xi32>
      %convert_element_type3A_1401 = arith.extui %gt3A_1400 : vector<1x128xi1> to vector<1x128xi32>
      %convert_element_type3A_1402 = arith.sitofp %convert_element_type3A_1401 : vector<1x128xi32> to vector<1x128xf32>
      %mul3A_1403 = arith.mulf %get3A_1386, %convert_element_type3A_1402 : vector<1x128xf32>
      %mul3A_1404 = vector.broadcast %reduce_max3A_1398 : f32 to vector<1x128xf32>
      %mul3A_1405 = arith.mulf %mul3A_1403, %mul3A_1404 : vector<1x128xf32>
      %get3A_1406 = arith.constant 0 : index
      %get3A_1407 = arith.constant 0 : index
      %get3A_1408 = vector.load %arg8[%get3A_1406, %get3A_1407] : memref<1x128xf32, #tpu.memory_space<vmem>>, vector<1x128xf32>
      %sub3A_1409 = arith.constant 1.000000e+00 : f32
      %sub3A_1410 = vector.broadcast %sub3A_1409 : f32 to vector<1x128xf32>
      %sub3A_1411 = arith.subf %sub3A_1410, %mul3A_1405 : vector<1x128xf32>
      %mul3A_1412 = arith.mulf %get3A_1408, %sub3A_1411 : vector<1x128xf32>
      %swap3A_1413 = arith.constant 0 : index
      %swap3A_1414 = arith.constant 0 : index
      %swap3A_1415 = vector.load %arg8[%swap3A_1413, %swap3A_1414] : memref<1x128xf32, #tpu.memory_space<vmem>>, vector<1x128xf32>
      tpu.vector_store %arg8[%swap3A_1413, %swap3A_1414], %mul3A_1412 {strides = array<i32>} : memref<1x128xf32, #tpu.memory_space<vmem>>, vector<1x128xf32>,
    }
    %scan3A_215 = arith.constant 128 : i32
    %get3A_216 = arith.constant 0 : index
    %get3A_217 = arith.constant 0 : index
    %get3A_218 = vector.load %arg8[%get3A_216, %get3A_217] : memref<1x128xf32, #tpu.memory_space<vmem>>, vector<1x128xf32>
    %slice3A_219 = vector.extract_strided_slice %convert_element_type3A_157 {offsets = [0, 128], sizes = [1, 1920], strides = [1, 1]} : vector<1x2048xf32> to vector<1x1920xf32>
    %concatenate3A_220 = tpu.concatenate %get3A_218, %slice3A_219 in 1 : vector<1x128xf32>, vector<1x1920xf32> -> vector<1x2048xf32>
    %reshape3A_221 = vector.shape_cast %get3A_218 : vector<1x128xf32> to vector<128x1xf32>
    %mul3A_222 = vector.broadcast %reshape3A_221 : vector<128x1xf32> to vector<128x2048xf32>
    %mul3A_223 = arith.mulf %convert_element_type3A_203, %mul3A_222 : vector<128x2048xf32>
    %reduce_max3A = arith.constant dense<0xFF800000> : vector<2048xf32>
    %reduce_max3A_224 = vector.multi_reduction <maximumf>, %mul3A_223, %reduce_max3A [0] : vector<128x2048xf32> to vector<2048xf32>
    %broadcast_in_dim3A_225 = vector.shape_cast %reduce_max3A_224 : vector<2048xf32> to vector<1x2048xf32>
    %ge3A_226 = arith.constant 128 : i32
    %ge3A_227 = vector.broadcast %ge3A_226 : i32 to vector<1x2048xi32>
    %ge3A_228 = arith.cmpi sge, %iota3A, %ge3A_227 : vector<1x2048xi32>
    %convert_element_type3A_229 = arith.extui %ge3A_228 : vector<1x2048xi1> to vector<1x2048xi32>
    %convert_element_type3A_230 = arith.sitofp %convert_element_type3A_229 : vector<1x2048xi32> to vector<1x2048xf32>
    %mul3A_231 = arith.mulf %broadcast_in_dim3A_225, %convert_element_type3A_230 : vector<1x2048xf32>
    %sub3A_232 = arith.constant 1.000000e+00 : f32
    %sub3A_233 = vector.broadcast %sub3A_232 : f32 to vector<1x2048xf32>
    %sub3A_234 = arith.subf %sub3A_233, %mul3A_231 : vector<1x2048xf32>
    %mul3A_235 = arith.mulf %concatenate3A_220, %sub3A_234 : vector<1x2048xf32>
    %slice3A_236 = vector.extract_strided_slice %reshape3A {offsets = [128, 0], sizes = [128, 1], strides = [1, 1]} : vector<2048x1xf32> to vector<128x1xf32>
    %max3A_237 = vector.broadcast %slice3A_236 : vector<128x1xf32> to vector<128x2048xf32>
    %max3A_238 = vector.broadcast %min3A_84 : vector<1x2048xf32> to vector<128x2048xf32>
    %max3A_239 = arith.maximumf %max3A_237, %max3A_238 : vector<128x2048xf32>
    %slice3A_240 = vector.extract_strided_slice %reshape3A_159 {offsets = [128, 0], sizes = [128, 1], strides = [1, 1]} : vector<2048x1xf32> to vector<128x1xf32>
    %max3A_241 = vector.broadcast %slice3A_240 : vector<128x1xf32> to vector<128x2048xf32>
    %max3A_242 = vector.broadcast %min3A_94 : vector<1x2048xf32> to vector<128x2048xf32>
    %max3A_243 = arith.maximumf %max3A_241, %max3A_242 : vector<128x2048xf32>
    %slice3A_244 = vector.extract_strided_slice %reshape3A_160 {offsets = [128, 0], sizes = [128, 1], strides = [1, 1]} : vector<2048x1xf32> to vector<128x1xf32>
    %min3A_245 = vector.broadcast %slice3A_244 : vector<128x1xf32> to vector<128x2048xf32>
    %min3A_246 = vector.broadcast %min3A_107 : vector<1x2048xf32> to vector<128x2048xf32>
    %min3A_247 = arith.minimumf %min3A_245, %min3A_246 : vector<128x2048xf32>
    %slice3A_248 = vector.extract_strided_slice %reshape3A_161 {offsets = [128, 0], sizes = [128, 1], strides = [1, 1]} : vector<2048x1xf32> to vector<128x1xf32>
    %min3A_249 = vector.broadcast %slice3A_248 : vector<128x1xf32> to vector<128x2048xf32>
    %min3A_250 = vector.broadcast %min3A_120 : vector<1x2048xf32> to vector<128x2048xf32>
    %min3A_251 = arith.minimumf %min3A_249, %min3A_250 : vector<128x2048xf32>
    %sub3A_252 = arith.subf %min3A_247, %max3A_239 : vector<128x2048xf32>
    %add3A_253 = arith.constant 1.000000e+00 : f32
    %add3A_254 = vector.broadcast %add3A_253 : f32 to vector<128x2048xf32>
    %add3A_255 = arith.addf %sub3A_252, %add3A_254 : vector<128x2048xf32>
    %max3A_256 = arith.constant 0.000000e+00 : f32
    %max3A_257 = vector.broadcast %max3A_256 : f32 to vector<128x2048xf32>
    %max3A_258 = arith.maximumf %add3A_255, %max3A_257 : vector<128x2048xf32>
    %sub3A_259 = arith.subf %min3A_251, %max3A_243 : vector<128x2048xf32>
    %add3A_260 = arith.constant 1.000000e+00 : f32
    %add3A_261 = vector.broadcast %add3A_260 : f32 to vector<128x2048xf32>
    %add3A_262 = arith.addf %sub3A_259, %add3A_261 : vector<128x2048xf32>
    %max3A_263 = arith.constant 0.000000e+00 : f32
    %max3A_264 = vector.broadcast %max3A_263 : f32 to vector<128x2048xf32>
    %max3A_265 = arith.maximumf %add3A_262, %max3A_264 : vector<128x2048xf32>
    %mul3A_266 = arith.mulf %max3A_258, %max3A_265 : vector<128x2048xf32>
    %slice3A_267 = vector.extract_strided_slice %reshape3A_162 {offsets = [128, 0], sizes = [128, 1], strides = [1, 1]} : vector<2048x1xf32> to vector<128x1xf32>
    %add3A_268 = vector.broadcast %slice3A_267 : vector<128x1xf32> to vector<128x2048xf32>
    %add3A_269 = vector.broadcast %mul3A_158 : vector<1x2048xf32> to vector<128x2048xf32>
    %add3A_270 = arith.addf %add3A_268, %add3A_269 : vector<128x2048xf32>
    %sub3A_271 = arith.subf %add3A_270, %mul3A_266 : vector<128x2048xf32>
    %div3A_272 = arith.divf %mul3A_266, %sub3A_271 : vector<128x2048xf32>
    %gt3A_273 = arith.constant 0.699999988 : f32
    %gt3A_274 = vector.broadcast %gt3A_273 : f32 to vector<128x2048xf32>
    %gt3A_275 = arith.cmpf ogt, %div3A_272, %gt3A_274 : vector<128x2048xf32>
    %convert_element_type3A_276 = arith.extui %gt3A_275 : vector<128x2048xi1> to vector<128x2048xi32>
    %convert_element_type3A_277 = arith.sitofp %convert_element_type3A_276 : vector<128x2048xi32> to vector<128x2048xf32>
    %slice3A_278 = vector.extract_strided_slice %convert_element_type3A_277 {offsets = [0, 128], sizes = [128, 128], strides = [1, 1]} : vector<128x2048xf32> to vector<128x128xf32>
    %swap3A_279 = arith.constant 0 : index
    %swap3A_280 = arith.constant 0 : index
    %swap3A_281 = vector.load %arg7[%swap3A_279, %swap3A_280] : memref<128x128xf32, #tpu.memory_space<vmem>>, vector<128x128xf32>
    tpu.vector_store %arg7[%swap3A_279, %swap3A_280], %slice3A_278 {strides = array<i32>} : memref<128x128xf32, #tpu.memory_space<vmem>>, vector<128x128xf32>,
    %slice3A_282 = vector.extract_strided_slice %mul3A_235 {offsets = [0, 128], sizes = [1, 128], strides = [1, 1]} : vector<1x2048xf32> to vector<1x128xf32>
    %swap3A_283 = arith.constant 0 : index
    %swap3A_284 = arith.constant 0 : index
    %swap3A_285 = vector.load %arg8[%swap3A_283, %swap3A_284] : memref<1x128xf32, #tpu.memory_space<vmem>>, vector<1x128xf32>
    tpu.vector_store %arg8[%swap3A_283, %swap3A_284], %slice3A_282 {strides = array<i32>} : memref<1x128xf32, #tpu.memory_space<vmem>>, vector<1x128xf32>,
    %scan3A_286 = arith.constant 0 : i32
    %scan3A_287 = arith.constant 128 : i32
    %scan3A_288 = arith.addi %scan3A_286, %scan3A_287 : i32
    %scan3A_289 = arith.constant 1 : i32
    scf.for %scan3A_1383 = %scan3A_286 to %scan3A_288 step %scan3A_289  : i32 {
      %get3A_1384 = arith.index_cast %scan3A_1383 : i32 to index
      %get3A_1385 = arith.constant 0 : index
      %get3A_1386 = vector.load %arg7[%get3A_1384, %get3A_1385] : memref<128x128xf32, #tpu.memory_space<vmem>>, vector<1x128xf32>
      %get3A_1387 = arith.constant 0 : index
      %get3A_1388 = arith.constant 0 : index
      %get3A_1389 = vector.load %arg8[%get3A_1387, %get3A_1388] : memref<1x128xf32, #tpu.memory_space<vmem>>, vector<1x128xf32>
      %eq3A = vector.broadcast %scan3A_1383 : i32 to vector<1x128xi32>
      %eq3A_1390 = arith.cmpi eq, %iota3A_163, %eq3A : vector<1x128xi32>
      %convert_element_type3A_1391 = arith.extui %eq3A_1390 : vector<1x128xi1> to vector<1x128xi32>
      %convert_element_type3A_1392 = arith.sitofp %convert_element_type3A_1391 : vector<1x128xi32> to vector<1x128xf32>
      %mul3A_1393 = arith.mulf %get3A_1389, %convert_element_type3A_1392 : vector<1x128xf32>
      %reduce_max3A_1394 = vector.shape_cast %mul3A_1393 : vector<1x128xf32> to vector<1x1x128xf32>
      %reduce_max3A_1395 = arith.constant dense<0xFF800000> : vector<1xf32>
      %reduce_max3A_1396 = vector.multi_reduction <maximumf>, %reduce_max3A_1394, %reduce_max3A_1395 [1, 2] : vector<1x1x128xf32> to vector<1xf32>
      %reduce_max3A_1397 = vector.shape_cast %reduce_max3A_1396 : vector<1xf32> to vector<1x1x1xf32>
      %reduce_max3A_1398 = vector.extract %reduce_max3A_1397[0, 0, 0] : f32 from vector<1x1x1xf32>
      %gt3A_1399 = vector.broadcast %scan3A_1383 : i32 to vector<1x128xi32>
      %gt3A_1400 = arith.cmpi sgt, %iota3A_163, %gt3A_1399 : vector<1x128xi32>
      %convert_element_type3A_1401 = arith.extui %gt3A_1400 : vector<1x128xi1> to vector<1x128xi32>
      %convert_element_type3A_1402 = arith.sitofp %convert_element_type3A_1401 : vector<1x128xi32> to vector<1x128xf32>
      %mul3A_1403 = arith.mulf %get3A_1386, %convert_element_type3A_1402 : vector<1x128xf32>
      %mul3A_1404 = vector.broadcast %reduce_max3A_1398 : f32 to vector<1x128xf32>
      %mul3A_1405 = arith.mulf %mul3A_1403, %mul3A_1404 : vector<1x128xf32>
      %get3A_1406 = arith.constant 0 : index
      %get3A_1407 = arith.constant 0 : index
      %get3A_1408 = vector.load %arg8[%get3A_1406, %get3A_1407] : memref<1x128xf32, #tpu.memory_space<vmem>>, vector<1x128xf32>
      %sub3A_1409 = arith.constant 1.000000e+00 : f32
      %sub3A_1410 = vector.broadcast %sub3A_1409 : f32 to vector<1x128xf32>
      %sub3A_1411 = arith.subf %sub3A_1410, %mul3A_1405 : vector<1x128xf32>
      %mul3A_1412 = arith.mulf %get3A_1408, %sub3A_1411 : vector<1x128xf32>
      %swap3A_1413 = arith.constant 0 : index
      %swap3A_1414 = arith.constant 0 : index
      %swap3A_1415 = vector.load %arg8[%swap3A_1413, %swap3A_1414] : memref<1x128xf32, #tpu.memory_space<vmem>>, vector<1x128xf32>
      tpu.vector_store %arg8[%swap3A_1413, %swap3A_1414], %mul3A_1412 {strides = array<i32>} : memref<1x128xf32, #tpu.memory_space<vmem>>, vector<1x128xf32>,
    }
    %scan3A_290 = arith.constant 128 : i32
    %get3A_291 = arith.constant 0 : index
    %get3A_292 = arith.constant 0 : index
    %get3A_293 = vector.load %arg8[%get3A_291, %get3A_292] : memref<1x128xf32, #tpu.memory_space<vmem>>, vector<1x128xf32>
    %slice3A_294 = vector.extract_strided_slice %mul3A_235 {offsets = [0, 0], sizes = [1, 128], strides = [1, 1]} : vector<1x2048xf32> to vector<1x128xf32>
    %slice3A_295 = vector.extract_strided_slice %mul3A_235 {offsets = [0, 256], sizes = [1, 1792], strides = [1, 1]} : vector<1x2048xf32> to vector<1x1792xf32>
    %concatenate3A_296 = tpu.concatenate %slice3A_294, %get3A_293, %slice3A_295 in 1 : vector<1x128xf32>, vector<1x128xf32>, vector<1x1792xf32> -> vector<1x2048xf32>
    %reshape3A_297 = vector.shape_cast %get3A_293 : vector<1x128xf32> to vector<128x1xf32>
    %mul3A_298 = vector.broadcast %reshape3A_297 : vector<128x1xf32> to vector<128x2048xf32>
    %mul3A_299 = arith.mulf %convert_element_type3A_277, %mul3A_298 : vector<128x2048xf32>
    %reduce_max3A_300 = arith.constant dense<0xFF800000> : vector<2048xf32>
    %reduce_max3A_301 = vector.multi_reduction <maximumf>, %mul3A_299, %reduce_max3A_300 [0] : vector<128x2048xf32> to vector<2048xf32>
    %broadcast_in_dim3A_302 = vector.shape_cast %reduce_max3A_301 : vector<2048xf32> to vector<1x2048xf32>
    %ge3A_303 = arith.constant 256 : i32
    %ge3A_304 = vector.broadcast %ge3A_303 : i32 to vector<1x2048xi32>
    %ge3A_305 = arith.cmpi sge, %iota3A, %ge3A_304 : vector<1x2048xi32>
    %convert_element_type3A_306 = arith.extui %ge3A_305 : vector<1x2048xi1> to vector<1x2048xi32>
    %convert_element_type3A_307 = arith.sitofp %convert_element_type3A_306 : vector<1x2048xi32> to vector<1x2048xf32>
    %mul3A_308 = arith.mulf %broadcast_in_dim3A_302, %convert_element_type3A_307 : vector<1x2048xf32>
    %sub3A_309 = arith.constant 1.000000e+00 : f32
    %sub3A_310 = vector.broadcast %sub3A_309 : f32 to vector<1x2048xf32>
    %sub3A_311 = arith.subf %sub3A_310, %mul3A_308 : vector<1x2048xf32>
    %mul3A_312 = arith.mulf %concatenate3A_296, %sub3A_311 : vector<1x2048xf32>
    %slice3A_313 = vector.extract_strided_slice %reshape3A {offsets = [256, 0], sizes = [128, 1], strides = [1, 1]} : vector<2048x1xf32> to vector<128x1xf32>
    %max3A_314 = vector.broadcast %slice3A_313 : vector<128x1xf32> to vector<128x2048xf32>
    %max3A_315 = vector.broadcast %min3A_84 : vector<1x2048xf32> to vector<128x2048xf32>
    %max3A_316 = arith.maximumf %max3A_314, %max3A_315 : vector<128x2048xf32>
    %slice3A_317 = vector.extract_strided_slice %reshape3A_159 {offsets = [256, 0], sizes = [128, 1], strides = [1, 1]} : vector<2048x1xf32> to vector<128x1xf32>
    %max3A_318 = vector.broadcast %slice3A_317 : vector<128x1xf32> to vector<128x2048xf32>
    %max3A_319 = vector.broadcast %min3A_94 : vector<1x2048xf32> to vector<128x2048xf32>
    %max3A_320 = arith.maximumf %max3A_318, %max3A_319 : vector<128x2048xf32>
    %slice3A_321 = vector.extract_strided_slice %reshape3A_160 {offsets = [256, 0], sizes = [128, 1], strides = [1, 1]} : vector<2048x1xf32> to vector<128x1xf32>
    %min3A_322 = vector.broadcast %slice3A_321 : vector<128x1xf32> to vector<128x2048xf32>
    %min3A_323 = vector.broadcast %min3A_107 : vector<1x2048xf32> to vector<128x2048xf32>
    %min3A_324 = arith.minimumf %min3A_322, %min3A_323 : vector<128x2048xf32>
    %slice3A_325 = vector.extract_strided_slice %reshape3A_161 {offsets = [256, 0], sizes = [128, 1], strides = [1, 1]} : vector<2048x1xf32> to vector<128x1xf32>
    %min3A_326 = vector.broadcast %slice3A_325 : vector<128x1xf32> to vector<128x2048xf32>
    %min3A_327 = vector.broadcast %min3A_120 : vector<1x2048xf32> to vector<128x2048xf32>
    %min3A_328 = arith.minimumf %min3A_326, %min3A_327 : vector<128x2048xf32>
    %sub3A_329 = arith.subf %min3A_324, %max3A_316 : vector<128x2048xf32>
    %add3A_330 = arith.constant 1.000000e+00 : f32
    %add3A_331 = vector.broadcast %add3A_330 : f32 to vector<128x2048xf32>
    %add3A_332 = arith.addf %sub3A_329, %add3A_331 : vector<128x2048xf32>
    %max3A_333 = arith.constant 0.000000e+00 : f32
    %max3A_334 = vector.broadcast %max3A_333 : f32 to vector<128x2048xf32>
    %max3A_335 = arith.maximumf %add3A_332, %max3A_334 : vector<128x2048xf32>
    %sub3A_336 = arith.subf %min3A_328, %max3A_320 : vector<128x2048xf32>
    %add3A_337 = arith.constant 1.000000e+00 : f32
    %add3A_338 = vector.broadcast %add3A_337 : f32 to vector<128x2048xf32>
    %add3A_339 = arith.addf %sub3A_336, %add3A_338 : vector<128x2048xf32>
    %max3A_340 = arith.constant 0.000000e+00 : f32
    %max3A_341 = vector.broadcast %max3A_340 : f32 to vector<128x2048xf32>
    %max3A_342 = arith.maximumf %add3A_339, %max3A_341 : vector<128x2048xf32>
    %mul3A_343 = arith.mulf %max3A_335, %max3A_342 : vector<128x2048xf32>
    %slice3A_344 = vector.extract_strided_slice %reshape3A_162 {offsets = [256, 0], sizes = [128, 1], strides = [1, 1]} : vector<2048x1xf32> to vector<128x1xf32>
    %add3A_345 = vector.broadcast %slice3A_344 : vector<128x1xf32> to vector<128x2048xf32>
    %add3A_346 = vector.broadcast %mul3A_158 : vector<1x2048xf32> to vector<128x2048xf32>
    %add3A_347 = arith.addf %add3A_345, %add3A_346 : vector<128x2048xf32>
    %sub3A_348 = arith.subf %add3A_347, %mul3A_343 : vector<128x2048xf32>
    %div3A_349 = arith.divf %mul3A_343, %sub3A_348 : vector<128x2048xf32>
    %gt3A_350 = arith.constant 0.699999988 : f32
    %gt3A_351 = vector.broadcast %gt3A_350 : f32 to vector<128x2048xf32>
    %gt3A_352 = arith.cmpf ogt, %div3A_349, %gt3A_351 : vector<128x2048xf32>
    %convert_element_type3A_353 = arith.extui %gt3A_352 : vector<128x2048xi1> to vector<128x2048xi32>
    %convert_element_type3A_354 = arith.sitofp %convert_element_type3A_353 : vector<128x2048xi32> to vector<128x2048xf32>
    %slice3A_355 = vector.extract_strided_slice %convert_element_type3A_354 {offsets = [0, 256], sizes = [128, 128], strides = [1, 1]} : vector<128x2048xf32> to vector<128x128xf32>
    %swap3A_356 = arith.constant 0 : index
    %swap3A_357 = arith.constant 0 : index
    %swap3A_358 = vector.load %arg7[%swap3A_356, %swap3A_357] : memref<128x128xf32, #tpu.memory_space<vmem>>, vector<128x128xf32>
    tpu.vector_store %arg7[%swap3A_356, %swap3A_357], %slice3A_355 {strides = array<i32>} : memref<128x128xf32, #tpu.memory_space<vmem>>, vector<128x128xf32>,
    %slice3A_359 = vector.extract_strided_slice %mul3A_312 {offsets = [0, 256], sizes = [1, 128], strides = [1, 1]} : vector<1x2048xf32> to vector<1x128xf32>
    %swap3A_360 = arith.constant 0 : index
    %swap3A_361 = arith.constant 0 : index
    %swap3A_362 = vector.load %arg8[%swap3A_360, %swap3A_361] : memref<1x128xf32, #tpu.memory_space<vmem>>, vector<1x128xf32>
    tpu.vector_store %arg8[%swap3A_360, %swap3A_361], %slice3A_359 {strides = array<i32>} : memref<1x128xf32, #tpu.memory_space<vmem>>, vector<1x128xf32>,
    %scan3A_363 = arith.constant 0 : i32
    %scan3A_364 = arith.constant 128 : i32
    %scan3A_365 = arith.addi %scan3A_363, %scan3A_364 : i32
    %scan3A_366 = arith.constant 1 : i32
    scf.for %scan3A_1383 = %scan3A_363 to %scan3A_365 step %scan3A_366  : i32 {
      %get3A_1384 = arith.index_cast %scan3A_1383 : i32 to index
      %get3A_1385 = arith.constant 0 : index
      %get3A_1386 = vector.load %arg7[%get3A_1384, %get3A_1385] : memref<128x128xf32, #tpu.memory_space<vmem>>, vector<1x128xf32>
      %get3A_1387 = arith.constant 0 : index
      %get3A_1388 = arith.constant 0 : index
      %get3A_1389 = vector.load %arg8[%get3A_1387, %get3A_1388] : memref<1x128xf32, #tpu.memory_space<vmem>>, vector<1x128xf32>
      %eq3A = vector.broadcast %scan3A_1383 : i32 to vector<1x128xi32>
      %eq3A_1390 = arith.cmpi eq, %iota3A_163, %eq3A : vector<1x128xi32>
      %convert_element_type3A_1391 = arith.extui %eq3A_1390 : vector<1x128xi1> to vector<1x128xi32>
      %convert_element_type3A_1392 = arith.sitofp %convert_element_type3A_1391 : vector<1x128xi32> to vector<1x128xf32>
      %mul3A_1393 = arith.mulf %get3A_1389, %convert_element_type3A_1392 : vector<1x128xf32>
      %reduce_max3A_1394 = vector.shape_cast %mul3A_1393 : vector<1x128xf32> to vector<1x1x128xf32>
      %reduce_max3A_1395 = arith.constant dense<0xFF800000> : vector<1xf32>
      %reduce_max3A_1396 = vector.multi_reduction <maximumf>, %reduce_max3A_1394, %reduce_max3A_1395 [1, 2] : vector<1x1x128xf32> to vector<1xf32>
      %reduce_max3A_1397 = vector.shape_cast %reduce_max3A_1396 : vector<1xf32> to vector<1x1x1xf32>
      %reduce_max3A_1398 = vector.extract %reduce_max3A_1397[0, 0, 0] : f32 from vector<1x1x1xf32>
      %gt3A_1399 = vector.broadcast %scan3A_1383 : i32 to vector<1x128xi32>
      %gt3A_1400 = arith.cmpi sgt, %iota3A_163, %gt3A_1399 : vector<1x128xi32>
      %convert_element_type3A_1401 = arith.extui %gt3A_1400 : vector<1x128xi1> to vector<1x128xi32>
      %convert_element_type3A_1402 = arith.sitofp %convert_element_type3A_1401 : vector<1x128xi32> to vector<1x128xf32>
      %mul3A_1403 = arith.mulf %get3A_1386, %convert_element_type3A_1402 : vector<1x128xf32>
      %mul3A_1404 = vector.broadcast %reduce_max3A_1398 : f32 to vector<1x128xf32>
      %mul3A_1405 = arith.mulf %mul3A_1403, %mul3A_1404 : vector<1x128xf32>
      %get3A_1406 = arith.constant 0 : index
      %get3A_1407 = arith.constant 0 : index
      %get3A_1408 = vector.load %arg8[%get3A_1406, %get3A_1407] : memref<1x128xf32, #tpu.memory_space<vmem>>, vector<1x128xf32>
      %sub3A_1409 = arith.constant 1.000000e+00 : f32
      %sub3A_1410 = vector.broadcast %sub3A_1409 : f32 to vector<1x128xf32>
      %sub3A_1411 = arith.subf %sub3A_1410, %mul3A_1405 : vector<1x128xf32>
      %mul3A_1412 = arith.mulf %get3A_1408, %sub3A_1411 : vector<1x128xf32>
      %swap3A_1413 = arith.constant 0 : index
      %swap3A_1414 = arith.constant 0 : index
      %swap3A_1415 = vector.load %arg8[%swap3A_1413, %swap3A_1414] : memref<1x128xf32, #tpu.memory_space<vmem>>, vector<1x128xf32>
      tpu.vector_store %arg8[%swap3A_1413, %swap3A_1414], %mul3A_1412 {strides = array<i32>} : memref<1x128xf32, #tpu.memory_space<vmem>>, vector<1x128xf32>,
    }
    %scan3A_367 = arith.constant 128 : i32
    %get3A_368 = arith.constant 0 : index
    %get3A_369 = arith.constant 0 : index
    %get3A_370 = vector.load %arg8[%get3A_368, %get3A_369] : memref<1x128xf32, #tpu.memory_space<vmem>>, vector<1x128xf32>
    %slice3A_371 = vector.extract_strided_slice %mul3A_312 {offsets = [0, 0], sizes = [1, 256], strides = [1, 1]} : vector<1x2048xf32> to vector<1x256xf32>
    %slice3A_372 = vector.extract_strided_slice %mul3A_312 {offsets = [0, 384], sizes = [1, 1664], strides = [1, 1]} : vector<1x2048xf32> to vector<1x1664xf32>
    %concatenate3A_373 = tpu.concatenate %slice3A_371, %get3A_370, %slice3A_372 in 1 : vector<1x256xf32>, vector<1x128xf32>, vector<1x1664xf32> -> vector<1x2048xf32>
    %reshape3A_374 = vector.shape_cast %get3A_370 : vector<1x128xf32> to vector<128x1xf32>
    %mul3A_375 = vector.broadcast %reshape3A_374 : vector<128x1xf32> to vector<128x2048xf32>
    %mul3A_376 = arith.mulf %convert_element_type3A_354, %mul3A_375 : vector<128x2048xf32>
    %reduce_max3A_377 = arith.constant dense<0xFF800000> : vector<2048xf32>
    %reduce_max3A_378 = vector.multi_reduction <maximumf>, %mul3A_376, %reduce_max3A_377 [0] : vector<128x2048xf32> to vector<2048xf32>
    %broadcast_in_dim3A_379 = vector.shape_cast %reduce_max3A_378 : vector<2048xf32> to vector<1x2048xf32>
    %ge3A_380 = arith.constant 384 : i32
    %ge3A_381 = vector.broadcast %ge3A_380 : i32 to vector<1x2048xi32>
    %ge3A_382 = arith.cmpi sge, %iota3A, %ge3A_381 : vector<1x2048xi32>
    %convert_element_type3A_383 = arith.extui %ge3A_382 : vector<1x2048xi1> to vector<1x2048xi32>
    %convert_element_type3A_384 = arith.sitofp %convert_element_type3A_383 : vector<1x2048xi32> to vector<1x2048xf32>
    %mul3A_385 = arith.mulf %broadcast_in_dim3A_379, %convert_element_type3A_384 : vector<1x2048xf32>
    %sub3A_386 = arith.constant 1.000000e+00 : f32
    %sub3A_387 = vector.broadcast %sub3A_386 : f32 to vector<1x2048xf32>
    %sub3A_388 = arith.subf %sub3A_387, %mul3A_385 : vector<1x2048xf32>
    %mul3A_389 = arith.mulf %concatenate3A_373, %sub3A_388 : vector<1x2048xf32>
    %slice3A_390 = vector.extract_strided_slice %reshape3A {offsets = [384, 0], sizes = [128, 1], strides = [1, 1]} : vector<2048x1xf32> to vector<128x1xf32>
    %max3A_391 = vector.broadcast %slice3A_390 : vector<128x1xf32> to vector<128x2048xf32>
    %max3A_392 = vector.broadcast %min3A_84 : vector<1x2048xf32> to vector<128x2048xf32>
    %max3A_393 = arith.maximumf %max3A_391, %max3A_392 : vector<128x2048xf32>
    %slice3A_394 = vector.extract_strided_slice %reshape3A_159 {offsets = [384, 0], sizes = [128, 1], strides = [1, 1]} : vector<2048x1xf32> to vector<128x1xf32>
    %max3A_395 = vector.broadcast %slice3A_394 : vector<128x1xf32> to vector<128x2048xf32>
    %max3A_396 = vector.broadcast %min3A_94 : vector<1x2048xf32> to vector<128x2048xf32>
    %max3A_397 = arith.maximumf %max3A_395, %max3A_396 : vector<128x2048xf32>
    %slice3A_398 = vector.extract_strided_slice %reshape3A_160 {offsets = [384, 0], sizes = [128, 1], strides = [1, 1]} : vector<2048x1xf32> to vector<128x1xf32>
    %min3A_399 = vector.broadcast %slice3A_398 : vector<128x1xf32> to vector<128x2048xf32>
    %min3A_400 = vector.broadcast %min3A_107 : vector<1x2048xf32> to vector<128x2048xf32>
    %min3A_401 = arith.minimumf %min3A_399, %min3A_400 : vector<128x2048xf32>
    %slice3A_402 = vector.extract_strided_slice %reshape3A_161 {offsets = [384, 0], sizes = [128, 1], strides = [1, 1]} : vector<2048x1xf32> to vector<128x1xf32>
    %min3A_403 = vector.broadcast %slice3A_402 : vector<128x1xf32> to vector<128x2048xf32>
    %min3A_404 = vector.broadcast %min3A_120 : vector<1x2048xf32> to vector<128x2048xf32>
    %min3A_405 = arith.minimumf %min3A_403, %min3A_404 : vector<128x2048xf32>
    %sub3A_406 = arith.subf %min3A_401, %max3A_393 : vector<128x2048xf32>
    %add3A_407 = arith.constant 1.000000e+00 : f32
    %add3A_408 = vector.broadcast %add3A_407 : f32 to vector<128x2048xf32>
    %add3A_409 = arith.addf %sub3A_406, %add3A_408 : vector<128x2048xf32>
    %max3A_410 = arith.constant 0.000000e+00 : f32
    %max3A_411 = vector.broadcast %max3A_410 : f32 to vector<128x2048xf32>
    %max3A_412 = arith.maximumf %add3A_409, %max3A_411 : vector<128x2048xf32>
    %sub3A_413 = arith.subf %min3A_405, %max3A_397 : vector<128x2048xf32>
    %add3A_414 = arith.constant 1.000000e+00 : f32
    %add3A_415 = vector.broadcast %add3A_414 : f32 to vector<128x2048xf32>
    %add3A_416 = arith.addf %sub3A_413, %add3A_415 : vector<128x2048xf32>
    %max3A_417 = arith.constant 0.000000e+00 : f32
    %max3A_418 = vector.broadcast %max3A_417 : f32 to vector<128x2048xf32>
    %max3A_419 = arith.maximumf %add3A_416, %max3A_418 : vector<128x2048xf32>
    %mul3A_420 = arith.mulf %max3A_412, %max3A_419 : vector<128x2048xf32>
    %slice3A_421 = vector.extract_strided_slice %reshape3A_162 {offsets = [384, 0], sizes = [128, 1], strides = [1, 1]} : vector<2048x1xf32> to vector<128x1xf32>
    %add3A_422 = vector.broadcast %slice3A_421 : vector<128x1xf32> to vector<128x2048xf32>
    %add3A_423 = vector.broadcast %mul3A_158 : vector<1x2048xf32> to vector<128x2048xf32>
    %add3A_424 = arith.addf %add3A_422, %add3A_423 : vector<128x2048xf32>
    %sub3A_425 = arith.subf %add3A_424, %mul3A_420 : vector<128x2048xf32>
    %div3A_426 = arith.divf %mul3A_420, %sub3A_425 : vector<128x2048xf32>
    %gt3A_427 = arith.constant 0.699999988 : f32
    %gt3A_428 = vector.broadcast %gt3A_427 : f32 to vector<128x2048xf32>
    %gt3A_429 = arith.cmpf ogt, %div3A_426, %gt3A_428 : vector<128x2048xf32>
    %convert_element_type3A_430 = arith.extui %gt3A_429 : vector<128x2048xi1> to vector<128x2048xi32>
    %convert_element_type3A_431 = arith.sitofp %convert_element_type3A_430 : vector<128x2048xi32> to vector<128x2048xf32>
    %slice3A_432 = vector.extract_strided_slice %convert_element_type3A_431 {offsets = [0, 384], sizes = [128, 128], strides = [1, 1]} : vector<128x2048xf32> to vector<128x128xf32>
    %swap3A_433 = arith.constant 0 : index
    %swap3A_434 = arith.constant 0 : index
    %swap3A_435 = vector.load %arg7[%swap3A_433, %swap3A_434] : memref<128x128xf32, #tpu.memory_space<vmem>>, vector<128x128xf32>
    tpu.vector_store %arg7[%swap3A_433, %swap3A_434], %slice3A_432 {strides = array<i32>} : memref<128x128xf32, #tpu.memory_space<vmem>>, vector<128x128xf32>,
    %slice3A_436 = vector.extract_strided_slice %mul3A_389 {offsets = [0, 384], sizes = [1, 128], strides = [1, 1]} : vector<1x2048xf32> to vector<1x128xf32>
    %swap3A_437 = arith.constant 0 : index
    %swap3A_438 = arith.constant 0 : index
    %swap3A_439 = vector.load %arg8[%swap3A_437, %swap3A_438] : memref<1x128xf32, #tpu.memory_space<vmem>>, vector<1x128xf32>
    tpu.vector_store %arg8[%swap3A_437, %swap3A_438], %slice3A_436 {strides = array<i32>} : memref<1x128xf32, #tpu.memory_space<vmem>>, vector<1x128xf32>,
    %scan3A_440 = arith.constant 0 : i32
    %scan3A_441 = arith.constant 128 : i32
    %scan3A_442 = arith.addi %scan3A_440, %scan3A_441 : i32
    %scan3A_443 = arith.constant 1 : i32
    scf.for %scan3A_1383 = %scan3A_440 to %scan3A_442 step %scan3A_443  : i32 {
      %get3A_1384 = arith.index_cast %scan3A_1383 : i32 to index
      %get3A_1385 = arith.constant 0 : index
      %get3A_1386 = vector.load %arg7[%get3A_1384, %get3A_1385] : memref<128x128xf32, #tpu.memory_space<vmem>>, vector<1x128xf32>
      %get3A_1387 = arith.constant 0 : index
      %get3A_1388 = arith.constant 0 : index
      %get3A_1389 = vector.load %arg8[%get3A_1387, %get3A_1388] : memref<1x128xf32, #tpu.memory_space<vmem>>, vector<1x128xf32>
      %eq3A = vector.broadcast %scan3A_1383 : i32 to vector<1x128xi32>
      %eq3A_1390 = arith.cmpi eq, %iota3A_163, %eq3A : vector<1x128xi32>
      %convert_element_type3A_1391 = arith.extui %eq3A_1390 : vector<1x128xi1> to vector<1x128xi32>
      %convert_element_type3A_1392 = arith.sitofp %convert_element_type3A_1391 : vector<1x128xi32> to vector<1x128xf32>
      %mul3A_1393 = arith.mulf %get3A_1389, %convert_element_type3A_1392 : vector<1x128xf32>
      %reduce_max3A_1394 = vector.shape_cast %mul3A_1393 : vector<1x128xf32> to vector<1x1x128xf32>
      %reduce_max3A_1395 = arith.constant dense<0xFF800000> : vector<1xf32>
      %reduce_max3A_1396 = vector.multi_reduction <maximumf>, %reduce_max3A_1394, %reduce_max3A_1395 [1, 2] : vector<1x1x128xf32> to vector<1xf32>
      %reduce_max3A_1397 = vector.shape_cast %reduce_max3A_1396 : vector<1xf32> to vector<1x1x1xf32>
      %reduce_max3A_1398 = vector.extract %reduce_max3A_1397[0, 0, 0] : f32 from vector<1x1x1xf32>
      %gt3A_1399 = vector.broadcast %scan3A_1383 : i32 to vector<1x128xi32>
      %gt3A_1400 = arith.cmpi sgt, %iota3A_163, %gt3A_1399 : vector<1x128xi32>
      %convert_element_type3A_1401 = arith.extui %gt3A_1400 : vector<1x128xi1> to vector<1x128xi32>
      %convert_element_type3A_1402 = arith.sitofp %convert_element_type3A_1401 : vector<1x128xi32> to vector<1x128xf32>
      %mul3A_1403 = arith.mulf %get3A_1386, %convert_element_type3A_1402 : vector<1x128xf32>
      %mul3A_1404 = vector.broadcast %reduce_max3A_1398 : f32 to vector<1x128xf32>
      %mul3A_1405 = arith.mulf %mul3A_1403, %mul3A_1404 : vector<1x128xf32>
      %get3A_1406 = arith.constant 0 : index
      %get3A_1407 = arith.constant 0 : index
      %get3A_1408 = vector.load %arg8[%get3A_1406, %get3A_1407] : memref<1x128xf32, #tpu.memory_space<vmem>>, vector<1x128xf32>
      %sub3A_1409 = arith.constant 1.000000e+00 : f32
      %sub3A_1410 = vector.broadcast %sub3A_1409 : f32 to vector<1x128xf32>
      %sub3A_1411 = arith.subf %sub3A_1410, %mul3A_1405 : vector<1x128xf32>
      %mul3A_1412 = arith.mulf %get3A_1408, %sub3A_1411 : vector<1x128xf32>
      %swap3A_1413 = arith.constant 0 : index
      %swap3A_1414 = arith.constant 0 : index
      %swap3A_1415 = vector.load %arg8[%swap3A_1413, %swap3A_1414] : memref<1x128xf32, #tpu.memory_space<vmem>>, vector<1x128xf32>
      tpu.vector_store %arg8[%swap3A_1413, %swap3A_1414], %mul3A_1412 {strides = array<i32>} : memref<1x128xf32, #tpu.memory_space<vmem>>, vector<1x128xf32>,
    }
    %scan3A_444 = arith.constant 128 : i32
    %get3A_445 = arith.constant 0 : index
    %get3A_446 = arith.constant 0 : index
    %get3A_447 = vector.load %arg8[%get3A_445, %get3A_446] : memref<1x128xf32, #tpu.memory_space<vmem>>, vector<1x128xf32>
    %slice3A_448 = vector.extract_strided_slice %mul3A_389 {offsets = [0, 0], sizes = [1, 384], strides = [1, 1]} : vector<1x2048xf32> to vector<1x384xf32>
    %slice3A_449 = vector.extract_strided_slice %mul3A_389 {offsets = [0, 512], sizes = [1, 1536], strides = [1, 1]} : vector<1x2048xf32> to vector<1x1536xf32>
    %concatenate3A_450 = tpu.concatenate %slice3A_448, %get3A_447, %slice3A_449 in 1 : vector<1x384xf32>, vector<1x128xf32>, vector<1x1536xf32> -> vector<1x2048xf32>
    %reshape3A_451 = vector.shape_cast %get3A_447 : vector<1x128xf32> to vector<128x1xf32>
    %mul3A_452 = vector.broadcast %reshape3A_451 : vector<128x1xf32> to vector<128x2048xf32>
    %mul3A_453 = arith.mulf %convert_element_type3A_431, %mul3A_452 : vector<128x2048xf32>
    %reduce_max3A_454 = arith.constant dense<0xFF800000> : vector<2048xf32>
    %reduce_max3A_455 = vector.multi_reduction <maximumf>, %mul3A_453, %reduce_max3A_454 [0] : vector<128x2048xf32> to vector<2048xf32>
    %broadcast_in_dim3A_456 = vector.shape_cast %reduce_max3A_455 : vector<2048xf32> to vector<1x2048xf32>
    %ge3A_457 = arith.constant 512 : i32
    %ge3A_458 = vector.broadcast %ge3A_457 : i32 to vector<1x2048xi32>
    %ge3A_459 = arith.cmpi sge, %iota3A, %ge3A_458 : vector<1x2048xi32>
    %convert_element_type3A_460 = arith.extui %ge3A_459 : vector<1x2048xi1> to vector<1x2048xi32>
    %convert_element_type3A_461 = arith.sitofp %convert_element_type3A_460 : vector<1x2048xi32> to vector<1x2048xf32>
    %mul3A_462 = arith.mulf %broadcast_in_dim3A_456, %convert_element_type3A_461 : vector<1x2048xf32>
    %sub3A_463 = arith.constant 1.000000e+00 : f32
    %sub3A_464 = vector.broadcast %sub3A_463 : f32 to vector<1x2048xf32>
    %sub3A_465 = arith.subf %sub3A_464, %mul3A_462 : vector<1x2048xf32>
    %mul3A_466 = arith.mulf %concatenate3A_450, %sub3A_465 : vector<1x2048xf32>
    %slice3A_467 = vector.extract_strided_slice %reshape3A {offsets = [512, 0], sizes = [128, 1], strides = [1, 1]} : vector<2048x1xf32> to vector<128x1xf32>
    %max3A_468 = vector.broadcast %slice3A_467 : vector<128x1xf32> to vector<128x2048xf32>
    %max3A_469 = vector.broadcast %min3A_84 : vector<1x2048xf32> to vector<128x2048xf32>
    %max3A_470 = arith.maximumf %max3A_468, %max3A_469 : vector<128x2048xf32>
    %slice3A_471 = vector.extract_strided_slice %reshape3A_159 {offsets = [512, 0], sizes = [128, 1], strides = [1, 1]} : vector<2048x1xf32> to vector<128x1xf32>
    %max3A_472 = vector.broadcast %slice3A_471 : vector<128x1xf32> to vector<128x2048xf32>
    %max3A_473 = vector.broadcast %min3A_94 : vector<1x2048xf32> to vector<128x2048xf32>
    %max3A_474 = arith.maximumf %max3A_472, %max3A_473 : vector<128x2048xf32>
    %slice3A_475 = vector.extract_strided_slice %reshape3A_160 {offsets = [512, 0], sizes = [128, 1], strides = [1, 1]} : vector<2048x1xf32> to vector<128x1xf32>
    %min3A_476 = vector.broadcast %slice3A_475 : vector<128x1xf32> to vector<128x2048xf32>
    %min3A_477 = vector.broadcast %min3A_107 : vector<1x2048xf32> to vector<128x2048xf32>
    %min3A_478 = arith.minimumf %min3A_476, %min3A_477 : vector<128x2048xf32>
    %slice3A_479 = vector.extract_strided_slice %reshape3A_161 {offsets = [512, 0], sizes = [128, 1], strides = [1, 1]} : vector<2048x1xf32> to vector<128x1xf32>
    %min3A_480 = vector.broadcast %slice3A_479 : vector<128x1xf32> to vector<128x2048xf32>
    %min3A_481 = vector.broadcast %min3A_120 : vector<1x2048xf32> to vector<128x2048xf32>
    %min3A_482 = arith.minimumf %min3A_480, %min3A_481 : vector<128x2048xf32>
    %sub3A_483 = arith.subf %min3A_478, %max3A_470 : vector<128x2048xf32>
    %add3A_484 = arith.constant 1.000000e+00 : f32
    %add3A_485 = vector.broadcast %add3A_484 : f32 to vector<128x2048xf32>
    %add3A_486 = arith.addf %sub3A_483, %add3A_485 : vector<128x2048xf32>
    %max3A_487 = arith.constant 0.000000e+00 : f32
    %max3A_488 = vector.broadcast %max3A_487 : f32 to vector<128x2048xf32>
    %max3A_489 = arith.maximumf %add3A_486, %max3A_488 : vector<128x2048xf32>
    %sub3A_490 = arith.subf %min3A_482, %max3A_474 : vector<128x2048xf32>
    %add3A_491 = arith.constant 1.000000e+00 : f32
    %add3A_492 = vector.broadcast %add3A_491 : f32 to vector<128x2048xf32>
    %add3A_493 = arith.addf %sub3A_490, %add3A_492 : vector<128x2048xf32>
    %max3A_494 = arith.constant 0.000000e+00 : f32
    %max3A_495 = vector.broadcast %max3A_494 : f32 to vector<128x2048xf32>
    %max3A_496 = arith.maximumf %add3A_493, %max3A_495 : vector<128x2048xf32>
    %mul3A_497 = arith.mulf %max3A_489, %max3A_496 : vector<128x2048xf32>
    %slice3A_498 = vector.extract_strided_slice %reshape3A_162 {offsets = [512, 0], sizes = [128, 1], strides = [1, 1]} : vector<2048x1xf32> to vector<128x1xf32>
    %add3A_499 = vector.broadcast %slice3A_498 : vector<128x1xf32> to vector<128x2048xf32>
    %add3A_500 = vector.broadcast %mul3A_158 : vector<1x2048xf32> to vector<128x2048xf32>
    %add3A_501 = arith.addf %add3A_499, %add3A_500 : vector<128x2048xf32>
    %sub3A_502 = arith.subf %add3A_501, %mul3A_497 : vector<128x2048xf32>
    %div3A_503 = arith.divf %mul3A_497, %sub3A_502 : vector<128x2048xf32>
    %gt3A_504 = arith.constant 0.699999988 : f32
    %gt3A_505 = vector.broadcast %gt3A_504 : f32 to vector<128x2048xf32>
    %gt3A_506 = arith.cmpf ogt, %div3A_503, %gt3A_505 : vector<128x2048xf32>
    %convert_element_type3A_507 = arith.extui %gt3A_506 : vector<128x2048xi1> to vector<128x2048xi32>
    %convert_element_type3A_508 = arith.sitofp %convert_element_type3A_507 : vector<128x2048xi32> to vector<128x2048xf32>
    %slice3A_509 = vector.extract_strided_slice %convert_element_type3A_508 {offsets = [0, 512], sizes = [128, 128], strides = [1, 1]} : vector<128x2048xf32> to vector<128x128xf32>
    %swap3A_510 = arith.constant 0 : index
    %swap3A_511 = arith.constant 0 : index
    %swap3A_512 = vector.load %arg7[%swap3A_510, %swap3A_511] : memref<128x128xf32, #tpu.memory_space<vmem>>, vector<128x128xf32>
    tpu.vector_store %arg7[%swap3A_510, %swap3A_511], %slice3A_509 {strides = array<i32>} : memref<128x128xf32, #tpu.memory_space<vmem>>, vector<128x128xf32>,
    %slice3A_513 = vector.extract_strided_slice %mul3A_466 {offsets = [0, 512], sizes = [1, 128], strides = [1, 1]} : vector<1x2048xf32> to vector<1x128xf32>
    %swap3A_514 = arith.constant 0 : index
    %swap3A_515 = arith.constant 0 : index
    %swap3A_516 = vector.load %arg8[%swap3A_514, %swap3A_515] : memref<1x128xf32, #tpu.memory_space<vmem>>, vector<1x128xf32>
    tpu.vector_store %arg8[%swap3A_514, %swap3A_515], %slice3A_513 {strides = array<i32>} : memref<1x128xf32, #tpu.memory_space<vmem>>, vector<1x128xf32>,
    %scan3A_517 = arith.constant 0 : i32
    %scan3A_518 = arith.constant 128 : i32
    %scan3A_519 = arith.addi %scan3A_517, %scan3A_518 : i32
    %scan3A_520 = arith.constant 1 : i32
    scf.for %scan3A_1383 = %scan3A_517 to %scan3A_519 step %scan3A_520  : i32 {
      %get3A_1384 = arith.index_cast %scan3A_1383 : i32 to index
      %get3A_1385 = arith.constant 0 : index
      %get3A_1386 = vector.load %arg7[%get3A_1384, %get3A_1385] : memref<128x128xf32, #tpu.memory_space<vmem>>, vector<1x128xf32>
      %get3A_1387 = arith.constant 0 : index
      %get3A_1388 = arith.constant 0 : index
      %get3A_1389 = vector.load %arg8[%get3A_1387, %get3A_1388] : memref<1x128xf32, #tpu.memory_space<vmem>>, vector<1x128xf32>
      %eq3A = vector.broadcast %scan3A_1383 : i32 to vector<1x128xi32>
      %eq3A_1390 = arith.cmpi eq, %iota3A_163, %eq3A : vector<1x128xi32>
      %convert_element_type3A_1391 = arith.extui %eq3A_1390 : vector<1x128xi1> to vector<1x128xi32>
      %convert_element_type3A_1392 = arith.sitofp %convert_element_type3A_1391 : vector<1x128xi32> to vector<1x128xf32>
      %mul3A_1393 = arith.mulf %get3A_1389, %convert_element_type3A_1392 : vector<1x128xf32>
      %reduce_max3A_1394 = vector.shape_cast %mul3A_1393 : vector<1x128xf32> to vector<1x1x128xf32>
      %reduce_max3A_1395 = arith.constant dense<0xFF800000> : vector<1xf32>
      %reduce_max3A_1396 = vector.multi_reduction <maximumf>, %reduce_max3A_1394, %reduce_max3A_1395 [1, 2] : vector<1x1x128xf32> to vector<1xf32>
      %reduce_max3A_1397 = vector.shape_cast %reduce_max3A_1396 : vector<1xf32> to vector<1x1x1xf32>
      %reduce_max3A_1398 = vector.extract %reduce_max3A_1397[0, 0, 0] : f32 from vector<1x1x1xf32>
      %gt3A_1399 = vector.broadcast %scan3A_1383 : i32 to vector<1x128xi32>
      %gt3A_1400 = arith.cmpi sgt, %iota3A_163, %gt3A_1399 : vector<1x128xi32>
      %convert_element_type3A_1401 = arith.extui %gt3A_1400 : vector<1x128xi1> to vector<1x128xi32>
      %convert_element_type3A_1402 = arith.sitofp %convert_element_type3A_1401 : vector<1x128xi32> to vector<1x128xf32>
      %mul3A_1403 = arith.mulf %get3A_1386, %convert_element_type3A_1402 : vector<1x128xf32>
      %mul3A_1404 = vector.broadcast %reduce_max3A_1398 : f32 to vector<1x128xf32>
      %mul3A_1405 = arith.mulf %mul3A_1403, %mul3A_1404 : vector<1x128xf32>
      %get3A_1406 = arith.constant 0 : index
      %get3A_1407 = arith.constant 0 : index
      %get3A_1408 = vector.load %arg8[%get3A_1406, %get3A_1407] : memref<1x128xf32, #tpu.memory_space<vmem>>, vector<1x128xf32>
      %sub3A_1409 = arith.constant 1.000000e+00 : f32
      %sub3A_1410 = vector.broadcast %sub3A_1409 : f32 to vector<1x128xf32>
      %sub3A_1411 = arith.subf %sub3A_1410, %mul3A_1405 : vector<1x128xf32>
      %mul3A_1412 = arith.mulf %get3A_1408, %sub3A_1411 : vector<1x128xf32>
      %swap3A_1413 = arith.constant 0 : index
      %swap3A_1414 = arith.constant 0 : index
      %swap3A_1415 = vector.load %arg8[%swap3A_1413, %swap3A_1414] : memref<1x128xf32, #tpu.memory_space<vmem>>, vector<1x128xf32>
      tpu.vector_store %arg8[%swap3A_1413, %swap3A_1414], %mul3A_1412 {strides = array<i32>} : memref<1x128xf32, #tpu.memory_space<vmem>>, vector<1x128xf32>,
    }
    %scan3A_521 = arith.constant 128 : i32
    %get3A_522 = arith.constant 0 : index
    %get3A_523 = arith.constant 0 : index
    %get3A_524 = vector.load %arg8[%get3A_522, %get3A_523] : memref<1x128xf32, #tpu.memory_space<vmem>>, vector<1x128xf32>
    %slice3A_525 = vector.extract_strided_slice %mul3A_466 {offsets = [0, 0], sizes = [1, 512], strides = [1, 1]} : vector<1x2048xf32> to vector<1x512xf32>
    %slice3A_526 = vector.extract_strided_slice %mul3A_466 {offsets = [0, 640], sizes = [1, 1408], strides = [1, 1]} : vector<1x2048xf32> to vector<1x1408xf32>
    %concatenate3A_527 = tpu.concatenate %slice3A_525, %get3A_524, %slice3A_526 in 1 : vector<1x512xf32>, vector<1x128xf32>, vector<1x1408xf32> -> vector<1x2048xf32>
    %reshape3A_528 = vector.shape_cast %get3A_524 : vector<1x128xf32> to vector<128x1xf32>
    %mul3A_529 = vector.broadcast %reshape3A_528 : vector<128x1xf32> to vector<128x2048xf32>
    %mul3A_530 = arith.mulf %convert_element_type3A_508, %mul3A_529 : vector<128x2048xf32>
    %reduce_max3A_531 = arith.constant dense<0xFF800000> : vector<2048xf32>
    %reduce_max3A_532 = vector.multi_reduction <maximumf>, %mul3A_530, %reduce_max3A_531 [0] : vector<128x2048xf32> to vector<2048xf32>
    %broadcast_in_dim3A_533 = vector.shape_cast %reduce_max3A_532 : vector<2048xf32> to vector<1x2048xf32>
    %ge3A_534 = arith.constant 640 : i32
    %ge3A_535 = vector.broadcast %ge3A_534 : i32 to vector<1x2048xi32>
    %ge3A_536 = arith.cmpi sge, %iota3A, %ge3A_535 : vector<1x2048xi32>
    %convert_element_type3A_537 = arith.extui %ge3A_536 : vector<1x2048xi1> to vector<1x2048xi32>
    %convert_element_type3A_538 = arith.sitofp %convert_element_type3A_537 : vector<1x2048xi32> to vector<1x2048xf32>
    %mul3A_539 = arith.mulf %broadcast_in_dim3A_533, %convert_element_type3A_538 : vector<1x2048xf32>
    %sub3A_540 = arith.constant 1.000000e+00 : f32
    %sub3A_541 = vector.broadcast %sub3A_540 : f32 to vector<1x2048xf32>
    %sub3A_542 = arith.subf %sub3A_541, %mul3A_539 : vector<1x2048xf32>
    %mul3A_543 = arith.mulf %concatenate3A_527, %sub3A_542 : vector<1x2048xf32>
    %slice3A_544 = vector.extract_strided_slice %reshape3A {offsets = [640, 0], sizes = [128, 1], strides = [1, 1]} : vector<2048x1xf32> to vector<128x1xf32>
    %max3A_545 = vector.broadcast %slice3A_544 : vector<128x1xf32> to vector<128x2048xf32>
    %max3A_546 = vector.broadcast %min3A_84 : vector<1x2048xf32> to vector<128x2048xf32>
    %max3A_547 = arith.maximumf %max3A_545, %max3A_546 : vector<128x2048xf32>
    %slice3A_548 = vector.extract_strided_slice %reshape3A_159 {offsets = [640, 0], sizes = [128, 1], strides = [1, 1]} : vector<2048x1xf32> to vector<128x1xf32>
    %max3A_549 = vector.broadcast %slice3A_548 : vector<128x1xf32> to vector<128x2048xf32>
    %max3A_550 = vector.broadcast %min3A_94 : vector<1x2048xf32> to vector<128x2048xf32>
    %max3A_551 = arith.maximumf %max3A_549, %max3A_550 : vector<128x2048xf32>
    %slice3A_552 = vector.extract_strided_slice %reshape3A_160 {offsets = [640, 0], sizes = [128, 1], strides = [1, 1]} : vector<2048x1xf32> to vector<128x1xf32>
    %min3A_553 = vector.broadcast %slice3A_552 : vector<128x1xf32> to vector<128x2048xf32>
    %min3A_554 = vector.broadcast %min3A_107 : vector<1x2048xf32> to vector<128x2048xf32>
    %min3A_555 = arith.minimumf %min3A_553, %min3A_554 : vector<128x2048xf32>
    %slice3A_556 = vector.extract_strided_slice %reshape3A_161 {offsets = [640, 0], sizes = [128, 1], strides = [1, 1]} : vector<2048x1xf32> to vector<128x1xf32>
    %min3A_557 = vector.broadcast %slice3A_556 : vector<128x1xf32> to vector<128x2048xf32>
    %min3A_558 = vector.broadcast %min3A_120 : vector<1x2048xf32> to vector<128x2048xf32>
    %min3A_559 = arith.minimumf %min3A_557, %min3A_558 : vector<128x2048xf32>
    %sub3A_560 = arith.subf %min3A_555, %max3A_547 : vector<128x2048xf32>
    %add3A_561 = arith.constant 1.000000e+00 : f32
    %add3A_562 = vector.broadcast %add3A_561 : f32 to vector<128x2048xf32>
    %add3A_563 = arith.addf %sub3A_560, %add3A_562 : vector<128x2048xf32>
    %max3A_564 = arith.constant 0.000000e+00 : f32
    %max3A_565 = vector.broadcast %max3A_564 : f32 to vector<128x2048xf32>
    %max3A_566 = arith.maximumf %add3A_563, %max3A_565 : vector<128x2048xf32>
    %sub3A_567 = arith.subf %min3A_559, %max3A_551 : vector<128x2048xf32>
    %add3A_568 = arith.constant 1.000000e+00 : f32
    %add3A_569 = vector.broadcast %add3A_568 : f32 to vector<128x2048xf32>
    %add3A_570 = arith.addf %sub3A_567, %add3A_569 : vector<128x2048xf32>
    %max3A_571 = arith.constant 0.000000e+00 : f32
    %max3A_572 = vector.broadcast %max3A_571 : f32 to vector<128x2048xf32>
    %max3A_573 = arith.maximumf %add3A_570, %max3A_572 : vector<128x2048xf32>
    %mul3A_574 = arith.mulf %max3A_566, %max3A_573 : vector<128x2048xf32>
    %slice3A_575 = vector.extract_strided_slice %reshape3A_162 {offsets = [640, 0], sizes = [128, 1], strides = [1, 1]} : vector<2048x1xf32> to vector<128x1xf32>
    %add3A_576 = vector.broadcast %slice3A_575 : vector<128x1xf32> to vector<128x2048xf32>
    %add3A_577 = vector.broadcast %mul3A_158 : vector<1x2048xf32> to vector<128x2048xf32>
    %add3A_578 = arith.addf %add3A_576, %add3A_577 : vector<128x2048xf32>
    %sub3A_579 = arith.subf %add3A_578, %mul3A_574 : vector<128x2048xf32>
    %div3A_580 = arith.divf %mul3A_574, %sub3A_579 : vector<128x2048xf32>
    %gt3A_581 = arith.constant 0.699999988 : f32
    %gt3A_582 = vector.broadcast %gt3A_581 : f32 to vector<128x2048xf32>
    %gt3A_583 = arith.cmpf ogt, %div3A_580, %gt3A_582 : vector<128x2048xf32>
    %convert_element_type3A_584 = arith.extui %gt3A_583 : vector<128x2048xi1> to vector<128x2048xi32>
    %convert_element_type3A_585 = arith.sitofp %convert_element_type3A_584 : vector<128x2048xi32> to vector<128x2048xf32>
    %slice3A_586 = vector.extract_strided_slice %convert_element_type3A_585 {offsets = [0, 640], sizes = [128, 128], strides = [1, 1]} : vector<128x2048xf32> to vector<128x128xf32>
    %swap3A_587 = arith.constant 0 : index
    %swap3A_588 = arith.constant 0 : index
    %swap3A_589 = vector.load %arg7[%swap3A_587, %swap3A_588] : memref<128x128xf32, #tpu.memory_space<vmem>>, vector<128x128xf32>
    tpu.vector_store %arg7[%swap3A_587, %swap3A_588], %slice3A_586 {strides = array<i32>} : memref<128x128xf32, #tpu.memory_space<vmem>>, vector<128x128xf32>,
    %slice3A_590 = vector.extract_strided_slice %mul3A_543 {offsets = [0, 640], sizes = [1, 128], strides = [1, 1]} : vector<1x2048xf32> to vector<1x128xf32>
    %swap3A_591 = arith.constant 0 : index
    %swap3A_592 = arith.constant 0 : index
    %swap3A_593 = vector.load %arg8[%swap3A_591, %swap3A_592] : memref<1x128xf32, #tpu.memory_space<vmem>>, vector<1x128xf32>
    tpu.vector_store %arg8[%swap3A_591, %swap3A_592], %slice3A_590 {strides = array<i32>} : memref<1x128xf32, #tpu.memory_space<vmem>>, vector<1x128xf32>,
    %scan3A_594 = arith.constant 0 : i32
    %scan3A_595 = arith.constant 128 : i32
    %scan3A_596 = arith.addi %scan3A_594, %scan3A_595 : i32
    %scan3A_597 = arith.constant 1 : i32
    scf.for %scan3A_1383 = %scan3A_594 to %scan3A_596 step %scan3A_597  : i32 {
      %get3A_1384 = arith.index_cast %scan3A_1383 : i32 to index
      %get3A_1385 = arith.constant 0 : index
      %get3A_1386 = vector.load %arg7[%get3A_1384, %get3A_1385] : memref<128x128xf32, #tpu.memory_space<vmem>>, vector<1x128xf32>
      %get3A_1387 = arith.constant 0 : index
      %get3A_1388 = arith.constant 0 : index
      %get3A_1389 = vector.load %arg8[%get3A_1387, %get3A_1388] : memref<1x128xf32, #tpu.memory_space<vmem>>, vector<1x128xf32>
      %eq3A = vector.broadcast %scan3A_1383 : i32 to vector<1x128xi32>
      %eq3A_1390 = arith.cmpi eq, %iota3A_163, %eq3A : vector<1x128xi32>
      %convert_element_type3A_1391 = arith.extui %eq3A_1390 : vector<1x128xi1> to vector<1x128xi32>
      %convert_element_type3A_1392 = arith.sitofp %convert_element_type3A_1391 : vector<1x128xi32> to vector<1x128xf32>
      %mul3A_1393 = arith.mulf %get3A_1389, %convert_element_type3A_1392 : vector<1x128xf32>
      %reduce_max3A_1394 = vector.shape_cast %mul3A_1393 : vector<1x128xf32> to vector<1x1x128xf32>
      %reduce_max3A_1395 = arith.constant dense<0xFF800000> : vector<1xf32>
      %reduce_max3A_1396 = vector.multi_reduction <maximumf>, %reduce_max3A_1394, %reduce_max3A_1395 [1, 2] : vector<1x1x128xf32> to vector<1xf32>
      %reduce_max3A_1397 = vector.shape_cast %reduce_max3A_1396 : vector<1xf32> to vector<1x1x1xf32>
      %reduce_max3A_1398 = vector.extract %reduce_max3A_1397[0, 0, 0] : f32 from vector<1x1x1xf32>
      %gt3A_1399 = vector.broadcast %scan3A_1383 : i32 to vector<1x128xi32>
      %gt3A_1400 = arith.cmpi sgt, %iota3A_163, %gt3A_1399 : vector<1x128xi32>
      %convert_element_type3A_1401 = arith.extui %gt3A_1400 : vector<1x128xi1> to vector<1x128xi32>
      %convert_element_type3A_1402 = arith.sitofp %convert_element_type3A_1401 : vector<1x128xi32> to vector<1x128xf32>
      %mul3A_1403 = arith.mulf %get3A_1386, %convert_element_type3A_1402 : vector<1x128xf32>
      %mul3A_1404 = vector.broadcast %reduce_max3A_1398 : f32 to vector<1x128xf32>
      %mul3A_1405 = arith.mulf %mul3A_1403, %mul3A_1404 : vector<1x128xf32>
      %get3A_1406 = arith.constant 0 : index
      %get3A_1407 = arith.constant 0 : index
      %get3A_1408 = vector.load %arg8[%get3A_1406, %get3A_1407] : memref<1x128xf32, #tpu.memory_space<vmem>>, vector<1x128xf32>
      %sub3A_1409 = arith.constant 1.000000e+00 : f32
      %sub3A_1410 = vector.broadcast %sub3A_1409 : f32 to vector<1x128xf32>
      %sub3A_1411 = arith.subf %sub3A_1410, %mul3A_1405 : vector<1x128xf32>
      %mul3A_1412 = arith.mulf %get3A_1408, %sub3A_1411 : vector<1x128xf32>
      %swap3A_1413 = arith.constant 0 : index
      %swap3A_1414 = arith.constant 0 : index
      %swap3A_1415 = vector.load %arg8[%swap3A_1413, %swap3A_1414] : memref<1x128xf32, #tpu.memory_space<vmem>>, vector<1x128xf32>
      tpu.vector_store %arg8[%swap3A_1413, %swap3A_1414], %mul3A_1412 {strides = array<i32>} : memref<1x128xf32, #tpu.memory_space<vmem>>, vector<1x128xf32>,
    }
    %scan3A_598 = arith.constant 128 : i32
    %get3A_599 = arith.constant 0 : index
    %get3A_600 = arith.constant 0 : index
    %get3A_601 = vector.load %arg8[%get3A_599, %get3A_600] : memref<1x128xf32, #tpu.memory_space<vmem>>, vector<1x128xf32>
    %slice3A_602 = vector.extract_strided_slice %mul3A_543 {offsets = [0, 0], sizes = [1, 640], strides = [1, 1]} : vector<1x2048xf32> to vector<1x640xf32>
    %slice3A_603 = vector.extract_strided_slice %mul3A_543 {offsets = [0, 768], sizes = [1, 1280], strides = [1, 1]} : vector<1x2048xf32> to vector<1x1280xf32>
    %concatenate3A_604 = tpu.concatenate %slice3A_602, %get3A_601, %slice3A_603 in 1 : vector<1x640xf32>, vector<1x128xf32>, vector<1x1280xf32> -> vector<1x2048xf32>
    %reshape3A_605 = vector.shape_cast %get3A_601 : vector<1x128xf32> to vector<128x1xf32>
    %mul3A_606 = vector.broadcast %reshape3A_605 : vector<128x1xf32> to vector<128x2048xf32>
    %mul3A_607 = arith.mulf %convert_element_type3A_585, %mul3A_606 : vector<128x2048xf32>
    %reduce_max3A_608 = arith.constant dense<0xFF800000> : vector<2048xf32>
    %reduce_max3A_609 = vector.multi_reduction <maximumf>, %mul3A_607, %reduce_max3A_608 [0] : vector<128x2048xf32> to vector<2048xf32>
    %broadcast_in_dim3A_610 = vector.shape_cast %reduce_max3A_609 : vector<2048xf32> to vector<1x2048xf32>
    %ge3A_611 = arith.constant 768 : i32
    %ge3A_612 = vector.broadcast %ge3A_611 : i32 to vector<1x2048xi32>
    %ge3A_613 = arith.cmpi sge, %iota3A, %ge3A_612 : vector<1x2048xi32>
    %convert_element_type3A_614 = arith.extui %ge3A_613 : vector<1x2048xi1> to vector<1x2048xi32>
    %convert_element_type3A_615 = arith.sitofp %convert_element_type3A_614 : vector<1x2048xi32> to vector<1x2048xf32>
    %mul3A_616 = arith.mulf %broadcast_in_dim3A_610, %convert_element_type3A_615 : vector<1x2048xf32>
    %sub3A_617 = arith.constant 1.000000e+00 : f32
    %sub3A_618 = vector.broadcast %sub3A_617 : f32 to vector<1x2048xf32>
    %sub3A_619 = arith.subf %sub3A_618, %mul3A_616 : vector<1x2048xf32>
    %mul3A_620 = arith.mulf %concatenate3A_604, %sub3A_619 : vector<1x2048xf32>
    %slice3A_621 = vector.extract_strided_slice %reshape3A {offsets = [768, 0], sizes = [128, 1], strides = [1, 1]} : vector<2048x1xf32> to vector<128x1xf32>
    %max3A_622 = vector.broadcast %slice3A_621 : vector<128x1xf32> to vector<128x2048xf32>
    %max3A_623 = vector.broadcast %min3A_84 : vector<1x2048xf32> to vector<128x2048xf32>
    %max3A_624 = arith.maximumf %max3A_622, %max3A_623 : vector<128x2048xf32>
    %slice3A_625 = vector.extract_strided_slice %reshape3A_159 {offsets = [768, 0], sizes = [128, 1], strides = [1, 1]} : vector<2048x1xf32> to vector<128x1xf32>
    %max3A_626 = vector.broadcast %slice3A_625 : vector<128x1xf32> to vector<128x2048xf32>
    %max3A_627 = vector.broadcast %min3A_94 : vector<1x2048xf32> to vector<128x2048xf32>
    %max3A_628 = arith.maximumf %max3A_626, %max3A_627 : vector<128x2048xf32>
    %slice3A_629 = vector.extract_strided_slice %reshape3A_160 {offsets = [768, 0], sizes = [128, 1], strides = [1, 1]} : vector<2048x1xf32> to vector<128x1xf32>
    %min3A_630 = vector.broadcast %slice3A_629 : vector<128x1xf32> to vector<128x2048xf32>
    %min3A_631 = vector.broadcast %min3A_107 : vector<1x2048xf32> to vector<128x2048xf32>
    %min3A_632 = arith.minimumf %min3A_630, %min3A_631 : vector<128x2048xf32>
    %slice3A_633 = vector.extract_strided_slice %reshape3A_161 {offsets = [768, 0], sizes = [128, 1], strides = [1, 1]} : vector<2048x1xf32> to vector<128x1xf32>
    %min3A_634 = vector.broadcast %slice3A_633 : vector<128x1xf32> to vector<128x2048xf32>
    %min3A_635 = vector.broadcast %min3A_120 : vector<1x2048xf32> to vector<128x2048xf32>
    %min3A_636 = arith.minimumf %min3A_634, %min3A_635 : vector<128x2048xf32>
    %sub3A_637 = arith.subf %min3A_632, %max3A_624 : vector<128x2048xf32>
    %add3A_638 = arith.constant 1.000000e+00 : f32
    %add3A_639 = vector.broadcast %add3A_638 : f32 to vector<128x2048xf32>
    %add3A_640 = arith.addf %sub3A_637, %add3A_639 : vector<128x2048xf32>
    %max3A_641 = arith.constant 0.000000e+00 : f32
    %max3A_642 = vector.broadcast %max3A_641 : f32 to vector<128x2048xf32>
    %max3A_643 = arith.maximumf %add3A_640, %max3A_642 : vector<128x2048xf32>
    %sub3A_644 = arith.subf %min3A_636, %max3A_628 : vector<128x2048xf32>
    %add3A_645 = arith.constant 1.000000e+00 : f32
    %add3A_646 = vector.broadcast %add3A_645 : f32 to vector<128x2048xf32>
    %add3A_647 = arith.addf %sub3A_644, %add3A_646 : vector<128x2048xf32>
    %max3A_648 = arith.constant 0.000000e+00 : f32
    %max3A_649 = vector.broadcast %max3A_648 : f32 to vector<128x2048xf32>
    %max3A_650 = arith.maximumf %add3A_647, %max3A_649 : vector<128x2048xf32>
    %mul3A_651 = arith.mulf %max3A_643, %max3A_650 : vector<128x2048xf32>
    %slice3A_652 = vector.extract_strided_slice %reshape3A_162 {offsets = [768, 0], sizes = [128, 1], strides = [1, 1]} : vector<2048x1xf32> to vector<128x1xf32>
    %add3A_653 = vector.broadcast %slice3A_652 : vector<128x1xf32> to vector<128x2048xf32>
    %add3A_654 = vector.broadcast %mul3A_158 : vector<1x2048xf32> to vector<128x2048xf32>
    %add3A_655 = arith.addf %add3A_653, %add3A_654 : vector<128x2048xf32>
    %sub3A_656 = arith.subf %add3A_655, %mul3A_651 : vector<128x2048xf32>
    %div3A_657 = arith.divf %mul3A_651, %sub3A_656 : vector<128x2048xf32>
    %gt3A_658 = arith.constant 0.699999988 : f32
    %gt3A_659 = vector.broadcast %gt3A_658 : f32 to vector<128x2048xf32>
    %gt3A_660 = arith.cmpf ogt, %div3A_657, %gt3A_659 : vector<128x2048xf32>
    %convert_element_type3A_661 = arith.extui %gt3A_660 : vector<128x2048xi1> to vector<128x2048xi32>
    %convert_element_type3A_662 = arith.sitofp %convert_element_type3A_661 : vector<128x2048xi32> to vector<128x2048xf32>
    %slice3A_663 = vector.extract_strided_slice %convert_element_type3A_662 {offsets = [0, 768], sizes = [128, 128], strides = [1, 1]} : vector<128x2048xf32> to vector<128x128xf32>
    %swap3A_664 = arith.constant 0 : index
    %swap3A_665 = arith.constant 0 : index
    %swap3A_666 = vector.load %arg7[%swap3A_664, %swap3A_665] : memref<128x128xf32, #tpu.memory_space<vmem>>, vector<128x128xf32>
    tpu.vector_store %arg7[%swap3A_664, %swap3A_665], %slice3A_663 {strides = array<i32>} : memref<128x128xf32, #tpu.memory_space<vmem>>, vector<128x128xf32>,
    %slice3A_667 = vector.extract_strided_slice %mul3A_620 {offsets = [0, 768], sizes = [1, 128], strides = [1, 1]} : vector<1x2048xf32> to vector<1x128xf32>
    %swap3A_668 = arith.constant 0 : index
    %swap3A_669 = arith.constant 0 : index
    %swap3A_670 = vector.load %arg8[%swap3A_668, %swap3A_669] : memref<1x128xf32, #tpu.memory_space<vmem>>, vector<1x128xf32>
    tpu.vector_store %arg8[%swap3A_668, %swap3A_669], %slice3A_667 {strides = array<i32>} : memref<1x128xf32, #tpu.memory_space<vmem>>, vector<1x128xf32>,
    %scan3A_671 = arith.constant 0 : i32
    %scan3A_672 = arith.constant 128 : i32
    %scan3A_673 = arith.addi %scan3A_671, %scan3A_672 : i32
    %scan3A_674 = arith.constant 1 : i32
    scf.for %scan3A_1383 = %scan3A_671 to %scan3A_673 step %scan3A_674  : i32 {
      %get3A_1384 = arith.index_cast %scan3A_1383 : i32 to index
      %get3A_1385 = arith.constant 0 : index
      %get3A_1386 = vector.load %arg7[%get3A_1384, %get3A_1385] : memref<128x128xf32, #tpu.memory_space<vmem>>, vector<1x128xf32>
      %get3A_1387 = arith.constant 0 : index
      %get3A_1388 = arith.constant 0 : index
      %get3A_1389 = vector.load %arg8[%get3A_1387, %get3A_1388] : memref<1x128xf32, #tpu.memory_space<vmem>>, vector<1x128xf32>
      %eq3A = vector.broadcast %scan3A_1383 : i32 to vector<1x128xi32>
      %eq3A_1390 = arith.cmpi eq, %iota3A_163, %eq3A : vector<1x128xi32>
      %convert_element_type3A_1391 = arith.extui %eq3A_1390 : vector<1x128xi1> to vector<1x128xi32>
      %convert_element_type3A_1392 = arith.sitofp %convert_element_type3A_1391 : vector<1x128xi32> to vector<1x128xf32>
      %mul3A_1393 = arith.mulf %get3A_1389, %convert_element_type3A_1392 : vector<1x128xf32>
      %reduce_max3A_1394 = vector.shape_cast %mul3A_1393 : vector<1x128xf32> to vector<1x1x128xf32>
      %reduce_max3A_1395 = arith.constant dense<0xFF800000> : vector<1xf32>
      %reduce_max3A_1396 = vector.multi_reduction <maximumf>, %reduce_max3A_1394, %reduce_max3A_1395 [1, 2] : vector<1x1x128xf32> to vector<1xf32>
      %reduce_max3A_1397 = vector.shape_cast %reduce_max3A_1396 : vector<1xf32> to vector<1x1x1xf32>
      %reduce_max3A_1398 = vector.extract %reduce_max3A_1397[0, 0, 0] : f32 from vector<1x1x1xf32>
      %gt3A_1399 = vector.broadcast %scan3A_1383 : i32 to vector<1x128xi32>
      %gt3A_1400 = arith.cmpi sgt, %iota3A_163, %gt3A_1399 : vector<1x128xi32>
      %convert_element_type3A_1401 = arith.extui %gt3A_1400 : vector<1x128xi1> to vector<1x128xi32>
      %convert_element_type3A_1402 = arith.sitofp %convert_element_type3A_1401 : vector<1x128xi32> to vector<1x128xf32>
      %mul3A_1403 = arith.mulf %get3A_1386, %convert_element_type3A_1402 : vector<1x128xf32>
      %mul3A_1404 = vector.broadcast %reduce_max3A_1398 : f32 to vector<1x128xf32>
      %mul3A_1405 = arith.mulf %mul3A_1403, %mul3A_1404 : vector<1x128xf32>
      %get3A_1406 = arith.constant 0 : index
      %get3A_1407 = arith.constant 0 : index
      %get3A_1408 = vector.load %arg8[%get3A_1406, %get3A_1407] : memref<1x128xf32, #tpu.memory_space<vmem>>, vector<1x128xf32>
      %sub3A_1409 = arith.constant 1.000000e+00 : f32
      %sub3A_1410 = vector.broadcast %sub3A_1409 : f32 to vector<1x128xf32>
      %sub3A_1411 = arith.subf %sub3A_1410, %mul3A_1405 : vector<1x128xf32>
      %mul3A_1412 = arith.mulf %get3A_1408, %sub3A_1411 : vector<1x128xf32>
      %swap3A_1413 = arith.constant 0 : index
      %swap3A_1414 = arith.constant 0 : index
      %swap3A_1415 = vector.load %arg8[%swap3A_1413, %swap3A_1414] : memref<1x128xf32, #tpu.memory_space<vmem>>, vector<1x128xf32>
      tpu.vector_store %arg8[%swap3A_1413, %swap3A_1414], %mul3A_1412 {strides = array<i32>} : memref<1x128xf32, #tpu.memory_space<vmem>>, vector<1x128xf32>,
    }
    %scan3A_675 = arith.constant 128 : i32
    %get3A_676 = arith.constant 0 : index
    %get3A_677 = arith.constant 0 : index
    %get3A_678 = vector.load %arg8[%get3A_676, %get3A_677] : memref<1x128xf32, #tpu.memory_space<vmem>>, vector<1x128xf32>
    %slice3A_679 = vector.extract_strided_slice %mul3A_620 {offsets = [0, 0], sizes = [1, 768], strides = [1, 1]} : vector<1x2048xf32> to vector<1x768xf32>
    %slice3A_680 = vector.extract_strided_slice %mul3A_620 {offsets = [0, 896], sizes = [1, 1152], strides = [1, 1]} : vector<1x2048xf32> to vector<1x1152xf32>
    %concatenate3A_681 = tpu.concatenate %slice3A_679, %get3A_678, %slice3A_680 in 1 : vector<1x768xf32>, vector<1x128xf32>, vector<1x1152xf32> -> vector<1x2048xf32>
    %reshape3A_682 = vector.shape_cast %get3A_678 : vector<1x128xf32> to vector<128x1xf32>
    %mul3A_683 = vector.broadcast %reshape3A_682 : vector<128x1xf32> to vector<128x2048xf32>
    %mul3A_684 = arith.mulf %convert_element_type3A_662, %mul3A_683 : vector<128x2048xf32>
    %reduce_max3A_685 = arith.constant dense<0xFF800000> : vector<2048xf32>
    %reduce_max3A_686 = vector.multi_reduction <maximumf>, %mul3A_684, %reduce_max3A_685 [0] : vector<128x2048xf32> to vector<2048xf32>
    %broadcast_in_dim3A_687 = vector.shape_cast %reduce_max3A_686 : vector<2048xf32> to vector<1x2048xf32>
    %ge3A_688 = arith.constant 896 : i32
    %ge3A_689 = vector.broadcast %ge3A_688 : i32 to vector<1x2048xi32>
    %ge3A_690 = arith.cmpi sge, %iota3A, %ge3A_689 : vector<1x2048xi32>
    %convert_element_type3A_691 = arith.extui %ge3A_690 : vector<1x2048xi1> to vector<1x2048xi32>
    %convert_element_type3A_692 = arith.sitofp %convert_element_type3A_691 : vector<1x2048xi32> to vector<1x2048xf32>
    %mul3A_693 = arith.mulf %broadcast_in_dim3A_687, %convert_element_type3A_692 : vector<1x2048xf32>
    %sub3A_694 = arith.constant 1.000000e+00 : f32
    %sub3A_695 = vector.broadcast %sub3A_694 : f32 to vector<1x2048xf32>
    %sub3A_696 = arith.subf %sub3A_695, %mul3A_693 : vector<1x2048xf32>
    %mul3A_697 = arith.mulf %concatenate3A_681, %sub3A_696 : vector<1x2048xf32>
    %slice3A_698 = vector.extract_strided_slice %reshape3A {offsets = [896, 0], sizes = [128, 1], strides = [1, 1]} : vector<2048x1xf32> to vector<128x1xf32>
    %max3A_699 = vector.broadcast %slice3A_698 : vector<128x1xf32> to vector<128x2048xf32>
    %max3A_700 = vector.broadcast %min3A_84 : vector<1x2048xf32> to vector<128x2048xf32>
    %max3A_701 = arith.maximumf %max3A_699, %max3A_700 : vector<128x2048xf32>
    %slice3A_702 = vector.extract_strided_slice %reshape3A_159 {offsets = [896, 0], sizes = [128, 1], strides = [1, 1]} : vector<2048x1xf32> to vector<128x1xf32>
    %max3A_703 = vector.broadcast %slice3A_702 : vector<128x1xf32> to vector<128x2048xf32>
    %max3A_704 = vector.broadcast %min3A_94 : vector<1x2048xf32> to vector<128x2048xf32>
    %max3A_705 = arith.maximumf %max3A_703, %max3A_704 : vector<128x2048xf32>
    %slice3A_706 = vector.extract_strided_slice %reshape3A_160 {offsets = [896, 0], sizes = [128, 1], strides = [1, 1]} : vector<2048x1xf32> to vector<128x1xf32>
    %min3A_707 = vector.broadcast %slice3A_706 : vector<128x1xf32> to vector<128x2048xf32>
    %min3A_708 = vector.broadcast %min3A_107 : vector<1x2048xf32> to vector<128x2048xf32>
    %min3A_709 = arith.minimumf %min3A_707, %min3A_708 : vector<128x2048xf32>
    %slice3A_710 = vector.extract_strided_slice %reshape3A_161 {offsets = [896, 0], sizes = [128, 1], strides = [1, 1]} : vector<2048x1xf32> to vector<128x1xf32>
    %min3A_711 = vector.broadcast %slice3A_710 : vector<128x1xf32> to vector<128x2048xf32>
    %min3A_712 = vector.broadcast %min3A_120 : vector<1x2048xf32> to vector<128x2048xf32>
    %min3A_713 = arith.minimumf %min3A_711, %min3A_712 : vector<128x2048xf32>
    %sub3A_714 = arith.subf %min3A_709, %max3A_701 : vector<128x2048xf32>
    %add3A_715 = arith.constant 1.000000e+00 : f32
    %add3A_716 = vector.broadcast %add3A_715 : f32 to vector<128x2048xf32>
    %add3A_717 = arith.addf %sub3A_714, %add3A_716 : vector<128x2048xf32>
    %max3A_718 = arith.constant 0.000000e+00 : f32
    %max3A_719 = vector.broadcast %max3A_718 : f32 to vector<128x2048xf32>
    %max3A_720 = arith.maximumf %add3A_717, %max3A_719 : vector<128x2048xf32>
    %sub3A_721 = arith.subf %min3A_713, %max3A_705 : vector<128x2048xf32>
    %add3A_722 = arith.constant 1.000000e+00 : f32
    %add3A_723 = vector.broadcast %add3A_722 : f32 to vector<128x2048xf32>
    %add3A_724 = arith.addf %sub3A_721, %add3A_723 : vector<128x2048xf32>
    %max3A_725 = arith.constant 0.000000e+00 : f32
    %max3A_726 = vector.broadcast %max3A_725 : f32 to vector<128x2048xf32>
    %max3A_727 = arith.maximumf %add3A_724, %max3A_726 : vector<128x2048xf32>
    %mul3A_728 = arith.mulf %max3A_720, %max3A_727 : vector<128x2048xf32>
    %slice3A_729 = vector.extract_strided_slice %reshape3A_162 {offsets = [896, 0], sizes = [128, 1], strides = [1, 1]} : vector<2048x1xf32> to vector<128x1xf32>
    %add3A_730 = vector.broadcast %slice3A_729 : vector<128x1xf32> to vector<128x2048xf32>
    %add3A_731 = vector.broadcast %mul3A_158 : vector<1x2048xf32> to vector<128x2048xf32>
    %add3A_732 = arith.addf %add3A_730, %add3A_731 : vector<128x2048xf32>
    %sub3A_733 = arith.subf %add3A_732, %mul3A_728 : vector<128x2048xf32>
    %div3A_734 = arith.divf %mul3A_728, %sub3A_733 : vector<128x2048xf32>
    %gt3A_735 = arith.constant 0.699999988 : f32
    %gt3A_736 = vector.broadcast %gt3A_735 : f32 to vector<128x2048xf32>
    %gt3A_737 = arith.cmpf ogt, %div3A_734, %gt3A_736 : vector<128x2048xf32>
    %convert_element_type3A_738 = arith.extui %gt3A_737 : vector<128x2048xi1> to vector<128x2048xi32>
    %convert_element_type3A_739 = arith.sitofp %convert_element_type3A_738 : vector<128x2048xi32> to vector<128x2048xf32>
    %slice3A_740 = vector.extract_strided_slice %convert_element_type3A_739 {offsets = [0, 896], sizes = [128, 128], strides = [1, 1]} : vector<128x2048xf32> to vector<128x128xf32>
    %swap3A_741 = arith.constant 0 : index
    %swap3A_742 = arith.constant 0 : index
    %swap3A_743 = vector.load %arg7[%swap3A_741, %swap3A_742] : memref<128x128xf32, #tpu.memory_space<vmem>>, vector<128x128xf32>
    tpu.vector_store %arg7[%swap3A_741, %swap3A_742], %slice3A_740 {strides = array<i32>} : memref<128x128xf32, #tpu.memory_space<vmem>>, vector<128x128xf32>,
    %slice3A_744 = vector.extract_strided_slice %mul3A_697 {offsets = [0, 896], sizes = [1, 128], strides = [1, 1]} : vector<1x2048xf32> to vector<1x128xf32>
    %swap3A_745 = arith.constant 0 : index
    %swap3A_746 = arith.constant 0 : index
    %swap3A_747 = vector.load %arg8[%swap3A_745, %swap3A_746] : memref<1x128xf32, #tpu.memory_space<vmem>>, vector<1x128xf32>
    tpu.vector_store %arg8[%swap3A_745, %swap3A_746], %slice3A_744 {strides = array<i32>} : memref<1x128xf32, #tpu.memory_space<vmem>>, vector<1x128xf32>,
    %scan3A_748 = arith.constant 0 : i32
    %scan3A_749 = arith.constant 128 : i32
    %scan3A_750 = arith.addi %scan3A_748, %scan3A_749 : i32
    %scan3A_751 = arith.constant 1 : i32
    scf.for %scan3A_1383 = %scan3A_748 to %scan3A_750 step %scan3A_751  : i32 {
      %get3A_1384 = arith.index_cast %scan3A_1383 : i32 to index
      %get3A_1385 = arith.constant 0 : index
      %get3A_1386 = vector.load %arg7[%get3A_1384, %get3A_1385] : memref<128x128xf32, #tpu.memory_space<vmem>>, vector<1x128xf32>
      %get3A_1387 = arith.constant 0 : index
      %get3A_1388 = arith.constant 0 : index
      %get3A_1389 = vector.load %arg8[%get3A_1387, %get3A_1388] : memref<1x128xf32, #tpu.memory_space<vmem>>, vector<1x128xf32>
      %eq3A = vector.broadcast %scan3A_1383 : i32 to vector<1x128xi32>
      %eq3A_1390 = arith.cmpi eq, %iota3A_163, %eq3A : vector<1x128xi32>
      %convert_element_type3A_1391 = arith.extui %eq3A_1390 : vector<1x128xi1> to vector<1x128xi32>
      %convert_element_type3A_1392 = arith.sitofp %convert_element_type3A_1391 : vector<1x128xi32> to vector<1x128xf32>
      %mul3A_1393 = arith.mulf %get3A_1389, %convert_element_type3A_1392 : vector<1x128xf32>
      %reduce_max3A_1394 = vector.shape_cast %mul3A_1393 : vector<1x128xf32> to vector<1x1x128xf32>
      %reduce_max3A_1395 = arith.constant dense<0xFF800000> : vector<1xf32>
      %reduce_max3A_1396 = vector.multi_reduction <maximumf>, %reduce_max3A_1394, %reduce_max3A_1395 [1, 2] : vector<1x1x128xf32> to vector<1xf32>
      %reduce_max3A_1397 = vector.shape_cast %reduce_max3A_1396 : vector<1xf32> to vector<1x1x1xf32>
      %reduce_max3A_1398 = vector.extract %reduce_max3A_1397[0, 0, 0] : f32 from vector<1x1x1xf32>
      %gt3A_1399 = vector.broadcast %scan3A_1383 : i32 to vector<1x128xi32>
      %gt3A_1400 = arith.cmpi sgt, %iota3A_163, %gt3A_1399 : vector<1x128xi32>
      %convert_element_type3A_1401 = arith.extui %gt3A_1400 : vector<1x128xi1> to vector<1x128xi32>
      %convert_element_type3A_1402 = arith.sitofp %convert_element_type3A_1401 : vector<1x128xi32> to vector<1x128xf32>
      %mul3A_1403 = arith.mulf %get3A_1386, %convert_element_type3A_1402 : vector<1x128xf32>
      %mul3A_1404 = vector.broadcast %reduce_max3A_1398 : f32 to vector<1x128xf32>
      %mul3A_1405 = arith.mulf %mul3A_1403, %mul3A_1404 : vector<1x128xf32>
      %get3A_1406 = arith.constant 0 : index
      %get3A_1407 = arith.constant 0 : index
      %get3A_1408 = vector.load %arg8[%get3A_1406, %get3A_1407] : memref<1x128xf32, #tpu.memory_space<vmem>>, vector<1x128xf32>
      %sub3A_1409 = arith.constant 1.000000e+00 : f32
      %sub3A_1410 = vector.broadcast %sub3A_1409 : f32 to vector<1x128xf32>
      %sub3A_1411 = arith.subf %sub3A_1410, %mul3A_1405 : vector<1x128xf32>
      %mul3A_1412 = arith.mulf %get3A_1408, %sub3A_1411 : vector<1x128xf32>
      %swap3A_1413 = arith.constant 0 : index
      %swap3A_1414 = arith.constant 0 : index
      %swap3A_1415 = vector.load %arg8[%swap3A_1413, %swap3A_1414] : memref<1x128xf32, #tpu.memory_space<vmem>>, vector<1x128xf32>
      tpu.vector_store %arg8[%swap3A_1413, %swap3A_1414], %mul3A_1412 {strides = array<i32>} : memref<1x128xf32, #tpu.memory_space<vmem>>, vector<1x128xf32>,
    }
    %scan3A_752 = arith.constant 128 : i32
    %get3A_753 = arith.constant 0 : index
    %get3A_754 = arith.constant 0 : index
    %get3A_755 = vector.load %arg8[%get3A_753, %get3A_754] : memref<1x128xf32, #tpu.memory_space<vmem>>, vector<1x128xf32>
    %slice3A_756 = vector.extract_strided_slice %mul3A_697 {offsets = [0, 0], sizes = [1, 896], strides = [1, 1]} : vector<1x2048xf32> to vector<1x896xf32>
    %slice3A_757 = vector.extract_strided_slice %mul3A_697 {offsets = [0, 1024], sizes = [1, 1024], strides = [1, 1]} : vector<1x2048xf32> to vector<1x1024xf32>
    %concatenate3A_758 = tpu.concatenate %slice3A_756, %get3A_755, %slice3A_757 in 1 : vector<1x896xf32>, vector<1x128xf32>, vector<1x1024xf32> -> vector<1x2048xf32>
    %reshape3A_759 = vector.shape_cast %get3A_755 : vector<1x128xf32> to vector<128x1xf32>
    %mul3A_760 = vector.broadcast %reshape3A_759 : vector<128x1xf32> to vector<128x2048xf32>
    %mul3A_761 = arith.mulf %convert_element_type3A_739, %mul3A_760 : vector<128x2048xf32>
    %reduce_max3A_762 = arith.constant dense<0xFF800000> : vector<2048xf32>
    %reduce_max3A_763 = vector.multi_reduction <maximumf>, %mul3A_761, %reduce_max3A_762 [0] : vector<128x2048xf32> to vector<2048xf32>
    %broadcast_in_dim3A_764 = vector.shape_cast %reduce_max3A_763 : vector<2048xf32> to vector<1x2048xf32>
    %ge3A_765 = arith.constant 1024 : i32
    %ge3A_766 = vector.broadcast %ge3A_765 : i32 to vector<1x2048xi32>
    %ge3A_767 = arith.cmpi sge, %iota3A, %ge3A_766 : vector<1x2048xi32>
    %convert_element_type3A_768 = arith.extui %ge3A_767 : vector<1x2048xi1> to vector<1x2048xi32>
    %convert_element_type3A_769 = arith.sitofp %convert_element_type3A_768 : vector<1x2048xi32> to vector<1x2048xf32>
    %mul3A_770 = arith.mulf %broadcast_in_dim3A_764, %convert_element_type3A_769 : vector<1x2048xf32>
    %sub3A_771 = arith.constant 1.000000e+00 : f32
    %sub3A_772 = vector.broadcast %sub3A_771 : f32 to vector<1x2048xf32>
    %sub3A_773 = arith.subf %sub3A_772, %mul3A_770 : vector<1x2048xf32>
    %mul3A_774 = arith.mulf %concatenate3A_758, %sub3A_773 : vector<1x2048xf32>
    %slice3A_775 = vector.extract_strided_slice %reshape3A {offsets = [1024, 0], sizes = [128, 1], strides = [1, 1]} : vector<2048x1xf32> to vector<128x1xf32>
    %max3A_776 = vector.broadcast %slice3A_775 : vector<128x1xf32> to vector<128x2048xf32>
    %max3A_777 = vector.broadcast %min3A_84 : vector<1x2048xf32> to vector<128x2048xf32>
    %max3A_778 = arith.maximumf %max3A_776, %max3A_777 : vector<128x2048xf32>
    %slice3A_779 = vector.extract_strided_slice %reshape3A_159 {offsets = [1024, 0], sizes = [128, 1], strides = [1, 1]} : vector<2048x1xf32> to vector<128x1xf32>
    %max3A_780 = vector.broadcast %slice3A_779 : vector<128x1xf32> to vector<128x2048xf32>
    %max3A_781 = vector.broadcast %min3A_94 : vector<1x2048xf32> to vector<128x2048xf32>
    %max3A_782 = arith.maximumf %max3A_780, %max3A_781 : vector<128x2048xf32>
    %slice3A_783 = vector.extract_strided_slice %reshape3A_160 {offsets = [1024, 0], sizes = [128, 1], strides = [1, 1]} : vector<2048x1xf32> to vector<128x1xf32>
    %min3A_784 = vector.broadcast %slice3A_783 : vector<128x1xf32> to vector<128x2048xf32>
    %min3A_785 = vector.broadcast %min3A_107 : vector<1x2048xf32> to vector<128x2048xf32>
    %min3A_786 = arith.minimumf %min3A_784, %min3A_785 : vector<128x2048xf32>
    %slice3A_787 = vector.extract_strided_slice %reshape3A_161 {offsets = [1024, 0], sizes = [128, 1], strides = [1, 1]} : vector<2048x1xf32> to vector<128x1xf32>
    %min3A_788 = vector.broadcast %slice3A_787 : vector<128x1xf32> to vector<128x2048xf32>
    %min3A_789 = vector.broadcast %min3A_120 : vector<1x2048xf32> to vector<128x2048xf32>
    %min3A_790 = arith.minimumf %min3A_788, %min3A_789 : vector<128x2048xf32>
    %sub3A_791 = arith.subf %min3A_786, %max3A_778 : vector<128x2048xf32>
    %add3A_792 = arith.constant 1.000000e+00 : f32
    %add3A_793 = vector.broadcast %add3A_792 : f32 to vector<128x2048xf32>
    %add3A_794 = arith.addf %sub3A_791, %add3A_793 : vector<128x2048xf32>
    %max3A_795 = arith.constant 0.000000e+00 : f32
    %max3A_796 = vector.broadcast %max3A_795 : f32 to vector<128x2048xf32>
    %max3A_797 = arith.maximumf %add3A_794, %max3A_796 : vector<128x2048xf32>
    %sub3A_798 = arith.subf %min3A_790, %max3A_782 : vector<128x2048xf32>
    %add3A_799 = arith.constant 1.000000e+00 : f32
    %add3A_800 = vector.broadcast %add3A_799 : f32 to vector<128x2048xf32>
    %add3A_801 = arith.addf %sub3A_798, %add3A_800 : vector<128x2048xf32>
    %max3A_802 = arith.constant 0.000000e+00 : f32
    %max3A_803 = vector.broadcast %max3A_802 : f32 to vector<128x2048xf32>
    %max3A_804 = arith.maximumf %add3A_801, %max3A_803 : vector<128x2048xf32>
    %mul3A_805 = arith.mulf %max3A_797, %max3A_804 : vector<128x2048xf32>
    %slice3A_806 = vector.extract_strided_slice %reshape3A_162 {offsets = [1024, 0], sizes = [128, 1], strides = [1, 1]} : vector<2048x1xf32> to vector<128x1xf32>
    %add3A_807 = vector.broadcast %slice3A_806 : vector<128x1xf32> to vector<128x2048xf32>
    %add3A_808 = vector.broadcast %mul3A_158 : vector<1x2048xf32> to vector<128x2048xf32>
    %add3A_809 = arith.addf %add3A_807, %add3A_808 : vector<128x2048xf32>
    %sub3A_810 = arith.subf %add3A_809, %mul3A_805 : vector<128x2048xf32>
    %div3A_811 = arith.divf %mul3A_805, %sub3A_810 : vector<128x2048xf32>
    %gt3A_812 = arith.constant 0.699999988 : f32
    %gt3A_813 = vector.broadcast %gt3A_812 : f32 to vector<128x2048xf32>
    %gt3A_814 = arith.cmpf ogt, %div3A_811, %gt3A_813 : vector<128x2048xf32>
    %convert_element_type3A_815 = arith.extui %gt3A_814 : vector<128x2048xi1> to vector<128x2048xi32>
    %convert_element_type3A_816 = arith.sitofp %convert_element_type3A_815 : vector<128x2048xi32> to vector<128x2048xf32>
    %slice3A_817 = vector.extract_strided_slice %convert_element_type3A_816 {offsets = [0, 1024], sizes = [128, 128], strides = [1, 1]} : vector<128x2048xf32> to vector<128x128xf32>
    %swap3A_818 = arith.constant 0 : index
    %swap3A_819 = arith.constant 0 : index
    %swap3A_820 = vector.load %arg7[%swap3A_818, %swap3A_819] : memref<128x128xf32, #tpu.memory_space<vmem>>, vector<128x128xf32>
    tpu.vector_store %arg7[%swap3A_818, %swap3A_819], %slice3A_817 {strides = array<i32>} : memref<128x128xf32, #tpu.memory_space<vmem>>, vector<128x128xf32>,
    %slice3A_821 = vector.extract_strided_slice %mul3A_774 {offsets = [0, 1024], sizes = [1, 128], strides = [1, 1]} : vector<1x2048xf32> to vector<1x128xf32>
    %swap3A_822 = arith.constant 0 : index
    %swap3A_823 = arith.constant 0 : index
    %swap3A_824 = vector.load %arg8[%swap3A_822, %swap3A_823] : memref<1x128xf32, #tpu.memory_space<vmem>>, vector<1x128xf32>
    tpu.vector_store %arg8[%swap3A_822, %swap3A_823], %slice3A_821 {strides = array<i32>} : memref<1x128xf32, #tpu.memory_space<vmem>>, vector<1x128xf32>,
    %scan3A_825 = arith.constant 0 : i32
    %scan3A_826 = arith.constant 128 : i32
    %scan3A_827 = arith.addi %scan3A_825, %scan3A_826 : i32
    %scan3A_828 = arith.constant 1 : i32
    scf.for %scan3A_1383 = %scan3A_825 to %scan3A_827 step %scan3A_828  : i32 {
      %get3A_1384 = arith.index_cast %scan3A_1383 : i32 to index
      %get3A_1385 = arith.constant 0 : index
      %get3A_1386 = vector.load %arg7[%get3A_1384, %get3A_1385] : memref<128x128xf32, #tpu.memory_space<vmem>>, vector<1x128xf32>
      %get3A_1387 = arith.constant 0 : index
      %get3A_1388 = arith.constant 0 : index
      %get3A_1389 = vector.load %arg8[%get3A_1387, %get3A_1388] : memref<1x128xf32, #tpu.memory_space<vmem>>, vector<1x128xf32>
      %eq3A = vector.broadcast %scan3A_1383 : i32 to vector<1x128xi32>
      %eq3A_1390 = arith.cmpi eq, %iota3A_163, %eq3A : vector<1x128xi32>
      %convert_element_type3A_1391 = arith.extui %eq3A_1390 : vector<1x128xi1> to vector<1x128xi32>
      %convert_element_type3A_1392 = arith.sitofp %convert_element_type3A_1391 : vector<1x128xi32> to vector<1x128xf32>
      %mul3A_1393 = arith.mulf %get3A_1389, %convert_element_type3A_1392 : vector<1x128xf32>
      %reduce_max3A_1394 = vector.shape_cast %mul3A_1393 : vector<1x128xf32> to vector<1x1x128xf32>
      %reduce_max3A_1395 = arith.constant dense<0xFF800000> : vector<1xf32>
      %reduce_max3A_1396 = vector.multi_reduction <maximumf>, %reduce_max3A_1394, %reduce_max3A_1395 [1, 2] : vector<1x1x128xf32> to vector<1xf32>
      %reduce_max3A_1397 = vector.shape_cast %reduce_max3A_1396 : vector<1xf32> to vector<1x1x1xf32>
      %reduce_max3A_1398 = vector.extract %reduce_max3A_1397[0, 0, 0] : f32 from vector<1x1x1xf32>
      %gt3A_1399 = vector.broadcast %scan3A_1383 : i32 to vector<1x128xi32>
      %gt3A_1400 = arith.cmpi sgt, %iota3A_163, %gt3A_1399 : vector<1x128xi32>
      %convert_element_type3A_1401 = arith.extui %gt3A_1400 : vector<1x128xi1> to vector<1x128xi32>
      %convert_element_type3A_1402 = arith.sitofp %convert_element_type3A_1401 : vector<1x128xi32> to vector<1x128xf32>
      %mul3A_1403 = arith.mulf %get3A_1386, %convert_element_type3A_1402 : vector<1x128xf32>
      %mul3A_1404 = vector.broadcast %reduce_max3A_1398 : f32 to vector<1x128xf32>
      %mul3A_1405 = arith.mulf %mul3A_1403, %mul3A_1404 : vector<1x128xf32>
      %get3A_1406 = arith.constant 0 : index
      %get3A_1407 = arith.constant 0 : index
      %get3A_1408 = vector.load %arg8[%get3A_1406, %get3A_1407] : memref<1x128xf32, #tpu.memory_space<vmem>>, vector<1x128xf32>
      %sub3A_1409 = arith.constant 1.000000e+00 : f32
      %sub3A_1410 = vector.broadcast %sub3A_1409 : f32 to vector<1x128xf32>
      %sub3A_1411 = arith.subf %sub3A_1410, %mul3A_1405 : vector<1x128xf32>
      %mul3A_1412 = arith.mulf %get3A_1408, %sub3A_1411 : vector<1x128xf32>
      %swap3A_1413 = arith.constant 0 : index
      %swap3A_1414 = arith.constant 0 : index
      %swap3A_1415 = vector.load %arg8[%swap3A_1413, %swap3A_1414] : memref<1x128xf32, #tpu.memory_space<vmem>>, vector<1x128xf32>
      tpu.vector_store %arg8[%swap3A_1413, %swap3A_1414], %mul3A_1412 {strides = array<i32>} : memref<1x128xf32, #tpu.memory_space<vmem>>, vector<1x128xf32>,
    }
    %scan3A_829 = arith.constant 128 : i32
    %get3A_830 = arith.constant 0 : index
    %get3A_831 = arith.constant 0 : index
    %get3A_832 = vector.load %arg8[%get3A_830, %get3A_831] : memref<1x128xf32, #tpu.memory_space<vmem>>, vector<1x128xf32>
    %slice3A_833 = vector.extract_strided_slice %mul3A_774 {offsets = [0, 0], sizes = [1, 1024], strides = [1, 1]} : vector<1x2048xf32> to vector<1x1024xf32>
    %slice3A_834 = vector.extract_strided_slice %mul3A_774 {offsets = [0, 1152], sizes = [1, 896], strides = [1, 1]} : vector<1x2048xf32> to vector<1x896xf32>
    %concatenate3A_835 = tpu.concatenate %slice3A_833, %get3A_832, %slice3A_834 in 1 : vector<1x1024xf32>, vector<1x128xf32>, vector<1x896xf32> -> vector<1x2048xf32>
    %reshape3A_836 = vector.shape_cast %get3A_832 : vector<1x128xf32> to vector<128x1xf32>
    %mul3A_837 = vector.broadcast %reshape3A_836 : vector<128x1xf32> to vector<128x2048xf32>
    %mul3A_838 = arith.mulf %convert_element_type3A_816, %mul3A_837 : vector<128x2048xf32>
    %reduce_max3A_839 = arith.constant dense<0xFF800000> : vector<2048xf32>
    %reduce_max3A_840 = vector.multi_reduction <maximumf>, %mul3A_838, %reduce_max3A_839 [0] : vector<128x2048xf32> to vector<2048xf32>
    %broadcast_in_dim3A_841 = vector.shape_cast %reduce_max3A_840 : vector<2048xf32> to vector<1x2048xf32>
    %ge3A_842 = arith.constant 1152 : i32
    %ge3A_843 = vector.broadcast %ge3A_842 : i32 to vector<1x2048xi32>
    %ge3A_844 = arith.cmpi sge, %iota3A, %ge3A_843 : vector<1x2048xi32>
    %convert_element_type3A_845 = arith.extui %ge3A_844 : vector<1x2048xi1> to vector<1x2048xi32>
    %convert_element_type3A_846 = arith.sitofp %convert_element_type3A_845 : vector<1x2048xi32> to vector<1x2048xf32>
    %mul3A_847 = arith.mulf %broadcast_in_dim3A_841, %convert_element_type3A_846 : vector<1x2048xf32>
    %sub3A_848 = arith.constant 1.000000e+00 : f32
    %sub3A_849 = vector.broadcast %sub3A_848 : f32 to vector<1x2048xf32>
    %sub3A_850 = arith.subf %sub3A_849, %mul3A_847 : vector<1x2048xf32>
    %mul3A_851 = arith.mulf %concatenate3A_835, %sub3A_850 : vector<1x2048xf32>
    %slice3A_852 = vector.extract_strided_slice %reshape3A {offsets = [1152, 0], sizes = [128, 1], strides = [1, 1]} : vector<2048x1xf32> to vector<128x1xf32>
    %max3A_853 = vector.broadcast %slice3A_852 : vector<128x1xf32> to vector<128x2048xf32>
    %max3A_854 = vector.broadcast %min3A_84 : vector<1x2048xf32> to vector<128x2048xf32>
    %max3A_855 = arith.maximumf %max3A_853, %max3A_854 : vector<128x2048xf32>
    %slice3A_856 = vector.extract_strided_slice %reshape3A_159 {offsets = [1152, 0], sizes = [128, 1], strides = [1, 1]} : vector<2048x1xf32> to vector<128x1xf32>
    %max3A_857 = vector.broadcast %slice3A_856 : vector<128x1xf32> to vector<128x2048xf32>
    %max3A_858 = vector.broadcast %min3A_94 : vector<1x2048xf32> to vector<128x2048xf32>
    %max3A_859 = arith.maximumf %max3A_857, %max3A_858 : vector<128x2048xf32>
    %slice3A_860 = vector.extract_strided_slice %reshape3A_160 {offsets = [1152, 0], sizes = [128, 1], strides = [1, 1]} : vector<2048x1xf32> to vector<128x1xf32>
    %min3A_861 = vector.broadcast %slice3A_860 : vector<128x1xf32> to vector<128x2048xf32>
    %min3A_862 = vector.broadcast %min3A_107 : vector<1x2048xf32> to vector<128x2048xf32>
    %min3A_863 = arith.minimumf %min3A_861, %min3A_862 : vector<128x2048xf32>
    %slice3A_864 = vector.extract_strided_slice %reshape3A_161 {offsets = [1152, 0], sizes = [128, 1], strides = [1, 1]} : vector<2048x1xf32> to vector<128x1xf32>
    %min3A_865 = vector.broadcast %slice3A_864 : vector<128x1xf32> to vector<128x2048xf32>
    %min3A_866 = vector.broadcast %min3A_120 : vector<1x2048xf32> to vector<128x2048xf32>
    %min3A_867 = arith.minimumf %min3A_865, %min3A_866 : vector<128x2048xf32>
    %sub3A_868 = arith.subf %min3A_863, %max3A_855 : vector<128x2048xf32>
    %add3A_869 = arith.constant 1.000000e+00 : f32
    %add3A_870 = vector.broadcast %add3A_869 : f32 to vector<128x2048xf32>
    %add3A_871 = arith.addf %sub3A_868, %add3A_870 : vector<128x2048xf32>
    %max3A_872 = arith.constant 0.000000e+00 : f32
    %max3A_873 = vector.broadcast %max3A_872 : f32 to vector<128x2048xf32>
    %max3A_874 = arith.maximumf %add3A_871, %max3A_873 : vector<128x2048xf32>
    %sub3A_875 = arith.subf %min3A_867, %max3A_859 : vector<128x2048xf32>
    %add3A_876 = arith.constant 1.000000e+00 : f32
    %add3A_877 = vector.broadcast %add3A_876 : f32 to vector<128x2048xf32>
    %add3A_878 = arith.addf %sub3A_875, %add3A_877 : vector<128x2048xf32>
    %max3A_879 = arith.constant 0.000000e+00 : f32
    %max3A_880 = vector.broadcast %max3A_879 : f32 to vector<128x2048xf32>
    %max3A_881 = arith.maximumf %add3A_878, %max3A_880 : vector<128x2048xf32>
    %mul3A_882 = arith.mulf %max3A_874, %max3A_881 : vector<128x2048xf32>
    %slice3A_883 = vector.extract_strided_slice %reshape3A_162 {offsets = [1152, 0], sizes = [128, 1], strides = [1, 1]} : vector<2048x1xf32> to vector<128x1xf32>
    %add3A_884 = vector.broadcast %slice3A_883 : vector<128x1xf32> to vector<128x2048xf32>
    %add3A_885 = vector.broadcast %mul3A_158 : vector<1x2048xf32> to vector<128x2048xf32>
    %add3A_886 = arith.addf %add3A_884, %add3A_885 : vector<128x2048xf32>
    %sub3A_887 = arith.subf %add3A_886, %mul3A_882 : vector<128x2048xf32>
    %div3A_888 = arith.divf %mul3A_882, %sub3A_887 : vector<128x2048xf32>
    %gt3A_889 = arith.constant 0.699999988 : f32
    %gt3A_890 = vector.broadcast %gt3A_889 : f32 to vector<128x2048xf32>
    %gt3A_891 = arith.cmpf ogt, %div3A_888, %gt3A_890 : vector<128x2048xf32>
    %convert_element_type3A_892 = arith.extui %gt3A_891 : vector<128x2048xi1> to vector<128x2048xi32>
    %convert_element_type3A_893 = arith.sitofp %convert_element_type3A_892 : vector<128x2048xi32> to vector<128x2048xf32>
    %slice3A_894 = vector.extract_strided_slice %convert_element_type3A_893 {offsets = [0, 1152], sizes = [128, 128], strides = [1, 1]} : vector<128x2048xf32> to vector<128x128xf32>
    %swap3A_895 = arith.constant 0 : index
    %swap3A_896 = arith.constant 0 : index
    %swap3A_897 = vector.load %arg7[%swap3A_895, %swap3A_896] : memref<128x128xf32, #tpu.memory_space<vmem>>, vector<128x128xf32>
    tpu.vector_store %arg7[%swap3A_895, %swap3A_896], %slice3A_894 {strides = array<i32>} : memref<128x128xf32, #tpu.memory_space<vmem>>, vector<128x128xf32>,
    %slice3A_898 = vector.extract_strided_slice %mul3A_851 {offsets = [0, 1152], sizes = [1, 128], strides = [1, 1]} : vector<1x2048xf32> to vector<1x128xf32>
    %swap3A_899 = arith.constant 0 : index
    %swap3A_900 = arith.constant 0 : index
    %swap3A_901 = vector.load %arg8[%swap3A_899, %swap3A_900] : memref<1x128xf32, #tpu.memory_space<vmem>>, vector<1x128xf32>
    tpu.vector_store %arg8[%swap3A_899, %swap3A_900], %slice3A_898 {strides = array<i32>} : memref<1x128xf32, #tpu.memory_space<vmem>>, vector<1x128xf32>,
    %scan3A_902 = arith.constant 0 : i32
    %scan3A_903 = arith.constant 128 : i32
    %scan3A_904 = arith.addi %scan3A_902, %scan3A_903 : i32
    %scan3A_905 = arith.constant 1 : i32
    scf.for %scan3A_1383 = %scan3A_902 to %scan3A_904 step %scan3A_905  : i32 {
      %get3A_1384 = arith.index_cast %scan3A_1383 : i32 to index
      %get3A_1385 = arith.constant 0 : index
      %get3A_1386 = vector.load %arg7[%get3A_1384, %get3A_1385] : memref<128x128xf32, #tpu.memory_space<vmem>>, vector<1x128xf32>
      %get3A_1387 = arith.constant 0 : index
      %get3A_1388 = arith.constant 0 : index
      %get3A_1389 = vector.load %arg8[%get3A_1387, %get3A_1388] : memref<1x128xf32, #tpu.memory_space<vmem>>, vector<1x128xf32>
      %eq3A = vector.broadcast %scan3A_1383 : i32 to vector<1x128xi32>
      %eq3A_1390 = arith.cmpi eq, %iota3A_163, %eq3A : vector<1x128xi32>
      %convert_element_type3A_1391 = arith.extui %eq3A_1390 : vector<1x128xi1> to vector<1x128xi32>
      %convert_element_type3A_1392 = arith.sitofp %convert_element_type3A_1391 : vector<1x128xi32> to vector<1x128xf32>
      %mul3A_1393 = arith.mulf %get3A_1389, %convert_element_type3A_1392 : vector<1x128xf32>
      %reduce_max3A_1394 = vector.shape_cast %mul3A_1393 : vector<1x128xf32> to vector<1x1x128xf32>
      %reduce_max3A_1395 = arith.constant dense<0xFF800000> : vector<1xf32>
      %reduce_max3A_1396 = vector.multi_reduction <maximumf>, %reduce_max3A_1394, %reduce_max3A_1395 [1, 2] : vector<1x1x128xf32> to vector<1xf32>
      %reduce_max3A_1397 = vector.shape_cast %reduce_max3A_1396 : vector<1xf32> to vector<1x1x1xf32>
      %reduce_max3A_1398 = vector.extract %reduce_max3A_1397[0, 0, 0] : f32 from vector<1x1x1xf32>
      %gt3A_1399 = vector.broadcast %scan3A_1383 : i32 to vector<1x128xi32>
      %gt3A_1400 = arith.cmpi sgt, %iota3A_163, %gt3A_1399 : vector<1x128xi32>
      %convert_element_type3A_1401 = arith.extui %gt3A_1400 : vector<1x128xi1> to vector<1x128xi32>
      %convert_element_type3A_1402 = arith.sitofp %convert_element_type3A_1401 : vector<1x128xi32> to vector<1x128xf32>
      %mul3A_1403 = arith.mulf %get3A_1386, %convert_element_type3A_1402 : vector<1x128xf32>
      %mul3A_1404 = vector.broadcast %reduce_max3A_1398 : f32 to vector<1x128xf32>
      %mul3A_1405 = arith.mulf %mul3A_1403, %mul3A_1404 : vector<1x128xf32>
      %get3A_1406 = arith.constant 0 : index
      %get3A_1407 = arith.constant 0 : index
      %get3A_1408 = vector.load %arg8[%get3A_1406, %get3A_1407] : memref<1x128xf32, #tpu.memory_space<vmem>>, vector<1x128xf32>
      %sub3A_1409 = arith.constant 1.000000e+00 : f32
      %sub3A_1410 = vector.broadcast %sub3A_1409 : f32 to vector<1x128xf32>
      %sub3A_1411 = arith.subf %sub3A_1410, %mul3A_1405 : vector<1x128xf32>
      %mul3A_1412 = arith.mulf %get3A_1408, %sub3A_1411 : vector<1x128xf32>
      %swap3A_1413 = arith.constant 0 : index
      %swap3A_1414 = arith.constant 0 : index
      %swap3A_1415 = vector.load %arg8[%swap3A_1413, %swap3A_1414] : memref<1x128xf32, #tpu.memory_space<vmem>>, vector<1x128xf32>
      tpu.vector_store %arg8[%swap3A_1413, %swap3A_1414], %mul3A_1412 {strides = array<i32>} : memref<1x128xf32, #tpu.memory_space<vmem>>, vector<1x128xf32>,
    }
    %scan3A_906 = arith.constant 128 : i32
    %get3A_907 = arith.constant 0 : index
    %get3A_908 = arith.constant 0 : index
    %get3A_909 = vector.load %arg8[%get3A_907, %get3A_908] : memref<1x128xf32, #tpu.memory_space<vmem>>, vector<1x128xf32>
    %slice3A_910 = vector.extract_strided_slice %mul3A_851 {offsets = [0, 0], sizes = [1, 1152], strides = [1, 1]} : vector<1x2048xf32> to vector<1x1152xf32>
    %slice3A_911 = vector.extract_strided_slice %mul3A_851 {offsets = [0, 1280], sizes = [1, 768], strides = [1, 1]} : vector<1x2048xf32> to vector<1x768xf32>
    %concatenate3A_912 = tpu.concatenate %slice3A_910, %get3A_909, %slice3A_911 in 1 : vector<1x1152xf32>, vector<1x128xf32>, vector<1x768xf32> -> vector<1x2048xf32>
    %reshape3A_913 = vector.shape_cast %get3A_909 : vector<1x128xf32> to vector<128x1xf32>
    %mul3A_914 = vector.broadcast %reshape3A_913 : vector<128x1xf32> to vector<128x2048xf32>
    %mul3A_915 = arith.mulf %convert_element_type3A_893, %mul3A_914 : vector<128x2048xf32>
    %reduce_max3A_916 = arith.constant dense<0xFF800000> : vector<2048xf32>
    %reduce_max3A_917 = vector.multi_reduction <maximumf>, %mul3A_915, %reduce_max3A_916 [0] : vector<128x2048xf32> to vector<2048xf32>
    %broadcast_in_dim3A_918 = vector.shape_cast %reduce_max3A_917 : vector<2048xf32> to vector<1x2048xf32>
    %ge3A_919 = arith.constant 1280 : i32
    %ge3A_920 = vector.broadcast %ge3A_919 : i32 to vector<1x2048xi32>
    %ge3A_921 = arith.cmpi sge, %iota3A, %ge3A_920 : vector<1x2048xi32>
    %convert_element_type3A_922 = arith.extui %ge3A_921 : vector<1x2048xi1> to vector<1x2048xi32>
    %convert_element_type3A_923 = arith.sitofp %convert_element_type3A_922 : vector<1x2048xi32> to vector<1x2048xf32>
    %mul3A_924 = arith.mulf %broadcast_in_dim3A_918, %convert_element_type3A_923 : vector<1x2048xf32>
    %sub3A_925 = arith.constant 1.000000e+00 : f32
    %sub3A_926 = vector.broadcast %sub3A_925 : f32 to vector<1x2048xf32>
    %sub3A_927 = arith.subf %sub3A_926, %mul3A_924 : vector<1x2048xf32>
    %mul3A_928 = arith.mulf %concatenate3A_912, %sub3A_927 : vector<1x2048xf32>
    %slice3A_929 = vector.extract_strided_slice %reshape3A {offsets = [1280, 0], sizes = [128, 1], strides = [1, 1]} : vector<2048x1xf32> to vector<128x1xf32>
    %max3A_930 = vector.broadcast %slice3A_929 : vector<128x1xf32> to vector<128x2048xf32>
    %max3A_931 = vector.broadcast %min3A_84 : vector<1x2048xf32> to vector<128x2048xf32>
    %max3A_932 = arith.maximumf %max3A_930, %max3A_931 : vector<128x2048xf32>
    %slice3A_933 = vector.extract_strided_slice %reshape3A_159 {offsets = [1280, 0], sizes = [128, 1], strides = [1, 1]} : vector<2048x1xf32> to vector<128x1xf32>
    %max3A_934 = vector.broadcast %slice3A_933 : vector<128x1xf32> to vector<128x2048xf32>
    %max3A_935 = vector.broadcast %min3A_94 : vector<1x2048xf32> to vector<128x2048xf32>
    %max3A_936 = arith.maximumf %max3A_934, %max3A_935 : vector<128x2048xf32>
    %slice3A_937 = vector.extract_strided_slice %reshape3A_160 {offsets = [1280, 0], sizes = [128, 1], strides = [1, 1]} : vector<2048x1xf32> to vector<128x1xf32>
    %min3A_938 = vector.broadcast %slice3A_937 : vector<128x1xf32> to vector<128x2048xf32>
    %min3A_939 = vector.broadcast %min3A_107 : vector<1x2048xf32> to vector<128x2048xf32>
    %min3A_940 = arith.minimumf %min3A_938, %min3A_939 : vector<128x2048xf32>
    %slice3A_941 = vector.extract_strided_slice %reshape3A_161 {offsets = [1280, 0], sizes = [128, 1], strides = [1, 1]} : vector<2048x1xf32> to vector<128x1xf32>
    %min3A_942 = vector.broadcast %slice3A_941 : vector<128x1xf32> to vector<128x2048xf32>
    %min3A_943 = vector.broadcast %min3A_120 : vector<1x2048xf32> to vector<128x2048xf32>
    %min3A_944 = arith.minimumf %min3A_942, %min3A_943 : vector<128x2048xf32>
    %sub3A_945 = arith.subf %min3A_940, %max3A_932 : vector<128x2048xf32>
    %add3A_946 = arith.constant 1.000000e+00 : f32
    %add3A_947 = vector.broadcast %add3A_946 : f32 to vector<128x2048xf32>
    %add3A_948 = arith.addf %sub3A_945, %add3A_947 : vector<128x2048xf32>
    %max3A_949 = arith.constant 0.000000e+00 : f32
    %max3A_950 = vector.broadcast %max3A_949 : f32 to vector<128x2048xf32>
    %max3A_951 = arith.maximumf %add3A_948, %max3A_950 : vector<128x2048xf32>
    %sub3A_952 = arith.subf %min3A_944, %max3A_936 : vector<128x2048xf32>
    %add3A_953 = arith.constant 1.000000e+00 : f32
    %add3A_954 = vector.broadcast %add3A_953 : f32 to vector<128x2048xf32>
    %add3A_955 = arith.addf %sub3A_952, %add3A_954 : vector<128x2048xf32>
    %max3A_956 = arith.constant 0.000000e+00 : f32
    %max3A_957 = vector.broadcast %max3A_956 : f32 to vector<128x2048xf32>
    %max3A_958 = arith.maximumf %add3A_955, %max3A_957 : vector<128x2048xf32>
    %mul3A_959 = arith.mulf %max3A_951, %max3A_958 : vector<128x2048xf32>
    %slice3A_960 = vector.extract_strided_slice %reshape3A_162 {offsets = [1280, 0], sizes = [128, 1], strides = [1, 1]} : vector<2048x1xf32> to vector<128x1xf32>
    %add3A_961 = vector.broadcast %slice3A_960 : vector<128x1xf32> to vector<128x2048xf32>
    %add3A_962 = vector.broadcast %mul3A_158 : vector<1x2048xf32> to vector<128x2048xf32>
    %add3A_963 = arith.addf %add3A_961, %add3A_962 : vector<128x2048xf32>
    %sub3A_964 = arith.subf %add3A_963, %mul3A_959 : vector<128x2048xf32>
    %div3A_965 = arith.divf %mul3A_959, %sub3A_964 : vector<128x2048xf32>
    %gt3A_966 = arith.constant 0.699999988 : f32
    %gt3A_967 = vector.broadcast %gt3A_966 : f32 to vector<128x2048xf32>
    %gt3A_968 = arith.cmpf ogt, %div3A_965, %gt3A_967 : vector<128x2048xf32>
    %convert_element_type3A_969 = arith.extui %gt3A_968 : vector<128x2048xi1> to vector<128x2048xi32>
    %convert_element_type3A_970 = arith.sitofp %convert_element_type3A_969 : vector<128x2048xi32> to vector<128x2048xf32>
    %slice3A_971 = vector.extract_strided_slice %convert_element_type3A_970 {offsets = [0, 1280], sizes = [128, 128], strides = [1, 1]} : vector<128x2048xf32> to vector<128x128xf32>
    %swap3A_972 = arith.constant 0 : index
    %swap3A_973 = arith.constant 0 : index
    %swap3A_974 = vector.load %arg7[%swap3A_972, %swap3A_973] : memref<128x128xf32, #tpu.memory_space<vmem>>, vector<128x128xf32>
    tpu.vector_store %arg7[%swap3A_972, %swap3A_973], %slice3A_971 {strides = array<i32>} : memref<128x128xf32, #tpu.memory_space<vmem>>, vector<128x128xf32>,
    %slice3A_975 = vector.extract_strided_slice %mul3A_928 {offsets = [0, 1280], sizes = [1, 128], strides = [1, 1]} : vector<1x2048xf32> to vector<1x128xf32>
    %swap3A_976 = arith.constant 0 : index
    %swap3A_977 = arith.constant 0 : index
    %swap3A_978 = vector.load %arg8[%swap3A_976, %swap3A_977] : memref<1x128xf32, #tpu.memory_space<vmem>>, vector<1x128xf32>
    tpu.vector_store %arg8[%swap3A_976, %swap3A_977], %slice3A_975 {strides = array<i32>} : memref<1x128xf32, #tpu.memory_space<vmem>>, vector<1x128xf32>,
    %scan3A_979 = arith.constant 0 : i32
    %scan3A_980 = arith.constant 128 : i32
    %scan3A_981 = arith.addi %scan3A_979, %scan3A_980 : i32
    %scan3A_982 = arith.constant 1 : i32
    scf.for %scan3A_1383 = %scan3A_979 to %scan3A_981 step %scan3A_982  : i32 {
      %get3A_1384 = arith.index_cast %scan3A_1383 : i32 to index
      %get3A_1385 = arith.constant 0 : index
      %get3A_1386 = vector.load %arg7[%get3A_1384, %get3A_1385] : memref<128x128xf32, #tpu.memory_space<vmem>>, vector<1x128xf32>
      %get3A_1387 = arith.constant 0 : index
      %get3A_1388 = arith.constant 0 : index
      %get3A_1389 = vector.load %arg8[%get3A_1387, %get3A_1388] : memref<1x128xf32, #tpu.memory_space<vmem>>, vector<1x128xf32>
      %eq3A = vector.broadcast %scan3A_1383 : i32 to vector<1x128xi32>
      %eq3A_1390 = arith.cmpi eq, %iota3A_163, %eq3A : vector<1x128xi32>
      %convert_element_type3A_1391 = arith.extui %eq3A_1390 : vector<1x128xi1> to vector<1x128xi32>
      %convert_element_type3A_1392 = arith.sitofp %convert_element_type3A_1391 : vector<1x128xi32> to vector<1x128xf32>
      %mul3A_1393 = arith.mulf %get3A_1389, %convert_element_type3A_1392 : vector<1x128xf32>
      %reduce_max3A_1394 = vector.shape_cast %mul3A_1393 : vector<1x128xf32> to vector<1x1x128xf32>
      %reduce_max3A_1395 = arith.constant dense<0xFF800000> : vector<1xf32>
      %reduce_max3A_1396 = vector.multi_reduction <maximumf>, %reduce_max3A_1394, %reduce_max3A_1395 [1, 2] : vector<1x1x128xf32> to vector<1xf32>
      %reduce_max3A_1397 = vector.shape_cast %reduce_max3A_1396 : vector<1xf32> to vector<1x1x1xf32>
      %reduce_max3A_1398 = vector.extract %reduce_max3A_1397[0, 0, 0] : f32 from vector<1x1x1xf32>
      %gt3A_1399 = vector.broadcast %scan3A_1383 : i32 to vector<1x128xi32>
      %gt3A_1400 = arith.cmpi sgt, %iota3A_163, %gt3A_1399 : vector<1x128xi32>
      %convert_element_type3A_1401 = arith.extui %gt3A_1400 : vector<1x128xi1> to vector<1x128xi32>
      %convert_element_type3A_1402 = arith.sitofp %convert_element_type3A_1401 : vector<1x128xi32> to vector<1x128xf32>
      %mul3A_1403 = arith.mulf %get3A_1386, %convert_element_type3A_1402 : vector<1x128xf32>
      %mul3A_1404 = vector.broadcast %reduce_max3A_1398 : f32 to vector<1x128xf32>
      %mul3A_1405 = arith.mulf %mul3A_1403, %mul3A_1404 : vector<1x128xf32>
      %get3A_1406 = arith.constant 0 : index
      %get3A_1407 = arith.constant 0 : index
      %get3A_1408 = vector.load %arg8[%get3A_1406, %get3A_1407] : memref<1x128xf32, #tpu.memory_space<vmem>>, vector<1x128xf32>
      %sub3A_1409 = arith.constant 1.000000e+00 : f32
      %sub3A_1410 = vector.broadcast %sub3A_1409 : f32 to vector<1x128xf32>
      %sub3A_1411 = arith.subf %sub3A_1410, %mul3A_1405 : vector<1x128xf32>
      %mul3A_1412 = arith.mulf %get3A_1408, %sub3A_1411 : vector<1x128xf32>
      %swap3A_1413 = arith.constant 0 : index
      %swap3A_1414 = arith.constant 0 : index
      %swap3A_1415 = vector.load %arg8[%swap3A_1413, %swap3A_1414] : memref<1x128xf32, #tpu.memory_space<vmem>>, vector<1x128xf32>
      tpu.vector_store %arg8[%swap3A_1413, %swap3A_1414], %mul3A_1412 {strides = array<i32>} : memref<1x128xf32, #tpu.memory_space<vmem>>, vector<1x128xf32>,
    }
    %scan3A_983 = arith.constant 128 : i32
    %get3A_984 = arith.constant 0 : index
    %get3A_985 = arith.constant 0 : index
    %get3A_986 = vector.load %arg8[%get3A_984, %get3A_985] : memref<1x128xf32, #tpu.memory_space<vmem>>, vector<1x128xf32>
    %slice3A_987 = vector.extract_strided_slice %mul3A_928 {offsets = [0, 0], sizes = [1, 1280], strides = [1, 1]} : vector<1x2048xf32> to vector<1x1280xf32>
    %slice3A_988 = vector.extract_strided_slice %mul3A_928 {offsets = [0, 1408], sizes = [1, 640], strides = [1, 1]} : vector<1x2048xf32> to vector<1x640xf32>
    %concatenate3A_989 = tpu.concatenate %slice3A_987, %get3A_986, %slice3A_988 in 1 : vector<1x1280xf32>, vector<1x128xf32>, vector<1x640xf32> -> vector<1x2048xf32>
    %reshape3A_990 = vector.shape_cast %get3A_986 : vector<1x128xf32> to vector<128x1xf32>
    %mul3A_991 = vector.broadcast %reshape3A_990 : vector<128x1xf32> to vector<128x2048xf32>
    %mul3A_992 = arith.mulf %convert_element_type3A_970, %mul3A_991 : vector<128x2048xf32>
    %reduce_max3A_993 = arith.constant dense<0xFF800000> : vector<2048xf32>
    %reduce_max3A_994 = vector.multi_reduction <maximumf>, %mul3A_992, %reduce_max3A_993 [0] : vector<128x2048xf32> to vector<2048xf32>
    %broadcast_in_dim3A_995 = vector.shape_cast %reduce_max3A_994 : vector<2048xf32> to vector<1x2048xf32>
    %ge3A_996 = arith.constant 1408 : i32
    %ge3A_997 = vector.broadcast %ge3A_996 : i32 to vector<1x2048xi32>
    %ge3A_998 = arith.cmpi sge, %iota3A, %ge3A_997 : vector<1x2048xi32>
    %convert_element_type3A_999 = arith.extui %ge3A_998 : vector<1x2048xi1> to vector<1x2048xi32>
    %convert_element_type3A_1000 = arith.sitofp %convert_element_type3A_999 : vector<1x2048xi32> to vector<1x2048xf32>
    %mul3A_1001 = arith.mulf %broadcast_in_dim3A_995, %convert_element_type3A_1000 : vector<1x2048xf32>
    %sub3A_1002 = arith.constant 1.000000e+00 : f32
    %sub3A_1003 = vector.broadcast %sub3A_1002 : f32 to vector<1x2048xf32>
    %sub3A_1004 = arith.subf %sub3A_1003, %mul3A_1001 : vector<1x2048xf32>
    %mul3A_1005 = arith.mulf %concatenate3A_989, %sub3A_1004 : vector<1x2048xf32>
    %slice3A_1006 = vector.extract_strided_slice %reshape3A {offsets = [1408, 0], sizes = [128, 1], strides = [1, 1]} : vector<2048x1xf32> to vector<128x1xf32>
    %max3A_1007 = vector.broadcast %slice3A_1006 : vector<128x1xf32> to vector<128x2048xf32>
    %max3A_1008 = vector.broadcast %min3A_84 : vector<1x2048xf32> to vector<128x2048xf32>
    %max3A_1009 = arith.maximumf %max3A_1007, %max3A_1008 : vector<128x2048xf32>
    %slice3A_1010 = vector.extract_strided_slice %reshape3A_159 {offsets = [1408, 0], sizes = [128, 1], strides = [1, 1]} : vector<2048x1xf32> to vector<128x1xf32>
    %max3A_1011 = vector.broadcast %slice3A_1010 : vector<128x1xf32> to vector<128x2048xf32>
    %max3A_1012 = vector.broadcast %min3A_94 : vector<1x2048xf32> to vector<128x2048xf32>
    %max3A_1013 = arith.maximumf %max3A_1011, %max3A_1012 : vector<128x2048xf32>
    %slice3A_1014 = vector.extract_strided_slice %reshape3A_160 {offsets = [1408, 0], sizes = [128, 1], strides = [1, 1]} : vector<2048x1xf32> to vector<128x1xf32>
    %min3A_1015 = vector.broadcast %slice3A_1014 : vector<128x1xf32> to vector<128x2048xf32>
    %min3A_1016 = vector.broadcast %min3A_107 : vector<1x2048xf32> to vector<128x2048xf32>
    %min3A_1017 = arith.minimumf %min3A_1015, %min3A_1016 : vector<128x2048xf32>
    %slice3A_1018 = vector.extract_strided_slice %reshape3A_161 {offsets = [1408, 0], sizes = [128, 1], strides = [1, 1]} : vector<2048x1xf32> to vector<128x1xf32>
    %min3A_1019 = vector.broadcast %slice3A_1018 : vector<128x1xf32> to vector<128x2048xf32>
    %min3A_1020 = vector.broadcast %min3A_120 : vector<1x2048xf32> to vector<128x2048xf32>
    %min3A_1021 = arith.minimumf %min3A_1019, %min3A_1020 : vector<128x2048xf32>
    %sub3A_1022 = arith.subf %min3A_1017, %max3A_1009 : vector<128x2048xf32>
    %add3A_1023 = arith.constant 1.000000e+00 : f32
    %add3A_1024 = vector.broadcast %add3A_1023 : f32 to vector<128x2048xf32>
    %add3A_1025 = arith.addf %sub3A_1022, %add3A_1024 : vector<128x2048xf32>
    %max3A_1026 = arith.constant 0.000000e+00 : f32
    %max3A_1027 = vector.broadcast %max3A_1026 : f32 to vector<128x2048xf32>
    %max3A_1028 = arith.maximumf %add3A_1025, %max3A_1027 : vector<128x2048xf32>
    %sub3A_1029 = arith.subf %min3A_1021, %max3A_1013 : vector<128x2048xf32>
    %add3A_1030 = arith.constant 1.000000e+00 : f32
    %add3A_1031 = vector.broadcast %add3A_1030 : f32 to vector<128x2048xf32>
    %add3A_1032 = arith.addf %sub3A_1029, %add3A_1031 : vector<128x2048xf32>
    %max3A_1033 = arith.constant 0.000000e+00 : f32
    %max3A_1034 = vector.broadcast %max3A_1033 : f32 to vector<128x2048xf32>
    %max3A_1035 = arith.maximumf %add3A_1032, %max3A_1034 : vector<128x2048xf32>
    %mul3A_1036 = arith.mulf %max3A_1028, %max3A_1035 : vector<128x2048xf32>
    %slice3A_1037 = vector.extract_strided_slice %reshape3A_162 {offsets = [1408, 0], sizes = [128, 1], strides = [1, 1]} : vector<2048x1xf32> to vector<128x1xf32>
    %add3A_1038 = vector.broadcast %slice3A_1037 : vector<128x1xf32> to vector<128x2048xf32>
    %add3A_1039 = vector.broadcast %mul3A_158 : vector<1x2048xf32> to vector<128x2048xf32>
    %add3A_1040 = arith.addf %add3A_1038, %add3A_1039 : vector<128x2048xf32>
    %sub3A_1041 = arith.subf %add3A_1040, %mul3A_1036 : vector<128x2048xf32>
    %div3A_1042 = arith.divf %mul3A_1036, %sub3A_1041 : vector<128x2048xf32>
    %gt3A_1043 = arith.constant 0.699999988 : f32
    %gt3A_1044 = vector.broadcast %gt3A_1043 : f32 to vector<128x2048xf32>
    %gt3A_1045 = arith.cmpf ogt, %div3A_1042, %gt3A_1044 : vector<128x2048xf32>
    %convert_element_type3A_1046 = arith.extui %gt3A_1045 : vector<128x2048xi1> to vector<128x2048xi32>
    %convert_element_type3A_1047 = arith.sitofp %convert_element_type3A_1046 : vector<128x2048xi32> to vector<128x2048xf32>
    %slice3A_1048 = vector.extract_strided_slice %convert_element_type3A_1047 {offsets = [0, 1408], sizes = [128, 128], strides = [1, 1]} : vector<128x2048xf32> to vector<128x128xf32>
    %swap3A_1049 = arith.constant 0 : index
    %swap3A_1050 = arith.constant 0 : index
    %swap3A_1051 = vector.load %arg7[%swap3A_1049, %swap3A_1050] : memref<128x128xf32, #tpu.memory_space<vmem>>, vector<128x128xf32>
    tpu.vector_store %arg7[%swap3A_1049, %swap3A_1050], %slice3A_1048 {strides = array<i32>} : memref<128x128xf32, #tpu.memory_space<vmem>>, vector<128x128xf32>,
    %slice3A_1052 = vector.extract_strided_slice %mul3A_1005 {offsets = [0, 1408], sizes = [1, 128], strides = [1, 1]} : vector<1x2048xf32> to vector<1x128xf32>
    %swap3A_1053 = arith.constant 0 : index
    %swap3A_1054 = arith.constant 0 : index
    %swap3A_1055 = vector.load %arg8[%swap3A_1053, %swap3A_1054] : memref<1x128xf32, #tpu.memory_space<vmem>>, vector<1x128xf32>
    tpu.vector_store %arg8[%swap3A_1053, %swap3A_1054], %slice3A_1052 {strides = array<i32>} : memref<1x128xf32, #tpu.memory_space<vmem>>, vector<1x128xf32>,
    %scan3A_1056 = arith.constant 0 : i32
    %scan3A_1057 = arith.constant 128 : i32
    %scan3A_1058 = arith.addi %scan3A_1056, %scan3A_1057 : i32
    %scan3A_1059 = arith.constant 1 : i32
    scf.for %scan3A_1383 = %scan3A_1056 to %scan3A_1058 step %scan3A_1059  : i32 {
      %get3A_1384 = arith.index_cast %scan3A_1383 : i32 to index
      %get3A_1385 = arith.constant 0 : index
      %get3A_1386 = vector.load %arg7[%get3A_1384, %get3A_1385] : memref<128x128xf32, #tpu.memory_space<vmem>>, vector<1x128xf32>
      %get3A_1387 = arith.constant 0 : index
      %get3A_1388 = arith.constant 0 : index
      %get3A_1389 = vector.load %arg8[%get3A_1387, %get3A_1388] : memref<1x128xf32, #tpu.memory_space<vmem>>, vector<1x128xf32>
      %eq3A = vector.broadcast %scan3A_1383 : i32 to vector<1x128xi32>
      %eq3A_1390 = arith.cmpi eq, %iota3A_163, %eq3A : vector<1x128xi32>
      %convert_element_type3A_1391 = arith.extui %eq3A_1390 : vector<1x128xi1> to vector<1x128xi32>
      %convert_element_type3A_1392 = arith.sitofp %convert_element_type3A_1391 : vector<1x128xi32> to vector<1x128xf32>
      %mul3A_1393 = arith.mulf %get3A_1389, %convert_element_type3A_1392 : vector<1x128xf32>
      %reduce_max3A_1394 = vector.shape_cast %mul3A_1393 : vector<1x128xf32> to vector<1x1x128xf32>
      %reduce_max3A_1395 = arith.constant dense<0xFF800000> : vector<1xf32>
      %reduce_max3A_1396 = vector.multi_reduction <maximumf>, %reduce_max3A_1394, %reduce_max3A_1395 [1, 2] : vector<1x1x128xf32> to vector<1xf32>
      %reduce_max3A_1397 = vector.shape_cast %reduce_max3A_1396 : vector<1xf32> to vector<1x1x1xf32>
      %reduce_max3A_1398 = vector.extract %reduce_max3A_1397[0, 0, 0] : f32 from vector<1x1x1xf32>
      %gt3A_1399 = vector.broadcast %scan3A_1383 : i32 to vector<1x128xi32>
      %gt3A_1400 = arith.cmpi sgt, %iota3A_163, %gt3A_1399 : vector<1x128xi32>
      %convert_element_type3A_1401 = arith.extui %gt3A_1400 : vector<1x128xi1> to vector<1x128xi32>
      %convert_element_type3A_1402 = arith.sitofp %convert_element_type3A_1401 : vector<1x128xi32> to vector<1x128xf32>
      %mul3A_1403 = arith.mulf %get3A_1386, %convert_element_type3A_1402 : vector<1x128xf32>
      %mul3A_1404 = vector.broadcast %reduce_max3A_1398 : f32 to vector<1x128xf32>
      %mul3A_1405 = arith.mulf %mul3A_1403, %mul3A_1404 : vector<1x128xf32>
      %get3A_1406 = arith.constant 0 : index
      %get3A_1407 = arith.constant 0 : index
      %get3A_1408 = vector.load %arg8[%get3A_1406, %get3A_1407] : memref<1x128xf32, #tpu.memory_space<vmem>>, vector<1x128xf32>
      %sub3A_1409 = arith.constant 1.000000e+00 : f32
      %sub3A_1410 = vector.broadcast %sub3A_1409 : f32 to vector<1x128xf32>
      %sub3A_1411 = arith.subf %sub3A_1410, %mul3A_1405 : vector<1x128xf32>
      %mul3A_1412 = arith.mulf %get3A_1408, %sub3A_1411 : vector<1x128xf32>
      %swap3A_1413 = arith.constant 0 : index
      %swap3A_1414 = arith.constant 0 : index
      %swap3A_1415 = vector.load %arg8[%swap3A_1413, %swap3A_1414] : memref<1x128xf32, #tpu.memory_space<vmem>>, vector<1x128xf32>
      tpu.vector_store %arg8[%swap3A_1413, %swap3A_1414], %mul3A_1412 {strides = array<i32>} : memref<1x128xf32, #tpu.memory_space<vmem>>, vector<1x128xf32>,
    }
    %scan3A_1060 = arith.constant 128 : i32
    %get3A_1061 = arith.constant 0 : index
    %get3A_1062 = arith.constant 0 : index
    %get3A_1063 = vector.load %arg8[%get3A_1061, %get3A_1062] : memref<1x128xf32, #tpu.memory_space<vmem>>, vector<1x128xf32>
    %slice3A_1064 = vector.extract_strided_slice %mul3A_1005 {offsets = [0, 0], sizes = [1, 1408], strides = [1, 1]} : vector<1x2048xf32> to vector<1x1408xf32>
    %slice3A_1065 = vector.extract_strided_slice %mul3A_1005 {offsets = [0, 1536], sizes = [1, 512], strides = [1, 1]} : vector<1x2048xf32> to vector<1x512xf32>
    %concatenate3A_1066 = tpu.concatenate %slice3A_1064, %get3A_1063, %slice3A_1065 in 1 : vector<1x1408xf32>, vector<1x128xf32>, vector<1x512xf32> -> vector<1x2048xf32>
    %reshape3A_1067 = vector.shape_cast %get3A_1063 : vector<1x128xf32> to vector<128x1xf32>
    %mul3A_1068 = vector.broadcast %reshape3A_1067 : vector<128x1xf32> to vector<128x2048xf32>
    %mul3A_1069 = arith.mulf %convert_element_type3A_1047, %mul3A_1068 : vector<128x2048xf32>
    %reduce_max3A_1070 = arith.constant dense<0xFF800000> : vector<2048xf32>
    %reduce_max3A_1071 = vector.multi_reduction <maximumf>, %mul3A_1069, %reduce_max3A_1070 [0] : vector<128x2048xf32> to vector<2048xf32>
    %broadcast_in_dim3A_1072 = vector.shape_cast %reduce_max3A_1071 : vector<2048xf32> to vector<1x2048xf32>
    %ge3A_1073 = arith.constant 1536 : i32
    %ge3A_1074 = vector.broadcast %ge3A_1073 : i32 to vector<1x2048xi32>
    %ge3A_1075 = arith.cmpi sge, %iota3A, %ge3A_1074 : vector<1x2048xi32>
    %convert_element_type3A_1076 = arith.extui %ge3A_1075 : vector<1x2048xi1> to vector<1x2048xi32>
    %convert_element_type3A_1077 = arith.sitofp %convert_element_type3A_1076 : vector<1x2048xi32> to vector<1x2048xf32>
    %mul3A_1078 = arith.mulf %broadcast_in_dim3A_1072, %convert_element_type3A_1077 : vector<1x2048xf32>
    %sub3A_1079 = arith.constant 1.000000e+00 : f32
    %sub3A_1080 = vector.broadcast %sub3A_1079 : f32 to vector<1x2048xf32>
    %sub3A_1081 = arith.subf %sub3A_1080, %mul3A_1078 : vector<1x2048xf32>
    %mul3A_1082 = arith.mulf %concatenate3A_1066, %sub3A_1081 : vector<1x2048xf32>
    %slice3A_1083 = vector.extract_strided_slice %reshape3A {offsets = [1536, 0], sizes = [128, 1], strides = [1, 1]} : vector<2048x1xf32> to vector<128x1xf32>
    %max3A_1084 = vector.broadcast %slice3A_1083 : vector<128x1xf32> to vector<128x2048xf32>
    %max3A_1085 = vector.broadcast %min3A_84 : vector<1x2048xf32> to vector<128x2048xf32>
    %max3A_1086 = arith.maximumf %max3A_1084, %max3A_1085 : vector<128x2048xf32>
    %slice3A_1087 = vector.extract_strided_slice %reshape3A_159 {offsets = [1536, 0], sizes = [128, 1], strides = [1, 1]} : vector<2048x1xf32> to vector<128x1xf32>
    %max3A_1088 = vector.broadcast %slice3A_1087 : vector<128x1xf32> to vector<128x2048xf32>
    %max3A_1089 = vector.broadcast %min3A_94 : vector<1x2048xf32> to vector<128x2048xf32>
    %max3A_1090 = arith.maximumf %max3A_1088, %max3A_1089 : vector<128x2048xf32>
    %slice3A_1091 = vector.extract_strided_slice %reshape3A_160 {offsets = [1536, 0], sizes = [128, 1], strides = [1, 1]} : vector<2048x1xf32> to vector<128x1xf32>
    %min3A_1092 = vector.broadcast %slice3A_1091 : vector<128x1xf32> to vector<128x2048xf32>
    %min3A_1093 = vector.broadcast %min3A_107 : vector<1x2048xf32> to vector<128x2048xf32>
    %min3A_1094 = arith.minimumf %min3A_1092, %min3A_1093 : vector<128x2048xf32>
    %slice3A_1095 = vector.extract_strided_slice %reshape3A_161 {offsets = [1536, 0], sizes = [128, 1], strides = [1, 1]} : vector<2048x1xf32> to vector<128x1xf32>
    %min3A_1096 = vector.broadcast %slice3A_1095 : vector<128x1xf32> to vector<128x2048xf32>
    %min3A_1097 = vector.broadcast %min3A_120 : vector<1x2048xf32> to vector<128x2048xf32>
    %min3A_1098 = arith.minimumf %min3A_1096, %min3A_1097 : vector<128x2048xf32>
    %sub3A_1099 = arith.subf %min3A_1094, %max3A_1086 : vector<128x2048xf32>
    %add3A_1100 = arith.constant 1.000000e+00 : f32
    %add3A_1101 = vector.broadcast %add3A_1100 : f32 to vector<128x2048xf32>
    %add3A_1102 = arith.addf %sub3A_1099, %add3A_1101 : vector<128x2048xf32>
    %max3A_1103 = arith.constant 0.000000e+00 : f32
    %max3A_1104 = vector.broadcast %max3A_1103 : f32 to vector<128x2048xf32>
    %max3A_1105 = arith.maximumf %add3A_1102, %max3A_1104 : vector<128x2048xf32>
    %sub3A_1106 = arith.subf %min3A_1098, %max3A_1090 : vector<128x2048xf32>
    %add3A_1107 = arith.constant 1.000000e+00 : f32
    %add3A_1108 = vector.broadcast %add3A_1107 : f32 to vector<128x2048xf32>
    %add3A_1109 = arith.addf %sub3A_1106, %add3A_1108 : vector<128x2048xf32>
    %max3A_1110 = arith.constant 0.000000e+00 : f32
    %max3A_1111 = vector.broadcast %max3A_1110 : f32 to vector<128x2048xf32>
    %max3A_1112 = arith.maximumf %add3A_1109, %max3A_1111 : vector<128x2048xf32>
    %mul3A_1113 = arith.mulf %max3A_1105, %max3A_1112 : vector<128x2048xf32>
    %slice3A_1114 = vector.extract_strided_slice %reshape3A_162 {offsets = [1536, 0], sizes = [128, 1], strides = [1, 1]} : vector<2048x1xf32> to vector<128x1xf32>
    %add3A_1115 = vector.broadcast %slice3A_1114 : vector<128x1xf32> to vector<128x2048xf32>
    %add3A_1116 = vector.broadcast %mul3A_158 : vector<1x2048xf32> to vector<128x2048xf32>
    %add3A_1117 = arith.addf %add3A_1115, %add3A_1116 : vector<128x2048xf32>
    %sub3A_1118 = arith.subf %add3A_1117, %mul3A_1113 : vector<128x2048xf32>
    %div3A_1119 = arith.divf %mul3A_1113, %sub3A_1118 : vector<128x2048xf32>
    %gt3A_1120 = arith.constant 0.699999988 : f32
    %gt3A_1121 = vector.broadcast %gt3A_1120 : f32 to vector<128x2048xf32>
    %gt3A_1122 = arith.cmpf ogt, %div3A_1119, %gt3A_1121 : vector<128x2048xf32>
    %convert_element_type3A_1123 = arith.extui %gt3A_1122 : vector<128x2048xi1> to vector<128x2048xi32>
    %convert_element_type3A_1124 = arith.sitofp %convert_element_type3A_1123 : vector<128x2048xi32> to vector<128x2048xf32>
    %slice3A_1125 = vector.extract_strided_slice %convert_element_type3A_1124 {offsets = [0, 1536], sizes = [128, 128], strides = [1, 1]} : vector<128x2048xf32> to vector<128x128xf32>
    %swap3A_1126 = arith.constant 0 : index
    %swap3A_1127 = arith.constant 0 : index
    %swap3A_1128 = vector.load %arg7[%swap3A_1126, %swap3A_1127] : memref<128x128xf32, #tpu.memory_space<vmem>>, vector<128x128xf32>
    tpu.vector_store %arg7[%swap3A_1126, %swap3A_1127], %slice3A_1125 {strides = array<i32>} : memref<128x128xf32, #tpu.memory_space<vmem>>, vector<128x128xf32>,
    %slice3A_1129 = vector.extract_strided_slice %mul3A_1082 {offsets = [0, 1536], sizes = [1, 128], strides = [1, 1]} : vector<1x2048xf32> to vector<1x128xf32>
    %swap3A_1130 = arith.constant 0 : index
    %swap3A_1131 = arith.constant 0 : index
    %swap3A_1132 = vector.load %arg8[%swap3A_1130, %swap3A_1131] : memref<1x128xf32, #tpu.memory_space<vmem>>, vector<1x128xf32>
    tpu.vector_store %arg8[%swap3A_1130, %swap3A_1131], %slice3A_1129 {strides = array<i32>} : memref<1x128xf32, #tpu.memory_space<vmem>>, vector<1x128xf32>,
    %scan3A_1133 = arith.constant 0 : i32
    %scan3A_1134 = arith.constant 128 : i32
    %scan3A_1135 = arith.addi %scan3A_1133, %scan3A_1134 : i32
    %scan3A_1136 = arith.constant 1 : i32
    scf.for %scan3A_1383 = %scan3A_1133 to %scan3A_1135 step %scan3A_1136  : i32 {
      %get3A_1384 = arith.index_cast %scan3A_1383 : i32 to index
      %get3A_1385 = arith.constant 0 : index
      %get3A_1386 = vector.load %arg7[%get3A_1384, %get3A_1385] : memref<128x128xf32, #tpu.memory_space<vmem>>, vector<1x128xf32>
      %get3A_1387 = arith.constant 0 : index
      %get3A_1388 = arith.constant 0 : index
      %get3A_1389 = vector.load %arg8[%get3A_1387, %get3A_1388] : memref<1x128xf32, #tpu.memory_space<vmem>>, vector<1x128xf32>
      %eq3A = vector.broadcast %scan3A_1383 : i32 to vector<1x128xi32>
      %eq3A_1390 = arith.cmpi eq, %iota3A_163, %eq3A : vector<1x128xi32>
      %convert_element_type3A_1391 = arith.extui %eq3A_1390 : vector<1x128xi1> to vector<1x128xi32>
      %convert_element_type3A_1392 = arith.sitofp %convert_element_type3A_1391 : vector<1x128xi32> to vector<1x128xf32>
      %mul3A_1393 = arith.mulf %get3A_1389, %convert_element_type3A_1392 : vector<1x128xf32>
      %reduce_max3A_1394 = vector.shape_cast %mul3A_1393 : vector<1x128xf32> to vector<1x1x128xf32>
      %reduce_max3A_1395 = arith.constant dense<0xFF800000> : vector<1xf32>
      %reduce_max3A_1396 = vector.multi_reduction <maximumf>, %reduce_max3A_1394, %reduce_max3A_1395 [1, 2] : vector<1x1x128xf32> to vector<1xf32>
      %reduce_max3A_1397 = vector.shape_cast %reduce_max3A_1396 : vector<1xf32> to vector<1x1x1xf32>
      %reduce_max3A_1398 = vector.extract %reduce_max3A_1397[0, 0, 0] : f32 from vector<1x1x1xf32>
      %gt3A_1399 = vector.broadcast %scan3A_1383 : i32 to vector<1x128xi32>
      %gt3A_1400 = arith.cmpi sgt, %iota3A_163, %gt3A_1399 : vector<1x128xi32>
      %convert_element_type3A_1401 = arith.extui %gt3A_1400 : vector<1x128xi1> to vector<1x128xi32>
      %convert_element_type3A_1402 = arith.sitofp %convert_element_type3A_1401 : vector<1x128xi32> to vector<1x128xf32>
      %mul3A_1403 = arith.mulf %get3A_1386, %convert_element_type3A_1402 : vector<1x128xf32>
      %mul3A_1404 = vector.broadcast %reduce_max3A_1398 : f32 to vector<1x128xf32>
      %mul3A_1405 = arith.mulf %mul3A_1403, %mul3A_1404 : vector<1x128xf32>
      %get3A_1406 = arith.constant 0 : index
      %get3A_1407 = arith.constant 0 : index
      %get3A_1408 = vector.load %arg8[%get3A_1406, %get3A_1407] : memref<1x128xf32, #tpu.memory_space<vmem>>, vector<1x128xf32>
      %sub3A_1409 = arith.constant 1.000000e+00 : f32
      %sub3A_1410 = vector.broadcast %sub3A_1409 : f32 to vector<1x128xf32>
      %sub3A_1411 = arith.subf %sub3A_1410, %mul3A_1405 : vector<1x128xf32>
      %mul3A_1412 = arith.mulf %get3A_1408, %sub3A_1411 : vector<1x128xf32>
      %swap3A_1413 = arith.constant 0 : index
      %swap3A_1414 = arith.constant 0 : index
      %swap3A_1415 = vector.load %arg8[%swap3A_1413, %swap3A_1414] : memref<1x128xf32, #tpu.memory_space<vmem>>, vector<1x128xf32>
      tpu.vector_store %arg8[%swap3A_1413, %swap3A_1414], %mul3A_1412 {strides = array<i32>} : memref<1x128xf32, #tpu.memory_space<vmem>>, vector<1x128xf32>,
    }
    %scan3A_1137 = arith.constant 128 : i32
    %get3A_1138 = arith.constant 0 : index
    %get3A_1139 = arith.constant 0 : index
    %get3A_1140 = vector.load %arg8[%get3A_1138, %get3A_1139] : memref<1x128xf32, #tpu.memory_space<vmem>>, vector<1x128xf32>
    %slice3A_1141 = vector.extract_strided_slice %mul3A_1082 {offsets = [0, 0], sizes = [1, 1536], strides = [1, 1]} : vector<1x2048xf32> to vector<1x1536xf32>
    %slice3A_1142 = vector.extract_strided_slice %mul3A_1082 {offsets = [0, 1664], sizes = [1, 384], strides = [1, 1]} : vector<1x2048xf32> to vector<1x384xf32>
    %concatenate3A_1143 = tpu.concatenate %slice3A_1141, %get3A_1140, %slice3A_1142 in 1 : vector<1x1536xf32>, vector<1x128xf32>, vector<1x384xf32> -> vector<1x2048xf32>
    %reshape3A_1144 = vector.shape_cast %get3A_1140 : vector<1x128xf32> to vector<128x1xf32>
    %mul3A_1145 = vector.broadcast %reshape3A_1144 : vector<128x1xf32> to vector<128x2048xf32>
    %mul3A_1146 = arith.mulf %convert_element_type3A_1124, %mul3A_1145 : vector<128x2048xf32>
    %reduce_max3A_1147 = arith.constant dense<0xFF800000> : vector<2048xf32>
    %reduce_max3A_1148 = vector.multi_reduction <maximumf>, %mul3A_1146, %reduce_max3A_1147 [0] : vector<128x2048xf32> to vector<2048xf32>
    %broadcast_in_dim3A_1149 = vector.shape_cast %reduce_max3A_1148 : vector<2048xf32> to vector<1x2048xf32>
    %ge3A_1150 = arith.constant 1664 : i32
    %ge3A_1151 = vector.broadcast %ge3A_1150 : i32 to vector<1x2048xi32>
    %ge3A_1152 = arith.cmpi sge, %iota3A, %ge3A_1151 : vector<1x2048xi32>
    %convert_element_type3A_1153 = arith.extui %ge3A_1152 : vector<1x2048xi1> to vector<1x2048xi32>
    %convert_element_type3A_1154 = arith.sitofp %convert_element_type3A_1153 : vector<1x2048xi32> to vector<1x2048xf32>
    %mul3A_1155 = arith.mulf %broadcast_in_dim3A_1149, %convert_element_type3A_1154 : vector<1x2048xf32>
    %sub3A_1156 = arith.constant 1.000000e+00 : f32
    %sub3A_1157 = vector.broadcast %sub3A_1156 : f32 to vector<1x2048xf32>
    %sub3A_1158 = arith.subf %sub3A_1157, %mul3A_1155 : vector<1x2048xf32>
    %mul3A_1159 = arith.mulf %concatenate3A_1143, %sub3A_1158 : vector<1x2048xf32>
    %slice3A_1160 = vector.extract_strided_slice %reshape3A {offsets = [1664, 0], sizes = [128, 1], strides = [1, 1]} : vector<2048x1xf32> to vector<128x1xf32>
    %max3A_1161 = vector.broadcast %slice3A_1160 : vector<128x1xf32> to vector<128x2048xf32>
    %max3A_1162 = vector.broadcast %min3A_84 : vector<1x2048xf32> to vector<128x2048xf32>
    %max3A_1163 = arith.maximumf %max3A_1161, %max3A_1162 : vector<128x2048xf32>
    %slice3A_1164 = vector.extract_strided_slice %reshape3A_159 {offsets = [1664, 0], sizes = [128, 1], strides = [1, 1]} : vector<2048x1xf32> to vector<128x1xf32>
    %max3A_1165 = vector.broadcast %slice3A_1164 : vector<128x1xf32> to vector<128x2048xf32>
    %max3A_1166 = vector.broadcast %min3A_94 : vector<1x2048xf32> to vector<128x2048xf32>
    %max3A_1167 = arith.maximumf %max3A_1165, %max3A_1166 : vector<128x2048xf32>
    %slice3A_1168 = vector.extract_strided_slice %reshape3A_160 {offsets = [1664, 0], sizes = [128, 1], strides = [1, 1]} : vector<2048x1xf32> to vector<128x1xf32>
    %min3A_1169 = vector.broadcast %slice3A_1168 : vector<128x1xf32> to vector<128x2048xf32>
    %min3A_1170 = vector.broadcast %min3A_107 : vector<1x2048xf32> to vector<128x2048xf32>
    %min3A_1171 = arith.minimumf %min3A_1169, %min3A_1170 : vector<128x2048xf32>
    %slice3A_1172 = vector.extract_strided_slice %reshape3A_161 {offsets = [1664, 0], sizes = [128, 1], strides = [1, 1]} : vector<2048x1xf32> to vector<128x1xf32>
    %min3A_1173 = vector.broadcast %slice3A_1172 : vector<128x1xf32> to vector<128x2048xf32>
    %min3A_1174 = vector.broadcast %min3A_120 : vector<1x2048xf32> to vector<128x2048xf32>
    %min3A_1175 = arith.minimumf %min3A_1173, %min3A_1174 : vector<128x2048xf32>
    %sub3A_1176 = arith.subf %min3A_1171, %max3A_1163 : vector<128x2048xf32>
    %add3A_1177 = arith.constant 1.000000e+00 : f32
    %add3A_1178 = vector.broadcast %add3A_1177 : f32 to vector<128x2048xf32>
    %add3A_1179 = arith.addf %sub3A_1176, %add3A_1178 : vector<128x2048xf32>
    %max3A_1180 = arith.constant 0.000000e+00 : f32
    %max3A_1181 = vector.broadcast %max3A_1180 : f32 to vector<128x2048xf32>
    %max3A_1182 = arith.maximumf %add3A_1179, %max3A_1181 : vector<128x2048xf32>
    %sub3A_1183 = arith.subf %min3A_1175, %max3A_1167 : vector<128x2048xf32>
    %add3A_1184 = arith.constant 1.000000e+00 : f32
    %add3A_1185 = vector.broadcast %add3A_1184 : f32 to vector<128x2048xf32>
    %add3A_1186 = arith.addf %sub3A_1183, %add3A_1185 : vector<128x2048xf32>
    %max3A_1187 = arith.constant 0.000000e+00 : f32
    %max3A_1188 = vector.broadcast %max3A_1187 : f32 to vector<128x2048xf32>
    %max3A_1189 = arith.maximumf %add3A_1186, %max3A_1188 : vector<128x2048xf32>
    %mul3A_1190 = arith.mulf %max3A_1182, %max3A_1189 : vector<128x2048xf32>
    %slice3A_1191 = vector.extract_strided_slice %reshape3A_162 {offsets = [1664, 0], sizes = [128, 1], strides = [1, 1]} : vector<2048x1xf32> to vector<128x1xf32>
    %add3A_1192 = vector.broadcast %slice3A_1191 : vector<128x1xf32> to vector<128x2048xf32>
    %add3A_1193 = vector.broadcast %mul3A_158 : vector<1x2048xf32> to vector<128x2048xf32>
    %add3A_1194 = arith.addf %add3A_1192, %add3A_1193 : vector<128x2048xf32>
    %sub3A_1195 = arith.subf %add3A_1194, %mul3A_1190 : vector<128x2048xf32>
    %div3A_1196 = arith.divf %mul3A_1190, %sub3A_1195 : vector<128x2048xf32>
    %gt3A_1197 = arith.constant 0.699999988 : f32
    %gt3A_1198 = vector.broadcast %gt3A_1197 : f32 to vector<128x2048xf32>
    %gt3A_1199 = arith.cmpf ogt, %div3A_1196, %gt3A_1198 : vector<128x2048xf32>
    %convert_element_type3A_1200 = arith.extui %gt3A_1199 : vector<128x2048xi1> to vector<128x2048xi32>
    %convert_element_type3A_1201 = arith.sitofp %convert_element_type3A_1200 : vector<128x2048xi32> to vector<128x2048xf32>
    %slice3A_1202 = vector.extract_strided_slice %convert_element_type3A_1201 {offsets = [0, 1664], sizes = [128, 128], strides = [1, 1]} : vector<128x2048xf32> to vector<128x128xf32>
    %swap3A_1203 = arith.constant 0 : index
    %swap3A_1204 = arith.constant 0 : index
    %swap3A_1205 = vector.load %arg7[%swap3A_1203, %swap3A_1204] : memref<128x128xf32, #tpu.memory_space<vmem>>, vector<128x128xf32>
    tpu.vector_store %arg7[%swap3A_1203, %swap3A_1204], %slice3A_1202 {strides = array<i32>} : memref<128x128xf32, #tpu.memory_space<vmem>>, vector<128x128xf32>,
    %slice3A_1206 = vector.extract_strided_slice %mul3A_1159 {offsets = [0, 1664], sizes = [1, 128], strides = [1, 1]} : vector<1x2048xf32> to vector<1x128xf32>
    %swap3A_1207 = arith.constant 0 : index
    %swap3A_1208 = arith.constant 0 : index
    %swap3A_1209 = vector.load %arg8[%swap3A_1207, %swap3A_1208] : memref<1x128xf32, #tpu.memory_space<vmem>>, vector<1x128xf32>
    tpu.vector_store %arg8[%swap3A_1207, %swap3A_1208], %slice3A_1206 {strides = array<i32>} : memref<1x128xf32, #tpu.memory_space<vmem>>, vector<1x128xf32>,
    %scan3A_1210 = arith.constant 0 : i32
    %scan3A_1211 = arith.constant 128 : i32
    %scan3A_1212 = arith.addi %scan3A_1210, %scan3A_1211 : i32
    %scan3A_1213 = arith.constant 1 : i32
    scf.for %scan3A_1383 = %scan3A_1210 to %scan3A_1212 step %scan3A_1213  : i32 {
      %get3A_1384 = arith.index_cast %scan3A_1383 : i32 to index
      %get3A_1385 = arith.constant 0 : index
      %get3A_1386 = vector.load %arg7[%get3A_1384, %get3A_1385] : memref<128x128xf32, #tpu.memory_space<vmem>>, vector<1x128xf32>
      %get3A_1387 = arith.constant 0 : index
      %get3A_1388 = arith.constant 0 : index
      %get3A_1389 = vector.load %arg8[%get3A_1387, %get3A_1388] : memref<1x128xf32, #tpu.memory_space<vmem>>, vector<1x128xf32>
      %eq3A = vector.broadcast %scan3A_1383 : i32 to vector<1x128xi32>
      %eq3A_1390 = arith.cmpi eq, %iota3A_163, %eq3A : vector<1x128xi32>
      %convert_element_type3A_1391 = arith.extui %eq3A_1390 : vector<1x128xi1> to vector<1x128xi32>
      %convert_element_type3A_1392 = arith.sitofp %convert_element_type3A_1391 : vector<1x128xi32> to vector<1x128xf32>
      %mul3A_1393 = arith.mulf %get3A_1389, %convert_element_type3A_1392 : vector<1x128xf32>
      %reduce_max3A_1394 = vector.shape_cast %mul3A_1393 : vector<1x128xf32> to vector<1x1x128xf32>
      %reduce_max3A_1395 = arith.constant dense<0xFF800000> : vector<1xf32>
      %reduce_max3A_1396 = vector.multi_reduction <maximumf>, %reduce_max3A_1394, %reduce_max3A_1395 [1, 2] : vector<1x1x128xf32> to vector<1xf32>
      %reduce_max3A_1397 = vector.shape_cast %reduce_max3A_1396 : vector<1xf32> to vector<1x1x1xf32>
      %reduce_max3A_1398 = vector.extract %reduce_max3A_1397[0, 0, 0] : f32 from vector<1x1x1xf32>
      %gt3A_1399 = vector.broadcast %scan3A_1383 : i32 to vector<1x128xi32>
      %gt3A_1400 = arith.cmpi sgt, %iota3A_163, %gt3A_1399 : vector<1x128xi32>
      %convert_element_type3A_1401 = arith.extui %gt3A_1400 : vector<1x128xi1> to vector<1x128xi32>
      %convert_element_type3A_1402 = arith.sitofp %convert_element_type3A_1401 : vector<1x128xi32> to vector<1x128xf32>
      %mul3A_1403 = arith.mulf %get3A_1386, %convert_element_type3A_1402 : vector<1x128xf32>
      %mul3A_1404 = vector.broadcast %reduce_max3A_1398 : f32 to vector<1x128xf32>
      %mul3A_1405 = arith.mulf %mul3A_1403, %mul3A_1404 : vector<1x128xf32>
      %get3A_1406 = arith.constant 0 : index
      %get3A_1407 = arith.constant 0 : index
      %get3A_1408 = vector.load %arg8[%get3A_1406, %get3A_1407] : memref<1x128xf32, #tpu.memory_space<vmem>>, vector<1x128xf32>
      %sub3A_1409 = arith.constant 1.000000e+00 : f32
      %sub3A_1410 = vector.broadcast %sub3A_1409 : f32 to vector<1x128xf32>
      %sub3A_1411 = arith.subf %sub3A_1410, %mul3A_1405 : vector<1x128xf32>
      %mul3A_1412 = arith.mulf %get3A_1408, %sub3A_1411 : vector<1x128xf32>
      %swap3A_1413 = arith.constant 0 : index
      %swap3A_1414 = arith.constant 0 : index
      %swap3A_1415 = vector.load %arg8[%swap3A_1413, %swap3A_1414] : memref<1x128xf32, #tpu.memory_space<vmem>>, vector<1x128xf32>
      tpu.vector_store %arg8[%swap3A_1413, %swap3A_1414], %mul3A_1412 {strides = array<i32>} : memref<1x128xf32, #tpu.memory_space<vmem>>, vector<1x128xf32>,
    }
    %scan3A_1214 = arith.constant 128 : i32
    %get3A_1215 = arith.constant 0 : index
    %get3A_1216 = arith.constant 0 : index
    %get3A_1217 = vector.load %arg8[%get3A_1215, %get3A_1216] : memref<1x128xf32, #tpu.memory_space<vmem>>, vector<1x128xf32>
    %slice3A_1218 = vector.extract_strided_slice %mul3A_1159 {offsets = [0, 0], sizes = [1, 1664], strides = [1, 1]} : vector<1x2048xf32> to vector<1x1664xf32>
    %slice3A_1219 = vector.extract_strided_slice %mul3A_1159 {offsets = [0, 1792], sizes = [1, 256], strides = [1, 1]} : vector<1x2048xf32> to vector<1x256xf32>
    %concatenate3A_1220 = tpu.concatenate %slice3A_1218, %get3A_1217, %slice3A_1219 in 1 : vector<1x1664xf32>, vector<1x128xf32>, vector<1x256xf32> -> vector<1x2048xf32>
    %reshape3A_1221 = vector.shape_cast %get3A_1217 : vector<1x128xf32> to vector<128x1xf32>
    %mul3A_1222 = vector.broadcast %reshape3A_1221 : vector<128x1xf32> to vector<128x2048xf32>
    %mul3A_1223 = arith.mulf %convert_element_type3A_1201, %mul3A_1222 : vector<128x2048xf32>
    %reduce_max3A_1224 = arith.constant dense<0xFF800000> : vector<2048xf32>
    %reduce_max3A_1225 = vector.multi_reduction <maximumf>, %mul3A_1223, %reduce_max3A_1224 [0] : vector<128x2048xf32> to vector<2048xf32>
    %broadcast_in_dim3A_1226 = vector.shape_cast %reduce_max3A_1225 : vector<2048xf32> to vector<1x2048xf32>
    %ge3A_1227 = arith.constant 1792 : i32
    %ge3A_1228 = vector.broadcast %ge3A_1227 : i32 to vector<1x2048xi32>
    %ge3A_1229 = arith.cmpi sge, %iota3A, %ge3A_1228 : vector<1x2048xi32>
    %convert_element_type3A_1230 = arith.extui %ge3A_1229 : vector<1x2048xi1> to vector<1x2048xi32>
    %convert_element_type3A_1231 = arith.sitofp %convert_element_type3A_1230 : vector<1x2048xi32> to vector<1x2048xf32>
    %mul3A_1232 = arith.mulf %broadcast_in_dim3A_1226, %convert_element_type3A_1231 : vector<1x2048xf32>
    %sub3A_1233 = arith.constant 1.000000e+00 : f32
    %sub3A_1234 = vector.broadcast %sub3A_1233 : f32 to vector<1x2048xf32>
    %sub3A_1235 = arith.subf %sub3A_1234, %mul3A_1232 : vector<1x2048xf32>
    %mul3A_1236 = arith.mulf %concatenate3A_1220, %sub3A_1235 : vector<1x2048xf32>
    %slice3A_1237 = vector.extract_strided_slice %reshape3A {offsets = [1792, 0], sizes = [128, 1], strides = [1, 1]} : vector<2048x1xf32> to vector<128x1xf32>
    %max3A_1238 = vector.broadcast %slice3A_1237 : vector<128x1xf32> to vector<128x2048xf32>
    %max3A_1239 = vector.broadcast %min3A_84 : vector<1x2048xf32> to vector<128x2048xf32>
    %max3A_1240 = arith.maximumf %max3A_1238, %max3A_1239 : vector<128x2048xf32>
    %slice3A_1241 = vector.extract_strided_slice %reshape3A_159 {offsets = [1792, 0], sizes = [128, 1], strides = [1, 1]} : vector<2048x1xf32> to vector<128x1xf32>
    %max3A_1242 = vector.broadcast %slice3A_1241 : vector<128x1xf32> to vector<128x2048xf32>
    %max3A_1243 = vector.broadcast %min3A_94 : vector<1x2048xf32> to vector<128x2048xf32>
    %max3A_1244 = arith.maximumf %max3A_1242, %max3A_1243 : vector<128x2048xf32>
    %slice3A_1245 = vector.extract_strided_slice %reshape3A_160 {offsets = [1792, 0], sizes = [128, 1], strides = [1, 1]} : vector<2048x1xf32> to vector<128x1xf32>
    %min3A_1246 = vector.broadcast %slice3A_1245 : vector<128x1xf32> to vector<128x2048xf32>
    %min3A_1247 = vector.broadcast %min3A_107 : vector<1x2048xf32> to vector<128x2048xf32>
    %min3A_1248 = arith.minimumf %min3A_1246, %min3A_1247 : vector<128x2048xf32>
    %slice3A_1249 = vector.extract_strided_slice %reshape3A_161 {offsets = [1792, 0], sizes = [128, 1], strides = [1, 1]} : vector<2048x1xf32> to vector<128x1xf32>
    %min3A_1250 = vector.broadcast %slice3A_1249 : vector<128x1xf32> to vector<128x2048xf32>
    %min3A_1251 = vector.broadcast %min3A_120 : vector<1x2048xf32> to vector<128x2048xf32>
    %min3A_1252 = arith.minimumf %min3A_1250, %min3A_1251 : vector<128x2048xf32>
    %sub3A_1253 = arith.subf %min3A_1248, %max3A_1240 : vector<128x2048xf32>
    %add3A_1254 = arith.constant 1.000000e+00 : f32
    %add3A_1255 = vector.broadcast %add3A_1254 : f32 to vector<128x2048xf32>
    %add3A_1256 = arith.addf %sub3A_1253, %add3A_1255 : vector<128x2048xf32>
    %max3A_1257 = arith.constant 0.000000e+00 : f32
    %max3A_1258 = vector.broadcast %max3A_1257 : f32 to vector<128x2048xf32>
    %max3A_1259 = arith.maximumf %add3A_1256, %max3A_1258 : vector<128x2048xf32>
    %sub3A_1260 = arith.subf %min3A_1252, %max3A_1244 : vector<128x2048xf32>
    %add3A_1261 = arith.constant 1.000000e+00 : f32
    %add3A_1262 = vector.broadcast %add3A_1261 : f32 to vector<128x2048xf32>
    %add3A_1263 = arith.addf %sub3A_1260, %add3A_1262 : vector<128x2048xf32>
    %max3A_1264 = arith.constant 0.000000e+00 : f32
    %max3A_1265 = vector.broadcast %max3A_1264 : f32 to vector<128x2048xf32>
    %max3A_1266 = arith.maximumf %add3A_1263, %max3A_1265 : vector<128x2048xf32>
    %mul3A_1267 = arith.mulf %max3A_1259, %max3A_1266 : vector<128x2048xf32>
    %slice3A_1268 = vector.extract_strided_slice %reshape3A_162 {offsets = [1792, 0], sizes = [128, 1], strides = [1, 1]} : vector<2048x1xf32> to vector<128x1xf32>
    %add3A_1269 = vector.broadcast %slice3A_1268 : vector<128x1xf32> to vector<128x2048xf32>
    %add3A_1270 = vector.broadcast %mul3A_158 : vector<1x2048xf32> to vector<128x2048xf32>
    %add3A_1271 = arith.addf %add3A_1269, %add3A_1270 : vector<128x2048xf32>
    %sub3A_1272 = arith.subf %add3A_1271, %mul3A_1267 : vector<128x2048xf32>
    %div3A_1273 = arith.divf %mul3A_1267, %sub3A_1272 : vector<128x2048xf32>
    %gt3A_1274 = arith.constant 0.699999988 : f32
    %gt3A_1275 = vector.broadcast %gt3A_1274 : f32 to vector<128x2048xf32>
    %gt3A_1276 = arith.cmpf ogt, %div3A_1273, %gt3A_1275 : vector<128x2048xf32>
    %convert_element_type3A_1277 = arith.extui %gt3A_1276 : vector<128x2048xi1> to vector<128x2048xi32>
    %convert_element_type3A_1278 = arith.sitofp %convert_element_type3A_1277 : vector<128x2048xi32> to vector<128x2048xf32>
    %slice3A_1279 = vector.extract_strided_slice %convert_element_type3A_1278 {offsets = [0, 1792], sizes = [128, 128], strides = [1, 1]} : vector<128x2048xf32> to vector<128x128xf32>
    %swap3A_1280 = arith.constant 0 : index
    %swap3A_1281 = arith.constant 0 : index
    %swap3A_1282 = vector.load %arg7[%swap3A_1280, %swap3A_1281] : memref<128x128xf32, #tpu.memory_space<vmem>>, vector<128x128xf32>
    tpu.vector_store %arg7[%swap3A_1280, %swap3A_1281], %slice3A_1279 {strides = array<i32>} : memref<128x128xf32, #tpu.memory_space<vmem>>, vector<128x128xf32>,
    %slice3A_1283 = vector.extract_strided_slice %mul3A_1236 {offsets = [0, 1792], sizes = [1, 128], strides = [1, 1]} : vector<1x2048xf32> to vector<1x128xf32>
    %swap3A_1284 = arith.constant 0 : index
    %swap3A_1285 = arith.constant 0 : index
    %swap3A_1286 = vector.load %arg8[%swap3A_1284, %swap3A_1285] : memref<1x128xf32, #tpu.memory_space<vmem>>, vector<1x128xf32>
    tpu.vector_store %arg8[%swap3A_1284, %swap3A_1285], %slice3A_1283 {strides = array<i32>} : memref<1x128xf32, #tpu.memory_space<vmem>>, vector<1x128xf32>,
    %scan3A_1287 = arith.constant 0 : i32
    %scan3A_1288 = arith.constant 128 : i32
    %scan3A_1289 = arith.addi %scan3A_1287, %scan3A_1288 : i32
    %scan3A_1290 = arith.constant 1 : i32
    scf.for %scan3A_1383 = %scan3A_1287 to %scan3A_1289 step %scan3A_1290  : i32 {
      %get3A_1384 = arith.index_cast %scan3A_1383 : i32 to index
      %get3A_1385 = arith.constant 0 : index
      %get3A_1386 = vector.load %arg7[%get3A_1384, %get3A_1385] : memref<128x128xf32, #tpu.memory_space<vmem>>, vector<1x128xf32>
      %get3A_1387 = arith.constant 0 : index
      %get3A_1388 = arith.constant 0 : index
      %get3A_1389 = vector.load %arg8[%get3A_1387, %get3A_1388] : memref<1x128xf32, #tpu.memory_space<vmem>>, vector<1x128xf32>
      %eq3A = vector.broadcast %scan3A_1383 : i32 to vector<1x128xi32>
      %eq3A_1390 = arith.cmpi eq, %iota3A_163, %eq3A : vector<1x128xi32>
      %convert_element_type3A_1391 = arith.extui %eq3A_1390 : vector<1x128xi1> to vector<1x128xi32>
      %convert_element_type3A_1392 = arith.sitofp %convert_element_type3A_1391 : vector<1x128xi32> to vector<1x128xf32>
      %mul3A_1393 = arith.mulf %get3A_1389, %convert_element_type3A_1392 : vector<1x128xf32>
      %reduce_max3A_1394 = vector.shape_cast %mul3A_1393 : vector<1x128xf32> to vector<1x1x128xf32>
      %reduce_max3A_1395 = arith.constant dense<0xFF800000> : vector<1xf32>
      %reduce_max3A_1396 = vector.multi_reduction <maximumf>, %reduce_max3A_1394, %reduce_max3A_1395 [1, 2] : vector<1x1x128xf32> to vector<1xf32>
      %reduce_max3A_1397 = vector.shape_cast %reduce_max3A_1396 : vector<1xf32> to vector<1x1x1xf32>
      %reduce_max3A_1398 = vector.extract %reduce_max3A_1397[0, 0, 0] : f32 from vector<1x1x1xf32>
      %gt3A_1399 = vector.broadcast %scan3A_1383 : i32 to vector<1x128xi32>
      %gt3A_1400 = arith.cmpi sgt, %iota3A_163, %gt3A_1399 : vector<1x128xi32>
      %convert_element_type3A_1401 = arith.extui %gt3A_1400 : vector<1x128xi1> to vector<1x128xi32>
      %convert_element_type3A_1402 = arith.sitofp %convert_element_type3A_1401 : vector<1x128xi32> to vector<1x128xf32>
      %mul3A_1403 = arith.mulf %get3A_1386, %convert_element_type3A_1402 : vector<1x128xf32>
      %mul3A_1404 = vector.broadcast %reduce_max3A_1398 : f32 to vector<1x128xf32>
      %mul3A_1405 = arith.mulf %mul3A_1403, %mul3A_1404 : vector<1x128xf32>
      %get3A_1406 = arith.constant 0 : index
      %get3A_1407 = arith.constant 0 : index
      %get3A_1408 = vector.load %arg8[%get3A_1406, %get3A_1407] : memref<1x128xf32, #tpu.memory_space<vmem>>, vector<1x128xf32>
      %sub3A_1409 = arith.constant 1.000000e+00 : f32
      %sub3A_1410 = vector.broadcast %sub3A_1409 : f32 to vector<1x128xf32>
      %sub3A_1411 = arith.subf %sub3A_1410, %mul3A_1405 : vector<1x128xf32>
      %mul3A_1412 = arith.mulf %get3A_1408, %sub3A_1411 : vector<1x128xf32>
      %swap3A_1413 = arith.constant 0 : index
      %swap3A_1414 = arith.constant 0 : index
      %swap3A_1415 = vector.load %arg8[%swap3A_1413, %swap3A_1414] : memref<1x128xf32, #tpu.memory_space<vmem>>, vector<1x128xf32>
      tpu.vector_store %arg8[%swap3A_1413, %swap3A_1414], %mul3A_1412 {strides = array<i32>} : memref<1x128xf32, #tpu.memory_space<vmem>>, vector<1x128xf32>,
    }
    %scan3A_1291 = arith.constant 128 : i32
    %get3A_1292 = arith.constant 0 : index
    %get3A_1293 = arith.constant 0 : index
    %get3A_1294 = vector.load %arg8[%get3A_1292, %get3A_1293] : memref<1x128xf32, #tpu.memory_space<vmem>>, vector<1x128xf32>
    %slice3A_1295 = vector.extract_strided_slice %mul3A_1236 {offsets = [0, 0], sizes = [1, 1792], strides = [1, 1]} : vector<1x2048xf32> to vector<1x1792xf32>
    %slice3A_1296 = vector.extract_strided_slice %mul3A_1236 {offsets = [0, 1920], sizes = [1, 128], strides = [1, 1]} : vector<1x2048xf32> to vector<1x128xf32>
    %concatenate3A_1297 = tpu.concatenate %slice3A_1295, %get3A_1294, %slice3A_1296 in 1 : vector<1x1792xf32>, vector<1x128xf32>, vector<1x128xf32> -> vector<1x2048xf32>
    %reshape3A_1298 = vector.shape_cast %get3A_1294 : vector<1x128xf32> to vector<128x1xf32>
    %mul3A_1299 = vector.broadcast %reshape3A_1298 : vector<128x1xf32> to vector<128x2048xf32>
    %mul3A_1300 = arith.mulf %convert_element_type3A_1278, %mul3A_1299 : vector<128x2048xf32>
    %reduce_max3A_1301 = arith.constant dense<0xFF800000> : vector<2048xf32>
    %reduce_max3A_1302 = vector.multi_reduction <maximumf>, %mul3A_1300, %reduce_max3A_1301 [0] : vector<128x2048xf32> to vector<2048xf32>
    %broadcast_in_dim3A_1303 = vector.shape_cast %reduce_max3A_1302 : vector<2048xf32> to vector<1x2048xf32>
    %ge3A_1304 = arith.constant 1920 : i32
    %ge3A_1305 = vector.broadcast %ge3A_1304 : i32 to vector<1x2048xi32>
    %ge3A_1306 = arith.cmpi sge, %iota3A, %ge3A_1305 : vector<1x2048xi32>
    %convert_element_type3A_1307 = arith.extui %ge3A_1306 : vector<1x2048xi1> to vector<1x2048xi32>
    %convert_element_type3A_1308 = arith.sitofp %convert_element_type3A_1307 : vector<1x2048xi32> to vector<1x2048xf32>
    %mul3A_1309 = arith.mulf %broadcast_in_dim3A_1303, %convert_element_type3A_1308 : vector<1x2048xf32>
    %sub3A_1310 = arith.constant 1.000000e+00 : f32
    %sub3A_1311 = vector.broadcast %sub3A_1310 : f32 to vector<1x2048xf32>
    %sub3A_1312 = arith.subf %sub3A_1311, %mul3A_1309 : vector<1x2048xf32>
    %mul3A_1313 = arith.mulf %concatenate3A_1297, %sub3A_1312 : vector<1x2048xf32>
    %slice3A_1314 = vector.extract_strided_slice %reshape3A {offsets = [1920, 0], sizes = [128, 1], strides = [1, 1]} : vector<2048x1xf32> to vector<128x1xf32>
    %max3A_1315 = vector.broadcast %slice3A_1314 : vector<128x1xf32> to vector<128x2048xf32>
    %max3A_1316 = vector.broadcast %min3A_84 : vector<1x2048xf32> to vector<128x2048xf32>
    %max3A_1317 = arith.maximumf %max3A_1315, %max3A_1316 : vector<128x2048xf32>
    %slice3A_1318 = vector.extract_strided_slice %reshape3A_159 {offsets = [1920, 0], sizes = [128, 1], strides = [1, 1]} : vector<2048x1xf32> to vector<128x1xf32>
    %max3A_1319 = vector.broadcast %slice3A_1318 : vector<128x1xf32> to vector<128x2048xf32>
    %max3A_1320 = vector.broadcast %min3A_94 : vector<1x2048xf32> to vector<128x2048xf32>
    %max3A_1321 = arith.maximumf %max3A_1319, %max3A_1320 : vector<128x2048xf32>
    %slice3A_1322 = vector.extract_strided_slice %reshape3A_160 {offsets = [1920, 0], sizes = [128, 1], strides = [1, 1]} : vector<2048x1xf32> to vector<128x1xf32>
    %min3A_1323 = vector.broadcast %slice3A_1322 : vector<128x1xf32> to vector<128x2048xf32>
    %min3A_1324 = vector.broadcast %min3A_107 : vector<1x2048xf32> to vector<128x2048xf32>
    %min3A_1325 = arith.minimumf %min3A_1323, %min3A_1324 : vector<128x2048xf32>
    %slice3A_1326 = vector.extract_strided_slice %reshape3A_161 {offsets = [1920, 0], sizes = [128, 1], strides = [1, 1]} : vector<2048x1xf32> to vector<128x1xf32>
    %min3A_1327 = vector.broadcast %slice3A_1326 : vector<128x1xf32> to vector<128x2048xf32>
    %min3A_1328 = vector.broadcast %min3A_120 : vector<1x2048xf32> to vector<128x2048xf32>
    %min3A_1329 = arith.minimumf %min3A_1327, %min3A_1328 : vector<128x2048xf32>
    %sub3A_1330 = arith.subf %min3A_1325, %max3A_1317 : vector<128x2048xf32>
    %add3A_1331 = arith.constant 1.000000e+00 : f32
    %add3A_1332 = vector.broadcast %add3A_1331 : f32 to vector<128x2048xf32>
    %add3A_1333 = arith.addf %sub3A_1330, %add3A_1332 : vector<128x2048xf32>
    %max3A_1334 = arith.constant 0.000000e+00 : f32
    %max3A_1335 = vector.broadcast %max3A_1334 : f32 to vector<128x2048xf32>
    %max3A_1336 = arith.maximumf %add3A_1333, %max3A_1335 : vector<128x2048xf32>
    %sub3A_1337 = arith.subf %min3A_1329, %max3A_1321 : vector<128x2048xf32>
    %add3A_1338 = arith.constant 1.000000e+00 : f32
    %add3A_1339 = vector.broadcast %add3A_1338 : f32 to vector<128x2048xf32>
    %add3A_1340 = arith.addf %sub3A_1337, %add3A_1339 : vector<128x2048xf32>
    %max3A_1341 = arith.constant 0.000000e+00 : f32
    %max3A_1342 = vector.broadcast %max3A_1341 : f32 to vector<128x2048xf32>
    %max3A_1343 = arith.maximumf %add3A_1340, %max3A_1342 : vector<128x2048xf32>
    %mul3A_1344 = arith.mulf %max3A_1336, %max3A_1343 : vector<128x2048xf32>
    %slice3A_1345 = vector.extract_strided_slice %reshape3A_162 {offsets = [1920, 0], sizes = [128, 1], strides = [1, 1]} : vector<2048x1xf32> to vector<128x1xf32>
    %add3A_1346 = vector.broadcast %slice3A_1345 : vector<128x1xf32> to vector<128x2048xf32>
    %add3A_1347 = vector.broadcast %mul3A_158 : vector<1x2048xf32> to vector<128x2048xf32>
    %add3A_1348 = arith.addf %add3A_1346, %add3A_1347 : vector<128x2048xf32>
    %sub3A_1349 = arith.subf %add3A_1348, %mul3A_1344 : vector<128x2048xf32>
    %div3A_1350 = arith.divf %mul3A_1344, %sub3A_1349 : vector<128x2048xf32>
    %gt3A_1351 = arith.constant 0.699999988 : f32
    %gt3A_1352 = vector.broadcast %gt3A_1351 : f32 to vector<128x2048xf32>
    %gt3A_1353 = arith.cmpf ogt, %div3A_1350, %gt3A_1352 : vector<128x2048xf32>
    %convert_element_type3A_1354 = arith.extui %gt3A_1353 : vector<128x2048xi1> to vector<128x2048xi32>
    %convert_element_type3A_1355 = arith.sitofp %convert_element_type3A_1354 : vector<128x2048xi32> to vector<128x2048xf32>
    %slice3A_1356 = vector.extract_strided_slice %convert_element_type3A_1355 {offsets = [0, 1920], sizes = [128, 128], strides = [1, 1]} : vector<128x2048xf32> to vector<128x128xf32>
    %swap3A_1357 = arith.constant 0 : index
    %swap3A_1358 = arith.constant 0 : index
    %swap3A_1359 = vector.load %arg7[%swap3A_1357, %swap3A_1358] : memref<128x128xf32, #tpu.memory_space<vmem>>, vector<128x128xf32>
    tpu.vector_store %arg7[%swap3A_1357, %swap3A_1358], %slice3A_1356 {strides = array<i32>} : memref<128x128xf32, #tpu.memory_space<vmem>>, vector<128x128xf32>,
    %slice3A_1360 = vector.extract_strided_slice %mul3A_1313 {offsets = [0, 1920], sizes = [1, 128], strides = [1, 1]} : vector<1x2048xf32> to vector<1x128xf32>
    %swap3A_1361 = arith.constant 0 : index
    %swap3A_1362 = arith.constant 0 : index
    %swap3A_1363 = vector.load %arg8[%swap3A_1361, %swap3A_1362] : memref<1x128xf32, #tpu.memory_space<vmem>>, vector<1x128xf32>
    tpu.vector_store %arg8[%swap3A_1361, %swap3A_1362], %slice3A_1360 {strides = array<i32>} : memref<1x128xf32, #tpu.memory_space<vmem>>, vector<1x128xf32>,
    %scan3A_1364 = arith.constant 0 : i32
    %scan3A_1365 = arith.constant 128 : i32
    %scan3A_1366 = arith.addi %scan3A_1364, %scan3A_1365 : i32
    %scan3A_1367 = arith.constant 1 : i32
    scf.for %scan3A_1383 = %scan3A_1364 to %scan3A_1366 step %scan3A_1367  : i32 {
      %get3A_1384 = arith.index_cast %scan3A_1383 : i32 to index
      %get3A_1385 = arith.constant 0 : index
      %get3A_1386 = vector.load %arg7[%get3A_1384, %get3A_1385] : memref<128x128xf32, #tpu.memory_space<vmem>>, vector<1x128xf32>
      %get3A_1387 = arith.constant 0 : index
      %get3A_1388 = arith.constant 0 : index
      %get3A_1389 = vector.load %arg8[%get3A_1387, %get3A_1388] : memref<1x128xf32, #tpu.memory_space<vmem>>, vector<1x128xf32>
      %eq3A = vector.broadcast %scan3A_1383 : i32 to vector<1x128xi32>
      %eq3A_1390 = arith.cmpi eq, %iota3A_163, %eq3A : vector<1x128xi32>
      %convert_element_type3A_1391 = arith.extui %eq3A_1390 : vector<1x128xi1> to vector<1x128xi32>
      %convert_element_type3A_1392 = arith.sitofp %convert_element_type3A_1391 : vector<1x128xi32> to vector<1x128xf32>
      %mul3A_1393 = arith.mulf %get3A_1389, %convert_element_type3A_1392 : vector<1x128xf32>
      %reduce_max3A_1394 = vector.shape_cast %mul3A_1393 : vector<1x128xf32> to vector<1x1x128xf32>
      %reduce_max3A_1395 = arith.constant dense<0xFF800000> : vector<1xf32>
      %reduce_max3A_1396 = vector.multi_reduction <maximumf>, %reduce_max3A_1394, %reduce_max3A_1395 [1, 2] : vector<1x1x128xf32> to vector<1xf32>
      %reduce_max3A_1397 = vector.shape_cast %reduce_max3A_1396 : vector<1xf32> to vector<1x1x1xf32>
      %reduce_max3A_1398 = vector.extract %reduce_max3A_1397[0, 0, 0] : f32 from vector<1x1x1xf32>
      %gt3A_1399 = vector.broadcast %scan3A_1383 : i32 to vector<1x128xi32>
      %gt3A_1400 = arith.cmpi sgt, %iota3A_163, %gt3A_1399 : vector<1x128xi32>
      %convert_element_type3A_1401 = arith.extui %gt3A_1400 : vector<1x128xi1> to vector<1x128xi32>
      %convert_element_type3A_1402 = arith.sitofp %convert_element_type3A_1401 : vector<1x128xi32> to vector<1x128xf32>
      %mul3A_1403 = arith.mulf %get3A_1386, %convert_element_type3A_1402 : vector<1x128xf32>
      %mul3A_1404 = vector.broadcast %reduce_max3A_1398 : f32 to vector<1x128xf32>
      %mul3A_1405 = arith.mulf %mul3A_1403, %mul3A_1404 : vector<1x128xf32>
      %get3A_1406 = arith.constant 0 : index
      %get3A_1407 = arith.constant 0 : index
      %get3A_1408 = vector.load %arg8[%get3A_1406, %get3A_1407] : memref<1x128xf32, #tpu.memory_space<vmem>>, vector<1x128xf32>
      %sub3A_1409 = arith.constant 1.000000e+00 : f32
      %sub3A_1410 = vector.broadcast %sub3A_1409 : f32 to vector<1x128xf32>
      %sub3A_1411 = arith.subf %sub3A_1410, %mul3A_1405 : vector<1x128xf32>
      %mul3A_1412 = arith.mulf %get3A_1408, %sub3A_1411 : vector<1x128xf32>
      %swap3A_1413 = arith.constant 0 : index
      %swap3A_1414 = arith.constant 0 : index
      %swap3A_1415 = vector.load %arg8[%swap3A_1413, %swap3A_1414] : memref<1x128xf32, #tpu.memory_space<vmem>>, vector<1x128xf32>
      tpu.vector_store %arg8[%swap3A_1413, %swap3A_1414], %mul3A_1412 {strides = array<i32>} : memref<1x128xf32, #tpu.memory_space<vmem>>, vector<1x128xf32>,
    }
    %scan3A_1368 = arith.constant 128 : i32
    %get3A_1369 = arith.constant 0 : index
    %get3A_1370 = arith.constant 0 : index
    %get3A_1371 = vector.load %arg8[%get3A_1369, %get3A_1370] : memref<1x128xf32, #tpu.memory_space<vmem>>, vector<1x128xf32>
    %slice3A_1372 = vector.extract_strided_slice %mul3A_1313 {offsets = [0, 0], sizes = [1, 1920], strides = [1, 1]} : vector<1x2048xf32> to vector<1x1920xf32>
    %concatenate3A_1373 = tpu.concatenate %slice3A_1372, %get3A_1371 in 1 : vector<1x1920xf32>, vector<1x128xf32> -> vector<1x2048xf32>
    %gt3A_1374 = arith.constant 5.000000e-01 : f32
    %gt3A_1375 = vector.broadcast %gt3A_1374 : f32 to vector<1x2048xf32>
    %gt3A_1376 = arith.cmpf ogt, %concatenate3A_1373, %gt3A_1375 : vector<1x2048xf32>
    %convert_element_type3A_1377 = arith.extui %gt3A_1376 : vector<1x2048xi1> to vector<1x2048xi32>
    %broadcast_in_dim3A_1378 = vector.shape_cast %convert_element_type3A_1377 : vector<1x2048xi32> to vector<1x1x2048xi32>
    %swap3A_1379 = arith.constant 0 : index
    %swap3A_1380 = arith.constant 0 : index
    %swap3A_1381 = arith.constant 0 : index
    %swap3A_1382 = vector.load %arg6[%swap3A_1379, %swap3A_1380, %swap3A_1381] : memref<1x1x2048xi32, #tpu.memory_space<vmem>>, vector<1x1x2048xi32>
    tpu.vector_store %arg6[%swap3A_1379, %swap3A_1380, %swap3A_1381], %broadcast_in_dim3A_1378 {strides = array<i32>} : memref<1x1x2048xi32, #tpu.memory_space<vmem>>, vector<1x1x2048xi32>,
    return
  }
  func.func @transform_0(%arg0: i32) -> (i32, i32, i32) {
    %c0_i32 = arith.constant 0 : i32
    %c0_i32_0 = arith.constant 0 : i32
    %c0_i32_1 = arith.constant 0 : i32
    return %arg0, %c0_i32, %c0_i32_0 : i32, i32, i32
  }
  func.func @transform_1(%arg0: i32) -> (i32, i32, i32) {
    %c0_i32 = arith.constant 0 : i32
    %c0_i32_0 = arith.constant 0 : i32
    %c0_i32_1 = arith.constant 0 : i32
    return %arg0, %c0_i32, %c0_i32_0 : i32, i32, i32
  }
  func.func @transform_2(%arg0: i32) -> (i32, i32, i32) {
    %c0_i32 = arith.constant 0 : i32
    %c0_i32_0 = arith.constant 0 : i32
    %c0_i32_1 = arith.constant 0 : i32
    return %arg0, %c0_i32, %c0_i32_0 : i32, i32, i32
  }
  func.func @transform_3(%arg0: i32) -> (i32, i32, i32) {
    %c0_i32 = arith.constant 0 : i32
    %c0_i32_0 = arith.constant 0 : i32
    %c0_i32_1 = arith.constant 0 : i32
    return %arg0, %c0_i32, %c0_i32_0 : i32, i32, i32
  }
  func.func @transform_4(%arg0: i32) -> (i32, i32, i32) {
    %c0_i32 = arith.constant 0 : i32
    %c0_i32_0 = arith.constant 0 : i32
    %c0_i32_1 = arith.constant 0 : i32
    return %arg0, %c0_i32, %c0_i32_0 : i32, i32, i32
  }
  func.func @transform_5(%arg0: i32) -> (i32, i32, i32) {
    %c0_i32 = arith.constant 0 : i32
    %c0_i32_0 = arith.constant 0 : i32
    %c0_i32_1 = arith.constant 0 : i32
    return %arg0, %c0_i32, %c0_i32_0 : i32, i32, i32
  }
}

</mosaic_0001>

<sc_bundles>
// kernel: gather_offload_async_start.1
scs
__scs_entry_jumppad:
0x0: {  	(pc) =	sbr.rel $0x88, $3  }
0x1: {  	(tag) =	ssettag $0x0;
	lr =	simm.s32 $0x1  }
0x2: {  	[smem:$0x3F9E] =	sst lr;
	_ =	strace $0xD0000000  }
0x3: {  	_ = 	snop  }
0x4: {  	_ = 	snop  }
0x5: {  	_ = 	snop  }
0x6: {  	_ = 	snop  }
0x7: {  	_ = 	snop  }
__scs_overlays_trampoline_lowered:
0x8: {  	[smem:$0x3FAD] =	sst s0  }
0x9: {  	[smem:$0x3FAE] =	sst s1  }
0xa: {  	[smem:$0x3FAF] =	sst s2  }
0xb: {  	[smem:$0x3FB0] =	sst s3  }
0xc: {  	[smem:$0x3FB1] =	sst s4  }
0xd: {  	[smem:$0x3FB2] =	sst s5  }
0xe: {  	[smem:$0x3FB3] =	sst s6  }
0xf: {  	[smem:$0x3FB4] =	sst s7  }
0x10: {  	[smem:$0x3FB5] =	sst s8  }
0x11: {  	[smem:$0x3FB6] =	sst s9;
	s0 =	simm.s32 @!p0 $0x0  }
0x12: {  	s1 =	sld [smem:$0x3F9C];
	s0 =	simm.s32 @p0 $0x1  }
0x13: {  	[smem:$0x3FB7] =	sst s0;
	s0 =	simm.s32 @!p1 $0x0  }
0x14: {  	s2 =	sld [smem:$0x3F9B];
	s0 =	simm.s32 @p1 $0x1  }
0x15: {  	[smem:$0x3FB8] =	sst s0;
	s0 =	simm.s32 @!p2 $0x0  }
0x16: {  	s3 =	sld [smem:$0x3FDB];
	s0 =	simm.s32 @p2 $0x1  }
0x17: {  	s4 =	simm.s32 $0x1BF5;
	[smem:$0x3FBA] =	sst s0  }
0x18: {  	s0 =	sld [smem:$0x3F9D];
	_ =	swait.ge [sflag:s4], $0x0  }
0x19: {  	s7 =	sld [smem:$0x3F9E]  }
0x1a: {  	s8 =	sadd.s32 $0xFFFFE003, lr  }
0x1b: {  	s9 =	sadd.s32 $0xFFFFFEF7, lr;
	s5 =	simm.s32 $0xFFFFFFFF;
	p2 =	slt.u32 s8, $0xFFFFF086  }
0x1c: {  	p1 =	slt.u32 s9, $0xF7A;
	s5 =	simm.s32 @!p2 $0x0  }
0x1d: {  	s5 =	simm.s32 @p1 $0x1;
	p0 =	seq.s32 s7, s2  }
0x1e: {  	s7 =	smul.u32 @!p0 $0xF7A, s2;
	p2 =	seq.s32 @!p0 s5, $0x0  }
0x1f: {  	s9 =	smul.u32 $0xF7A, s1;
	s8 =	simm.s32 @!p0 $0x1BF5;
	p2 =	por !p2, p0  }
0x20: {  	[sflag:s8] =	ssyncset.s32 @!p0 $0xFFFFF086;
	s6 =	sadd.s32 @!p0 s3, s7;
	s7 =	simm.s32 @!p0 $0x108  }
0x21: {  	s3 =	sadd.s32 s3, s9;
	s6 =	sadd.s32 @!p0 $0x88, s6;
	s7 =	simm.s32 @p2 $0x1082  }
0x22: {  	[simem:s7], [sflag:s8] =	dma.local @!p0 [hbm:s6], $0xF7A  }
0x23: {  	s9 =	sor.u32 $0xD0000000, s2;
	s6 =	simm.s32 $0x108;
	_ =	swait.ge @!p0 [sflag:s8], $0x0  }
0x24: {  	s3 =	sadd.s32 $0x88, s3;
	s6 =	simm.s32 @!p1 $0x1082;
	[sflag:s4] =	ssyncset.s32 $0xFFFFF086  }
0x25: {  	[simem:s6], [sflag:s4] =	dma.local [hbm:s3], $0xF7A  }
0x26: {  	[smem:$0x3F9E] =	sst s1;
	(tag) =	ssettag s2;
	_ =	strace s9  }
0x27: {  	s1 =	sld [smem:$0x3FAE]  }
0x28: {  	s2 =	sld [smem:$0x3FAF]  }
0x29: {  	s4 =	sld [smem:$0x3FB1]  }
0x2a: {  	p0 =	seq.s32 s5, $0x0;
	s5 =	sld [smem:$0x3FB2]  }
0x2b: {  	s6 =	sld [smem:$0x3FB3]  }
0x2c: {  	s7 =	sld [smem:$0x3FB4]  }
0x2d: {  	s3 =	simm.s32 $0x108;
	s8 =	sld [smem:$0x3FB5]  }
0x2e: {  	s3 =	simm.s32 @!p0 $0x1082;
	s9 =	sld [smem:$0x3FB6]  }
0x2f: {  	lr =	sadd.s32 s0, s3;
	s0 =	sld [smem:$0x3FAD]  }
0x30: {  	s3 =	sld [smem:$0x3FB0]  }
0x31: {  	[smem:$0x3FB9] =	sst s10  }
0x32: {  	s10 =	sld [smem:$0x3FB7];
	_ =	sdelay $0x3  }
0x33: {  	p0 =	seq.s32 s10, $0x1;
	s10 =	sld [smem:$0x3FB9];
	_ =	sdelay $0x3  }
0x34: {  	[smem:$0x3FB9] =	sst s10  }
0x35: {  	s10 =	sld [smem:$0x3FB8];
	_ =	sdelay $0x3  }
0x36: {  	p1 =	seq.s32 s10, $0x1;
	s10 =	sld [smem:$0x3FB9];
	_ =	sdelay $0x3  }
0x37: {  	[smem:$0x3FB9] =	sst s10  }
0x38: {  	s10 =	sld [smem:$0x3FBA]  }
0x39: {  	_ = 	snop;
	(pc) =	sbr.ind lr, $3  }
0x3a: {  	_ = 	snop  }
0x3b: {  	_ = 	snop  }
0x3c: {  	p2 =	seq.s32 s10, $0x1;
	s10 =	sld [smem:$0x3FB9]  }
0x3d: {  	_ =	shalt  }
0x3e: {  	_ =	shalt  }
0x3f: {  	_ =	shalt  }
0x40: {  	_ =	shalt  }
0x41: {  	_ =	shalt  }
0x42: {  	_ =	shalt  }
0x43: {  	_ =	shalt  }
0x44: {  	_ =	shalt  }
0x45: {  	_ =	shalt  }
0x46: {  	_ =	shalt  }
0x47: {  	_ =	shalt  }
0x48: {  	_ =	shalt  }
0x49: {  	_ =	shalt  }
0x4a: {  	_ =	shalt  }
0x4b: {  	_ =	shalt  }
0x4c: {  	_ =	shalt  }
0x4d: {  	_ =	shalt  }
0x4e: {  	_ =	shalt  }
0x4f: {  	_ =	shalt  }
0x50: {  	_ =	shalt  }
0x51: {  	_ =	shalt  }
0x52: {  	_ =	shalt  }
0x53: {  	_ =	shalt  }
0x54: {  	_ =	shalt  }
0x55: {  	_ =	shalt  }
0x56: {  	_ =	shalt  }
0x57: {  	_ =	shalt  }
0x58: {  	_ =	shalt  }
0x59: {  	_ =	shalt  }
0x5a: {  	_ =	shalt  }
0x5b: {  	_ =	shalt  }
0x5c: {  	_ =	shalt  }
0x5d: {  	_ =	shalt  }
0x5e: {  	_ =	shalt  }
0x5f: {  	_ =	shalt  }
0x60: {  	_ =	shalt  }
0x61: {  	_ =	shalt  }
0x62: {  	_ =	shalt  }
0x63: {  	_ =	shalt  }
0x64: {  	_ =	shalt  }
0x65: {  	_ =	shalt  }
0x66: {  	_ =	shalt  }
0x67: {  	_ =	shalt  }
0x68: {  	_ =	shalt  }
0x69: {  	_ =	shalt  }
0x6a: {  	_ =	shalt  }
0x6b: {  	_ =	shalt  }
0x6c: {  	_ =	shalt  }
0x6d: {  	_ =	shalt  }
0x6e: {  	_ =	shalt  }
0x6f: {  	_ =	shalt  }
0x70: {  	_ =	shalt  }
0x71: {  	_ =	shalt  }
0x72: {  	_ =	shalt  }
0x73: {  	_ =	shalt  }
0x74: {  	_ =	shalt  }
0x75: {  	_ =	shalt  }
0x76: {  	_ =	shalt  }
0x77: {  	_ =	shalt  }
0x78: {  	_ =	shalt  }
0x79: {  	_ =	shalt  }
0x7a: {  	_ =	shalt  }
0x7b: {  	_ =	shalt  }
0x7c: {  	_ =	shalt  }
0x7d: {  	_ =	shalt  }
0x7e: {  	_ =	shalt  }
0x7f: {  	_ =	shalt  }
0x80: {  	_ =	shalt  }
0x81: {  	_ =	shalt  }
0x82: {  	_ =	shalt  }
0x83: {  	_ =	shalt  }
0x84: {  	_ =	shalt  }
0x85: {  	_ =	shalt  }
0x86: {  	_ =	shalt  }
0x87: {  	_ =	shalt  }
.Lfunc_end0:
.L_simem_size_0:
called_computation.1_lowered:
.L_overlay_start_0:
0x88: {  	s0 =	sld [smem:$0x3FD9]  }
0x89: {  	s1 =	sld [smem:$0x3FFE];
	_ =	sdelay $0x3  }
0x8a: {  	s0 =	sadd.s32 s1, s0  }
0x8b: {  	[smem:$0x3FC5] =	sst s0  }
0x8c: {  	_ = 	snop  }
0x8d: {  	(tm) =	ssettm $0x1  }
0x8e: {  	s15 =	sld [smem:$0x3FFB];
	_ =	sdelay $0x3  }
0x8f: {  	_ =	strace s15  }
0x90: {  	s0 =	sld [smem:$0x3FFC];
	_ =	sdelay $0x3  }
0x91: {  	_ =	strace s0  }
0x92: {  	s0 =	sld [smem:$0x3FFD];
	_ =	sdelay $0x3  }
0x93: {  	_ =	strace s0  }
0x94: {  	_ =	strace $0x8FFFFFFF  }
0x95: {  	s16 =	sld [smem:$0x3FDB];
	_ =	sdelay $0x1  }
0x96: {  	s17 =	simm.s32 $_scs_section_size  }
0x97: {  	s2 =	simm.s32 $_size__tile_overlayer_lowered;
	s3 =	simm.s32 $_tile_overlayer_lowered  }
0x98: {  	s20 =	simm.s32 $0x1BFF;
	s19 =	sshll.u32 s3, $0x1;
	s0 =	sadd.s32 s17, s16  }
0x99: {  	s4 =	simm.s32 $0x0;
	s18 =	sshll.u32 s2, $0x1;
	s2 =	sadd.s32 s19, s0  }
0x9a: {  	[timem:s4], [sflag:s20] =	dma.local [hbm:s2], s18  }
0x9b: {  	_ =	swait.ge [sflag:s20], s18  }
0x9c: {  	s1 =	ssub.s32 $0x0, s18;
	[sflag:s20] =	ssyncset.done $0x0  }
0x9d: {  	[sflag:s20] =	ssyncadd.s32 s1;
	_ =	sdelay $0x1  }
0x9e: {  	s21 =	simm.s32 $0x1B8B  }
0x9f: {  	_ =	swait.ge [sflag:s21], $0x1  }
0xa0: {  	[sflag:s21] =	ssyncset.done $0x0  }
0xa1: {  	s23 =	simm.s32 $0x1B8E;
	s22 =	sld [smem:$0x3FFE];
	[sflag:s21] =	ssyncadd.s32 $0xFFFFFFFF  }
0xa2: {  	s24 =	simm.s32 $execute0_lowered;
	[smem:$0x3FD2] =	sst s23  }
0xa3: {  	s2 =	sshll.u32 s24, $0x1;
	_ =	strace $0x80000052;
	[dreg:$0x1] =	wrdreg $0xFFFFFFFF  }
0xa4: {  	s25 =	simm.s32 $_size_execute0_lowered;
	s0 =	sadd.s32 s0, s2;
	[dreg:$0x0] =	wrdreg $0x0  }
0xa5: {  	s2 =	sshll.u32 s25, $0x1;
	[dreg:$0x2] =	wrdreg s0  }
0xa6: {  	[dreg:$0x3] =	wrdreg s2  }
0xa7: {  	[dreg:$0x4] =	wrdreg $0xC0  }
0xa8: {  	_ =	task [dreg:s4], $0x5FFFF  }
0xa9: {  	[dreg:$0x1] =	wrdreg $0xFFFFFFFF  }
0xaa: {  	[dreg:$0x0] =	wrdreg $0x60  }
0xab: {  	[dreg:$0x2] =	wrdreg s22  }
0xac: {  	[dreg:$0x3] =	wrdreg $0x9  }
0xad: {  	_ =	task.clear_ibuf [dreg:s4], $0x4FFFF;
	_ =	strace $0x90000052  }
0xae: {  	s26 =	simm.s32 $0x9;
	_ =	strace $0x80000054  }
0xaf: {  	_ =	swait.ge [sflag:s26], $0x1  }
0xb0: {  	[sflag:s26] =	ssyncadd.s32 $0xFFFFFFFF  }
0xb1: {  	_ =	strace $0x90000054  }
0xb2: {  	_ =	sfence  }
0xb3: {  	s28 =	sld [smem:$0x0];
	_ =	sdelay $0x1  }
0xb4: {  	s29 =	srdreg.scid  }
0xb5: {  	s30 =	sshll.u32 s29, $0xD;
	s31 =	sshrl.u32 s29, $0x2  }
0xb6: {  	s1 =	sand.u32 $0x1, s29;
	s2 =	sand.u32 $0x4000, s30;
	s0 =	sadd.s32 s31, s28  }
0xb7: {  	s1 =	sor.u32 s2, s1;
	s0 =	sshll.u32 s0, $0x11  }
0xb8: {  	s0 =	sor.u32 s0, s1  }
0xb9: {  	s0 =	sadd.s32 $0x8F2B, s0  }
0xba: {  	[sflag:s0] =	ssyncadd.remote.s32 $0x1  }
0xbb: {  	_ =	sfence.sel $0xFFFF  }
0xbc: {  	[dreg:$0x0] =	wrdreg $0xFFFFFFFF;
	(pc) =	sbr.abs _section_cstart, $3  }
0xbd: {  	[dreg:$0x1] =	wrdreg $0xFFFFFFFF  }
0xbe: {  	_ =	task.clear_ibuf [dreg:s4], $0x2FFFF;
	_ =	strace $0x9FFFFFFF  }
0xbf: {  	(tm) =	ssettm $0x7FFFFFFF  }
tec
execute0_lowered:
.L_overlay_start_1:
0x0: {  	(tag) =	ssettag $0x1  }
0x1: {  	s0 =	stileid.u32  }
0x2: {  	s1 =	smin.u32 s0, $0x9  }
0x3: {  	s1 =	sadd.s32 s0, s1  }
0x4: {  	p0 =	slt.u32 s0, $0x9;
	s2 =	smul.u32 $0x50, s1;
	s1 =	simm.s32 $0xA0  }
0x5: {  	s1 =	simm.s32 @!p0 $0x50  }
0x6: {  	s1 =	sadd.s32 s1, s2  }
0x7: {  	s3 =	smin.u32 s1, $0x7D0  }
0x8: {  	s7 =	ssub.s32 s3, s2  }
0x9: {  	p0 =	sgt.s32 s7, $0x0  }
0xa: {  	s7 =	simm.s32 @!p0 $0x0  }
0xb: {  	s31 =	smul.u32 $0xCCCD, s7  }
0xc: {  	s9 =	rddreg [dreg:$0x0];
	s6 =	simm.s32 $0x1;
	s11 =	simm.s32 $0x3  }
0xd: {  	s13 =	simm.s32 $0x0;
	s12 =	simm.s32 $0x0;
	s8 =	sshrl.u32 s31, $0x16  }
0xe: {  	s4 =	sadd.s32 $0x400, s9;
	s5 =	sadd.s32 $0x200, s9;
	s10 =	smul.u32 $0x50, s8  }
.Ltmp0:
0xf: {  	s9 =	sadd.s32 $0xFE00, s9;
	s1 =	rddreg [dreg:$0x1];
	(pc) =	sbr.rel .LBB2_1-.Ltmp0, $4  }
0x10: {  	_ =	strace $0x80000053;
	p0 =	sne.s32 s7, s10;
	s10 =	simm.s32 $0x1  }
0x11: {  	[sflag:s6] =	ssyncpa.u1 $0x0;
	s7 =	simm.s32 $0x2;
	s10 =	simm.s32 @!p0 $0x0  }
0x12: {  	[sflag:s7] =	ssyncpa.u1 $0x0;
	p0 =	por $0x0, $0x0;
	s8 =	sadd.s32 s8, s10  }
0x13: {  	v0 =	vimm.s32 $0x0;
	vm0 =	vmmov $0xff;
	vm1 =	vcmask $0x3F20;
	[sflag:s11] =	ssyncpa.u1 $0x0;
	s11 =	smov.u32 s2;
	s10 =	sadd.s32 $0x1, s8  }
.LBB2_6:
0x14: {  	[hbm:s17] =	stream.linear.scatter [tilespmem:s14], [sflag:$0x3], $0x400, $0x38;
	[tilespmem:$0x50A0] =	vst v63  }
.LBB2_7:
0x15: {  	s13 =	sadd.s32 $0x50, s11  }
0x16: {  	s15 =	smov.u32 s2;
	p2 =	slt.s32 s13, s3  }
0x17: {  	s15 =	smov.u32 @p2 s13;
	p2 =	sne.s32 s12, s10  }
.Ltmp1:
0x18: {  	p1 =	slt.u32 s12, $0x2;
	(pc) =	sbr.rel @!p2 .LBB2_8-.Ltmp1, $4  }
0x19: {  	s14 =	simm.s32 @!p1 $0x3  }
0x1a: {  	s16 =	sadd.s32 $0x1, s12;
	_ =	swait.ge @!p1 [sflag:s14], $0x2800  }
0x1b: {  	p0 =	por !p0, !p0;
	s13 =	smov.u32 s11;
	[sflag:s14] =	ssyncset.done @!p1 $0x0  }
0x1c: {  	s12 =	smov.u32 s16;
	s11 =	smov.u32 s15;
	[sflag:s14] =	ssyncadd.s32 @!p1 $0xFFFFD800  }
.LBB2_1:
0x1d: {  	p1 =	sge.u32 s12, s8  }
0x1e: {  	s14 =	sxor.u32 @!p1 $0xFFFFFFFF, s12  }
0x1f: {  	s14 =	sand.u32 @!p1 $0x1, s14  }
0x20: {  	s14 =	smul.u32 @!p1 $0x140, s14  }
0x21: {  	s31 =	sadd.s32 $0xFFFFFFFF, s12;
	s15 =	sshrl.u32 @!p1 s11, $0x3  }
0x22: {  	s16 =	sand.u32 @!p1 $0x7, s11;
	s15 =	sadd.s32 @!p1 s5, s15;
	s14 =	sshrl.u32 @!p1 s14, $0x2  }
0x23: {  	[tilespmem:s14], [sflag:$0x2] =	stream.linear.gather @!p1 [hbm4b:s15+s16], $0x50, $0x38;
	[tilespmem:$0x50A0] =	vst v63  }
0x24: {  	p1 =	sge.u32 s31, s8  }
.Ltmp2:
0x25: {  	_ = 	snop;
	(pc) =	sbr.rel @p1 .LBB2_7-.Ltmp2, $1  }
0x26: {  	_ =	sdelay $0x3  }
0x27: {  	s14 =	simm.s32 $0x1  }
0x28: {  	s14 =	simm.s32 @!p0 $0x0  }
0x29: {  	s15 =	smul.u32 $0x140, s14  }
0x2a: {  	_ =	swait.ge [sflag:s7], $0x50  }
0x2b: {  	[sflag:s7] =	ssyncset.done $0x0;
	s16 =	sshrl.u32 s15, $0x2  }
0x2c: {  	[sflag:s7] =	ssyncadd.s32 $0xFFFFFFB0;
	s15 =	sadd.s32 $0x0, s16  }
0x2d: {  	v1 =	vld.msk [tilespmem:s15+$0x0 ss:$0x1], $0xffff;
	_ =	sdelay $0x4  }
0x2e: {  	v2 =	vand.u32 $0x1, v1;
	v3 =	vshll.u32 v1, $0x6  }
0x2f: {  	vm2 =	veq.s32 v1, $0x80000000;
	vm3 =	veq.s32 v2, $0x1;
	v1 =	vand.u32 $0x3FF80, v3  }
0x30: {  	v2 =	vsel vm3, $0x3E800, v0;
	v1 =	vsel vm2, $0xFFFFFF80, v1  }
0x31: {  	v2 =	vsel vm2, $0xFFFC1800, v2;
	v3 =	vand.u32 $0xFFFFFC00, v1  }
0x32: {  	v1 =	vand.u32 $0x380, v1;
	v2 =	vadd.s32 v2, v3  }
0x33: {  	v1 =	vor.u32 v1, v2  }
0x34: {  	v1 =	vshrl.u32 v1, $0x3  }
0x35: {  	s14 =	smul.u32 $0xA000, s14;
	_ =	sdelay $0x1  }
0x36: {  	s14 =	sshrl.u32 s14, $0x2  }
0x37: {  	s14 =	sor.u32 $0xA0, s14  }
0x38: {  	[tilespmem:s14], [sflag:$0x1] =	stream.indirect_vreg.gather [hbm:s4], $0x80, v1, vm0, $0x38;
	[tilespmem:$0x50A0] =	vst v63  }
0x39: {  	s17 =	sadd.s32 $0x10, s16;
	s15 =	sadd.s32 $0x400, s14  }
0x3a: {  	[tilespmem:s15], [sflag:$0x1] =	stream.indirect_vreg.gather [hbm:s4], $0x80, v1, vm1, $0x38;
	[tilespmem:$0x50A0] =	vst v63  }
0x3b: {  	s18 =	simm.s32 $0x80;
	v1 =	vld.msk [tilespmem:s17+$0x0 ss:$0x1], $0xffff;
	s17 =	smov.u32 s14  }
.LBB2_3:
0x3c: {  	p1 =	sne.s32 s18, $0x100;
	_ =	sdelay $0x4  }
0x3d: {  	v2 =	vand.u32 $0x1, v1;
	v3 =	vshll.u32 v1, $0x6  }
0x3e: {  	vm2 =	veq.s32 v1, $0x80000000;
	vm3 =	veq.s32 v2, $0x1;
	v1 =	vand.u32 $0x3FF80, v3  }
0x3f: {  	v2 =	vsel vm3, $0x3E800, v0;
	v1 =	vsel vm2, $0xFFFFFF80, v1  }
0x40: {  	v2 =	vsel vm2, $0xFFFC1800, v2;
	v3 =	vand.u32 $0xFFFFFC00, v1  }
0x41: {  	v1 =	vand.u32 $0x380, v1;
	v2 =	vadd.s32 v2, v3  }
0x42: {  	v1 =	vor.u32 v1, v2  }
0x43: {  	v1 =	vshrl.u32 v1, $0x3;
	_ =	sdelay $0x3  }
.Ltmp3:
0x44: {  	s19 =	sshra.s32 s18, $0x2;
	s17 =	sadd.s32 $0x800, s17;
	(pc) =	sbr.rel @p1 .LBB2_3-.Ltmp3, $4  }
0x45: {  	[tilespmem:s17], [sflag:$0x1] =	stream.indirect_vreg.gather [hbm:s4], $0x80, v1, vm0, $0x38;
	[tilespmem:$0x50A0] =	vst v63  }
0x46: {  	s19 =	sadd.s32 s19, s16;
	s20 =	sadd.s32 $0x400, s17  }
0x47: {  	[tilespmem:s20], [sflag:$0x1] =	stream.indirect_vreg.gather [hbm:s4], $0x80, v1, vm1, $0x38;
	[tilespmem:$0x50A0] =	vst v63  }
0x48: {  	s18 =	sadd.s32 $0x40, s18;
	v1 =	vld.msk [tilespmem:s19+$0x0 ss:$0x1], $0xffff  }
0x49: {  	_ =	sdelay $0x3  }
0x4a: {  	v2 =	vand.u32 $0x1, v1;
	v3 =	vshll.u32 v1, $0x6  }
0x4b: {  	vm2 =	veq.s32 v1, $0x80000000;
	vm3 =	veq.s32 v2, $0x1;
	v1 =	vand.u32 $0x3FF80, v3  }
0x4c: {  	v2 =	vsel vm3, $0x3E800, v0;
	v1 =	vsel vm2, $0xFFFFFF80, v1  }
0x4d: {  	v2 =	vsel vm2, $0xFFFC1800, v2;
	v3 =	vand.u32 $0xFFFFFC00, v1  }
0x4e: {  	v1 =	vand.u32 $0x380, v1;
	v2 =	vadd.s32 v2, v3  }
0x4f: {  	v1 =	vor.u32 v1, v2  }
0x50: {  	v1 =	vshrl.u32 v1, $0x3;
	_ =	sdelay $0x3  }
0x51: {  	s16 =	sadd.s32 $0x800, s17  }
0x52: {  	[tilespmem:s16], [sflag:$0x1] =	stream.indirect_vreg.gather [hbm:s4], $0x80, v1, vm0, $0x38;
	[tilespmem:$0x50A0] =	vst v63  }
0x53: {  	s16 =	sadd.s32 $0x400, s16  }
0x54: {  	[tilespmem:s16], [sflag:$0x1] =	stream.indirect_vreg.gather [hbm:s4], $0x80, v1, vm1, $0x38;
	[tilespmem:$0x50A0] =	vst v63  }
0x55: {  	s13 =	sshll.u32 s13, $0x4;
	_ =	swait.ge [sflag:s6], $0x2800  }
0x56: {  	s13 =	sadd.s32 s13, s9;
	[sflag:s6] =	ssyncset.done $0x0  }
0x57: {  	s17 =	sadd.s32 $0x0, s13;
	s16 =	simm.s32 $0x80;
	[sflag:s6] =	ssyncadd.s32 $0xFFFFD800  }
.LBB2_5:
0x58: {  	[hbm:s17] =	stream.linear.scatter [tilespmem:s14], [sflag:$0x3], $0x400, $0x38;
	[tilespmem:$0x50A0] =	vst v63  }
0x59: {  	s17 =	smov.u32 s16;
	s14 =	smov.u32 s15;
	p1 =	sne.s32 s16, $0x480  }
.Ltmp4:
0x5a: {  	s16 =	sadd.s32 $0x80, s16;
	(pc) =	sbr.rel @p1 .LBB2_5-.Ltmp4, $2  }
0x5b: {  	_ =	sdelay $0x2  }
0x5c: {  	s15 =	sadd.s32 $0x400, s15;
	s17 =	sadd.s32 s17, s13  }
.Ltmp5:
0x5d: {  	_ = 	snop;
	(pc) =	sbr.rel .LBB2_6-.Ltmp5, $1  }
0x5e: {  	_ =	sdelay $0x3  }
.LBB2_8:
0x5f: {  	_ =	sfence.sel $0x180000  }
0x60: {  	s2 =	simm.s32 $0x2;
	[bflag:$0x0] =	sbarrier.arrive $0xFFFF  }
0x61: {  	s30 =	simm.s32 $0x3;
	[sflag:s2] =	ssyncpa.u1 $0x1  }
0x62: {  	s31 =	simm.s32 $0x1;
	[sflag:s30] =	ssyncpa.u1 $0x1  }
0x63: {  	[sflag:s31] =	ssyncpa.u1 $0x1  }
0x64: {  	p0 =	sne.s32 s0, $0x0;
	_ =	strace $0x90000053  }
0x65: {  	s0 =	sadd.s32 @!p0 $0x100000, s1;
	[bflag:$0x2] =	sbarrier.arrive $0xFFFF  }
0x66: {  	[sflag:s0] =	ssyncadd.tile.s32 @!p0 $0x1;
	_ =	shalt  }
.Lfunc_end2:
_tile_overlayer_lowered:
.L_overlay_start_2:
0x67: {  	(tag) =	ssettag $0x2  }
0x68: {  	s0 =	rddreg [dreg:$0x0];
	s2 =	stileid.u32  }
0x69: {  	s1 =	rddreg [dreg:$0x1];
	p0 =	sne.s32 s2, $0x0  }
0x6a: {  	s3 =	rddreg [dreg:$0x2];
	[bflag:$0x3] =	sbarrier.arrive $0xFFFF;
	s2 =	simm.s32 @!p0 $0x1C01  }
0x6b: {  	[timem:s3], [sflag:s2] =	dma.local @!p0 [hbm:s0], s1  }
0x6c: {  	s0 =	simm.s32 @!p0 $0x1  }
0x6d: {  	_ =	swait.ge @!p0 [sflag:s0], s1  }
0x6e: {  	s1 =	ssub.s32 @!p0 $0x0, s1;
	[sflag:s0] =	ssyncset.done @!p0 $0x0  }
0x6f: {  	[sflag:s0] =	ssyncadd.s32 @!p0 s1  }
0x70: {  	[bflag:$0x3] =	sbarrier.arrive $0xFFFF  }
0x71: {  	_ =	shalt  }

// kernel: gather_offload_async_start.2
scs
__scs_entry_jumppad:
0x0: {  	(pc) =	sbr.rel $0x88, $3  }
0x1: {  	(tag) =	ssettag $0x0;
	lr =	simm.s32 $0x1  }
0x2: {  	[smem:$0x3F9E] =	sst lr;
	_ =	strace $0xD0000000  }
0x3: {  	_ = 	snop  }
0x4: {  	_ = 	snop  }
0x5: {  	_ = 	snop  }
0x6: {  	_ = 	snop  }
0x7: {  	_ = 	snop  }
__scs_overlays_trampoline_lowered:
0x8: {  	[smem:$0x3FAD] =	sst s0  }
0x9: {  	[smem:$0x3FAE] =	sst s1  }
0xa: {  	[smem:$0x3FAF] =	sst s2  }
0xb: {  	[smem:$0x3FB0] =	sst s3  }
0xc: {  	[smem:$0x3FB1] =	sst s4  }
0xd: {  	[smem:$0x3FB2] =	sst s5  }
0xe: {  	[smem:$0x3FB3] =	sst s6  }
0xf: {  	[smem:$0x3FB4] =	sst s7  }
0x10: {  	[smem:$0x3FB5] =	sst s8  }
0x11: {  	[smem:$0x3FB6] =	sst s9;
	s0 =	simm.s32 @!p0 $0x0  }
0x12: {  	s1 =	sld [smem:$0x3F9C];
	s0 =	simm.s32 @p0 $0x1  }
0x13: {  	[smem:$0x3FB7] =	sst s0;
	s0 =	simm.s32 @!p1 $0x0  }
0x14: {  	s2 =	sld [smem:$0x3F9B];
	s0 =	simm.s32 @p1 $0x1  }
0x15: {  	[smem:$0x3FB8] =	sst s0;
	s0 =	simm.s32 @!p2 $0x0  }
0x16: {  	s3 =	sld [smem:$0x3FDB];
	s0 =	simm.s32 @p2 $0x1  }
0x17: {  	s4 =	simm.s32 $0x1BF5;
	[smem:$0x3FBA] =	sst s0  }
0x18: {  	s0 =	sld [smem:$0x3F9D];
	_ =	swait.ge [sflag:s4], $0x0  }
0x19: {  	s7 =	sld [smem:$0x3F9E]  }
0x1a: {  	s8 =	sadd.s32 $0xFFFFE003, lr  }
0x1b: {  	s9 =	sadd.s32 $0xFFFFFEF7, lr;
	s5 =	simm.s32 $0xFFFFFFFF;
	p2 =	slt.u32 s8, $0xFFFFF086  }
0x1c: {  	p1 =	slt.u32 s9, $0xF7A;
	s5 =	simm.s32 @!p2 $0x0  }
0x1d: {  	s5 =	simm.s32 @p1 $0x1;
	p0 =	seq.s32 s7, s2  }
0x1e: {  	s7 =	smul.u32 @!p0 $0xF7A, s2;
	p2 =	seq.s32 @!p0 s5, $0x0  }
0x1f: {  	s9 =	smul.u32 $0xF7A, s1;
	s8 =	simm.s32 @!p0 $0x1BF5;
	p2 =	por !p2, p0  }
0x20: {  	[sflag:s8] =	ssyncset.s32 @!p0 $0xFFFFF086;
	s6 =	sadd.s32 @!p0 s3, s7;
	s7 =	simm.s32 @!p0 $0x108  }
0x21: {  	s3 =	sadd.s32 s3, s9;
	s6 =	sadd.s32 @!p0 $0x88, s6;
	s7 =	simm.s32 @p2 $0x1082  }
0x22: {  	[simem:s7], [sflag:s8] =	dma.local @!p0 [hbm:s6], $0xF7A  }
0x23: {  	s9 =	sor.u32 $0xD0000000, s2;
	s6 =	simm.s32 $0x108;
	_ =	swait.ge @!p0 [sflag:s8], $0x0  }
0x24: {  	s3 =	sadd.s32 $0x88, s3;
	s6 =	simm.s32 @!p1 $0x1082;
	[sflag:s4] =	ssyncset.s32 $0xFFFFF086  }
0x25: {  	[simem:s6], [sflag:s4] =	dma.local [hbm:s3], $0xF7A  }
0x26: {  	[smem:$0x3F9E] =	sst s1;
	(tag) =	ssettag s2;
	_ =	strace s9  }
0x27: {  	s1 =	sld [smem:$0x3FAE]  }
0x28: {  	s2 =	sld [smem:$0x3FAF]  }
0x29: {  	s4 =	sld [smem:$0x3FB1]  }
0x2a: {  	p0 =	seq.s32 s5, $0x0;
	s5 =	sld [smem:$0x3FB2]  }
0x2b: {  	s6 =	sld [smem:$0x3FB3]  }
0x2c: {  	s7 =	sld [smem:$0x3FB4]  }
0x2d: {  	s3 =	simm.s32 $0x108;
	s8 =	sld [smem:$0x3FB5]  }
0x2e: {  	s3 =	simm.s32 @!p0 $0x1082;
	s9 =	sld [smem:$0x3FB6]  }
0x2f: {  	lr =	sadd.s32 s0, s3;
	s0 =	sld [smem:$0x3FAD]  }
0x30: {  	s3 =	sld [smem:$0x3FB0]  }
0x31: {  	[smem:$0x3FB9] =	sst s10  }
0x32: {  	s10 =	sld [smem:$0x3FB7];
	_ =	sdelay $0x3  }
0x33: {  	p0 =	seq.s32 s10, $0x1;
	s10 =	sld [smem:$0x3FB9];
	_ =	sdelay $0x3  }
0x34: {  	[smem:$0x3FB9] =	sst s10  }
0x35: {  	s10 =	sld [smem:$0x3FB8];
	_ =	sdelay $0x3  }
0x36: {  	p1 =	seq.s32 s10, $0x1;
	s10 =	sld [smem:$0x3FB9];
	_ =	sdelay $0x3  }
0x37: {  	[smem:$0x3FB9] =	sst s10  }
0x38: {  	s10 =	sld [smem:$0x3FBA]  }
0x39: {  	_ = 	snop;
	(pc) =	sbr.ind lr, $3  }
0x3a: {  	_ = 	snop  }
0x3b: {  	_ = 	snop  }
0x3c: {  	p2 =	seq.s32 s10, $0x1;
	s10 =	sld [smem:$0x3FB9]  }
0x3d: {  	_ =	shalt  }
0x3e: {  	_ =	shalt  }
0x3f: {  	_ =	shalt  }
0x40: {  	_ =	shalt  }
0x41: {  	_ =	shalt  }
0x42: {  	_ =	shalt  }
0x43: {  	_ =	shalt  }
0x44: {  	_ =	shalt  }
0x45: {  	_ =	shalt  }
0x46: {  	_ =	shalt  }
0x47: {  	_ =	shalt  }
0x48: {  	_ =	shalt  }
0x49: {  	_ =	shalt  }
0x4a: {  	_ =	shalt  }
0x4b: {  	_ =	shalt  }
0x4c: {  	_ =	shalt  }
0x4d: {  	_ =	shalt  }
0x4e: {  	_ =	shalt  }
0x4f: {  	_ =	shalt  }
0x50: {  	_ =	shalt  }
0x51: {  	_ =	shalt  }
0x52: {  	_ =	shalt  }
0x53: {  	_ =	shalt  }
0x54: {  	_ =	shalt  }
0x55: {  	_ =	shalt  }
0x56: {  	_ =	shalt  }
0x57: {  	_ =	shalt  }
0x58: {  	_ =	shalt  }
0x59: {  	_ =	shalt  }
0x5a: {  	_ =	shalt  }
0x5b: {  	_ =	shalt  }
0x5c: {  	_ =	shalt  }
0x5d: {  	_ =	shalt  }
0x5e: {  	_ =	shalt  }
0x5f: {  	_ =	shalt  }
0x60: {  	_ =	shalt  }
0x61: {  	_ =	shalt  }
0x62: {  	_ =	shalt  }
0x63: {  	_ =	shalt  }
0x64: {  	_ =	shalt  }
0x65: {  	_ =	shalt  }
0x66: {  	_ =	shalt  }
0x67: {  	_ =	shalt  }
0x68: {  	_ =	shalt  }
0x69: {  	_ =	shalt  }
0x6a: {  	_ =	shalt  }
0x6b: {  	_ =	shalt  }
0x6c: {  	_ =	shalt  }
0x6d: {  	_ =	shalt  }
0x6e: {  	_ =	shalt  }
0x6f: {  	_ =	shalt  }
0x70: {  	_ =	shalt  }
0x71: {  	_ =	shalt  }
0x72: {  	_ =	shalt  }
0x73: {  	_ =	shalt  }
0x74: {  	_ =	shalt  }
0x75: {  	_ =	shalt  }
0x76: {  	_ =	shalt  }
0x77: {  	_ =	shalt  }
0x78: {  	_ =	shalt  }
0x79: {  	_ =	shalt  }
0x7a: {  	_ =	shalt  }
0x7b: {  	_ =	shalt  }
0x7c: {  	_ =	shalt  }
0x7d: {  	_ =	shalt  }
0x7e: {  	_ =	shalt  }
0x7f: {  	_ =	shalt  }
0x80: {  	_ =	shalt  }
0x81: {  	_ =	shalt  }
0x82: {  	_ =	shalt  }
0x83: {  	_ =	shalt  }
0x84: {  	_ =	shalt  }
0x85: {  	_ =	shalt  }
0x86: {  	_ =	shalt  }
0x87: {  	_ =	shalt  }
.Lfunc_end0:
.L_simem_size_0:
called_computation.2_lowered:
.L_overlay_start_0:
0x88: {  	s0 =	sld [smem:$0x3FD9]  }
0x89: {  	s1 =	sld [smem:$0x3FFE];
	_ =	sdelay $0x3  }
0x8a: {  	s0 =	sadd.s32 s1, s0  }
0x8b: {  	[smem:$0x3FC5] =	sst s0  }
0x8c: {  	_ = 	snop  }
0x8d: {  	s0 =	sld [smem:$0x3FD0];
	(tm) =	ssettm $0x1  }
0x8e: {  	s16 =	sld [smem:$0x3FFB];
	_ =	sdelay $0x3  }
0x8f: {  	_ =	strace s16  }
0x90: {  	s1 =	sld [smem:$0x3FFC];
	_ =	sdelay $0x3  }
0x91: {  	_ =	strace s1  }
0x92: {  	s1 =	sld [smem:$0x3FFD];
	_ =	sdelay $0x3  }
0x93: {  	_ =	strace s1  }
0x94: {  	_ =	strace $0x8FFFFFFF  }
0x95: {  	s17 =	sld [smem:$0x3FDB];
	_ =	sdelay $0x1  }
0x96: {  	s2 =	simm.s32 $_scs_section_size  }
0x97: {  	s3 =	simm.s32 $_size__tile_overlayer_lowered;
	s4 =	simm.s32 $_tile_overlayer_lowered  }
0x98: {  	s20 =	simm.s32 $0x1BFF;
	s19 =	sshll.u32 s4, $0x1;
	s1 =	sadd.s32 s2, s17  }
0x99: {  	s5 =	simm.s32 $0x0;
	s18 =	sshll.u32 s3, $0x1;
	s3 =	sadd.s32 s19, s1  }
0x9a: {  	[timem:s5], [sflag:s20] =	dma.local [hbm:s3], s18  }
0x9b: {  	_ =	swait.ge [sflag:s20], s18  }
0x9c: {  	s2 =	ssub.s32 $0x0, s18;
	[sflag:s20] =	ssyncset.done $0x0  }
0x9d: {  	[sflag:s20] =	ssyncadd.s32 s2;
	_ =	sdelay $0x1  }
0x9e: {  	s21 =	simm.s32 $0x1B8B  }
0x9f: {  	_ =	swait.ge [sflag:s21], $0x1  }
0xa0: {  	[sflag:s21] =	ssyncset.done $0x0  }
0xa1: {  	s23 =	simm.s32 $0x1B8E;
	s22 =	sld [smem:$0x3FFE];
	[sflag:s21] =	ssyncadd.s32 $0xFFFFFFFF  }
0xa2: {  	s24 =	simm.s32 $execute0_lowered;
	[smem:$0x3FD2] =	sst s23  }
0xa3: {  	s3 =	sshll.u32 s24, $0x1;
	_ =	strace $0x8000004F;
	[dreg:$0x1] =	wrdreg $0xFFFFFFFF  }
0xa4: {  	s25 =	simm.s32 $_size_execute0_lowered;
	s1 =	sadd.s32 s1, s3;
	[dreg:$0x0] =	wrdreg $0x0  }
0xa5: {  	s3 =	sshll.u32 s25, $0x1;
	[dreg:$0x2] =	wrdreg s1  }
0xa6: {  	[dreg:$0x3] =	wrdreg s3  }
0xa7: {  	[dreg:$0x4] =	wrdreg $0xC0  }
0xa8: {  	_ =	task [dreg:s5], $0x5FFFF  }
0xa9: {  	[dreg:$0x1] =	wrdreg $0xFFFFFFFF  }
0xaa: {  	[dreg:$0x0] =	wrdreg $0x60  }
0xab: {  	[dreg:$0x2] =	wrdreg s0  }
0xac: {  	[dreg:$0x3] =	wrdreg s22  }
0xad: {  	[dreg:$0x4] =	wrdreg $0x9  }
0xae: {  	_ =	task.clear_ibuf [dreg:s5], $0x5FFFF;
	_ =	strace $0x9000004F  }
0xaf: {  	s26 =	simm.s32 $0x9;
	_ =	strace $0x80000051  }
0xb0: {  	_ =	swait.ge [sflag:s26], $0x1  }
0xb1: {  	[sflag:s26] =	ssyncadd.s32 $0xFFFFFFFF  }
0xb2: {  	_ =	strace $0x90000051  }
0xb3: {  	_ =	sfence  }
0xb4: {  	s28 =	sld [smem:$0x0];
	_ =	sdelay $0x1  }
0xb5: {  	s29 =	srdreg.scid  }
0xb6: {  	s30 =	sshll.u32 s29, $0xD;
	s31 =	sshrl.u32 s29, $0x2  }
0xb7: {  	s2 =	sand.u32 $0x4000, s30;
	s1 =	sand.u32 $0x1, s29;
	s0 =	sadd.s32 s31, s28  }
0xb8: {  	s1 =	sor.u32 s2, s1;
	s0 =	sshll.u32 s0, $0x11  }
0xb9: {  	s0 =	sor.u32 s0, s1  }
0xba: {  	s0 =	sadd.s32 $0x8F2B, s0  }
0xbb: {  	[sflag:s0] =	ssyncadd.remote.s32 $0x1  }
0xbc: {  	_ =	sfence.sel $0xFFFF  }
0xbd: {  	[dreg:$0x0] =	wrdreg $0xFFFFFFFF;
	(pc) =	sbr.abs _section_cstart, $3  }
0xbe: {  	[dreg:$0x1] =	wrdreg $0xFFFFFFFF  }
0xbf: {  	_ =	task.clear_ibuf [dreg:s5], $0x2FFFF;
	_ =	strace $0x9FFFFFFF  }
0xc0: {  	(tm) =	ssettm $0x7FFFFFFF  }
0xc1: {  	_ =	shalt  }
tec
execute0_lowered:
.L_overlay_start_1:
0x0: {  	(tag) =	ssettag $0x1  }
0x1: {  	s2 =	rddreg [dreg:$0x0]  }
0x2: {  	s3 =	rddreg [dreg:$0x1]  }
0x3: {  	s0 =	rddreg [dreg:$0x2];
	s1 =	stileid.u32;
	_ =	strace $0x80000050  }
0x4: {  	s5 =	simm.s32 $0x1;
	s6 =	simm.s32 $0x500;
	s8 =	simm.s32 $0x1  }
0x5: {  	s9 =	simm.s32 $0x3;
	s10 =	simm.s32 $0x0;
	s4 =	smul.u32 $0x50, s1  }
0x6: {  	s13 =	simm.s32 $0x0;
	s12 =	simm.s32 $0x0;
	p0 =	slt.u32 s1, $0xA  }
.Ltmp0:
0x7: {  	s6 =	simm.s32 @!p0 $0x0;
	s7 =	ssub.s32 $0x7D0, s4;
	(pc) =	sbr.rel .LBB2_1-.Ltmp0, $4  }
0x8: {  	s8 =	simm.s32 @!p0 $0x0;
	p0 =	sne.s32 s7, s6;
	s7 =	simm.s32 $0x1  }
0x9: {  	[sflag:s5] =	ssyncpa.u1 $0x0;
	s6 =	simm.s32 $0x2;
	s7 =	simm.s32 @!p0 $0x0  }
0xa: {  	s11 =	smov.u32 s4;
	[sflag:s6] =	ssyncpa.u1 $0x0;
	s7 =	sadd.s32 s8, s7  }
0xb: {  	vm0 =	vmmov $0xffff;
	s8 =	sadd.s32 $0x200, s3;
	[sflag:s9] =	ssyncpa.u1 $0x0;
	s9 =	sadd.s32 $0x1, s7  }
.LBB2_4:
0xc: {  	v5 =	vld.msk [tilespmem:s18+$0x0 ss:$0x1], $0xffff  }
0xd: {  	v6 =	vand.u32 $0x1, v1;
	v7 =	vshrl.u32 v1, $0x1  }
0xe: {  	v3 =	vor.u32 v4, v3;
	vm1 =	veq.s32 v1, $0x80000000;
	v53 =	vand.u32 $0x7FF, v7  }
0xf: {  	v2 =	vor.u32 v2, v3;
	v54 =	vsel vm1, $0xFFFFFFFF, v6;
	v1 =	vsel vm1, $0xFFFFFFFF, v53  }
0x10: {  	v6 =	vshll.u32 v54, $0x7;
	v3 =	vand.u32 $0xFFFFF000, v54;
	v55 =	vand.u32 $0x7F, v1  }
0x11: {  	v1 =	vshll.u32 v1, $0x1;
	v6 =	vand.u32 $0x80, v6;
	v56 =	vshrl.u32 v5, $0x1  }
0x12: {  	v1 =	vand.u32 $0xFFFFFF00, v1;
	vm1 =	veq.s32 v5, $0x80000000;
	v57 =	vand.u32 $0x7FF, v56  }
0x13: {  	v1 =	vadd.s32 v3, v1;
	v5 =	vand.u32 $0x1, v5;
	v3 =	vsel vm1, $0xFFFFFFFF, v57  }
0x14: {  	v1 =	vor.u32 v6, v1;
	v5 =	vsel vm1, $0xFFFFFFFF, v5;
	v58 =	vshll.u32 v3, $0x1  }
0x15: {  	v59 =	vshll.u32 v5, $0x7;
	v5 =	vand.u32 $0xFFFFF000, v5;
	v6 =	vand.u32 $0xFFFFFF00, v58  }
0x16: {  	v1 =	vor.u32 v55, v1;
	v61 =	vand.u32 $0x80, v59;
	v60 =	vadd.s32 v5, v6  }
0x17: {  	[tilespmem:s16], [sflag:$0x1] =	stream.indirect_vreg.gather [hbm4b:s2+s10], $0x1, v0, vm0, $0x4038;
	v62 =	vand.u32 $0x7F, v3;
	v63 =	vor.u32 v61, v60;
	[tilespmem:$0x140] =	vst v63  }
0x18: {  	(ifvalue) =	ssetifvalue $0x7FFFFFFF;
	v0 =	vor.u32 v62, v63  }
0x19: {  	[tilespmem:s15], [sflag:$0x1] =	stream.indirect_vreg.gather [hbm4b:s2+s10], $0x1, v2, vm0, $0x4038;
	[tilespmem:$0x140] =	vst v63  }
0x1a: {  	s29 =	sadd.s32 $0x10, s15;
	(ifvalue) =	ssetifvalue $0x7FFFFFFF  }
0x1b: {  	[tilespmem:s29], [sflag:$0x1] =	stream.indirect_vreg.gather [hbm4b:s2+s10], $0x1, v1, vm0, $0x4038;
	[tilespmem:$0x140] =	vst v63  }
0x1c: {  	s15 =	sadd.s32 $0x10, s29;
	(ifvalue) =	ssetifvalue $0x7FFFFFFF  }
0x1d: {  	[tilespmem:s15], [sflag:$0x1] =	stream.indirect_vreg.gather [hbm4b:s2+s10], $0x1, v0, vm0, $0x4038;
	[tilespmem:$0x140] =	vst v63  }
0x1e: {  	_ =	swait.ge [sflag:s5], $0x50  }
0x1f: {  	s30 =	sshrl.u32 s13, $0x3;
	[sflag:s5] =	ssyncset.done $0x0  }
0x20: {  	s31 =	sand.u32 $0x7, s13;
	s15 =	sadd.s32 s3, s30;
	[sflag:s5] =	ssyncadd.s32 $0xFFFFFFB0  }
0x21: {  	[hbm4b:s15+s31] =	stream.linear.scatter [tilespmem:s14], [sflag:$0x3], $0x50, $0x38;
	[tilespmem:$0x140] =	vst v63  }
.LBB2_5:
0x22: {  	s15 =	sadd.s32 $0x500, s11  }
0x23: {  	p1 =	sgt.s32 s15, $0x7CF  }
0x24: {  	s15 =	smov.u32 @p1 s4;
	p1 =	sne.s32 s12, s9  }
.Ltmp1:
0x25: {  	p0 =	slt.u32 s12, $0x2;
	(pc) =	sbr.rel @!p1 .LBB2_6-.Ltmp1, $4  }
0x26: {  	s14 =	simm.s32 @!p0 $0x3  }
0x27: {  	_ =	swait.ge @!p0 [sflag:s14], $0x50  }
0x28: {  	s16 =	sadd.s32 $0x1, s12;
	s13 =	smov.u32 s11;
	[sflag:s14] =	ssyncset.done @!p0 $0x0  }
0x29: {  	s12 =	smov.u32 s16;
	s11 =	smov.u32 s15;
	[sflag:s14] =	ssyncadd.s32 @!p0 $0xFFFFFFB0  }
.LBB2_1:
0x2a: {  	p0 =	sge.u32 s12, s7  }
0x2b: {  	s14 =	sxor.u32 @!p0 $0x1, s12  }
0x2c: {  	s14 =	smul.u32 @!p0 $0x140, s14  }
0x2d: {  	s31 =	sadd.s32 $0xFFFFFFFF, s12;
	s15 =	sshrl.u32 @!p0 s11, $0x3  }
0x2e: {  	s16 =	sand.u32 @!p0 $0x7, s11;
	s15 =	sadd.s32 @!p0 s8, s15;
	s14 =	sshra.s32 @!p0 s14, $0x2  }
0x2f: {  	[tilespmem:s14], [sflag:$0x2] =	stream.linear.gather @!p0 [hbm4b:s15+s16], $0x50, $0x38;
	[tilespmem:$0x140] =	vst v63  }
0x30: {  	p0 =	sge.u32 s31, s7  }
.Ltmp2:
0x31: {  	_ = 	snop;
	(pc) =	sbr.rel @p0 .LBB2_5-.Ltmp2, $1  }
0x32: {  	_ =	sdelay $0x3  }
0x33: {  	s14 =	sand.u32 $0x1, s12  }
0x34: {  	_ =	swait.ge [sflag:s6], $0x50;
	p0 =	seq.s32 s14, $0x1;
	s14 =	simm.s32 $0x50  }
0x35: {  	[sflag:s6] =	ssyncset.done $0x0;
	s14 =	simm.s32 @!p0 $0x0  }
0x36: {  	[sflag:s6] =	ssyncadd.s32 $0xFFFFFFB0;
	(ifvalue) =	ssetifvalue $0x7FFFFFFF;
	v0 =	vld.msk [tilespmem:s14+$0x0 ss:$0x1], $0xffff;
	_ =	sdelay $0x4  }
0x37: {  	s15 =	sadd.s32 $0x10, s14;
	v2 =	vshrl.u32 v0, $0x1  }
0x38: {  	v1 =	vld.msk [tilespmem:s15+$0x0 ss:$0x1], $0xffff;
	vm1 =	veq.s32 v0, $0x80000000;
	v2 =	vand.u32 $0x7FF, v2  }
0x39: {  	v0 =	vand.u32 $0x1, v0;
	v2 =	vsel vm1, $0xFFFFFFFF, v2  }
0x3a: {  	v0 =	vsel vm1, $0xFFFFFFFF, v0;
	v3 =	vshll.u32 v2, $0x1  }
0x3b: {  	v4 =	vand.u32 $0xFFFFF000, v0;
	v0 =	vshll.u32 v0, $0x7;
	v3 =	vand.u32 $0xFFFFFF00, v3  }
0x3c: {  	v0 =	vand.u32 $0x80, v0;
	v3 =	vadd.s32 v4, v3  }
0x3d: {  	v2 =	vand.u32 $0x7F, v2;
	v4 =	vshrl.u32 v1, $0x1;
	v0 =	vor.u32 v0, v3  }
0x3e: {  	vm1 =	veq.s32 v1, $0x80000000;
	v4 =	vand.u32 $0x7FF, v4;
	v0 =	vor.u32 v2, v0  }
0x3f: {  	s15 =	sadd.s32 $0x10, s15;
	v1 =	vand.u32 $0x1, v1;
	v3 =	vsel vm1, $0xFFFFFFFF, v4  }
0x40: {  	s14 =	sor.u32 $0xA0, s14;
	v2 =	vsel vm1, $0xFFFFFFFF, v1;
	v1 =	vld.msk [tilespmem:s15+$0x0 ss:$0x1], $0xffff;
	v4 =	vshll.u32 v3, $0x1  }
0x41: {  	s17 =	simm.s32 $0x30;
	s16 =	smov.u32 s14;
	v5 =	vshll.u32 v2, $0x7;
	v6 =	vand.u32 $0xFFFFF000, v2;
	v4 =	vand.u32 $0xFFFFFF00, v4  }
0x42: {  	s18 =	sadd.s32 $0x10, s15;
	(ifvalue) =	ssetifvalue $0x7FFFFFFF;
	s15 =	sadd.s32 $0x10, s14;
	v2 =	vand.u32 $0x7F, v3;
	v3 =	vadd.s32 v6, v4;
	v4 =	vand.u32 $0x80, v5  }
.LBB2_3:
0x43: {  	[tilespmem:s16], [sflag:$0x1] =	stream.indirect_vreg.gather [hbm4b:s2+s10], $0x1, v0, vm0, $0x4038;
	[tilespmem:$0x140] =	vst v63  }
0x44: {  	s17 =	sadd.s32 $0x10, s17  }
0x45: {  	v5 =	vand.u32 $0x1, v1;
	v6 =	vshrl.u32 v1, $0x1;
	v3 =	vor.u32 v4, v3;
	v0 =	vmovc v1;
	v1 =	vld.msk [tilespmem:s18+$0x0 ss:$0x1], $0xffff;
	p0 =	slt.u32 s17, $0x40  }
.Ltmp3:
0x46: {  	s16 =	smov.u32 s15;
	vm1 =	veq.s32 v0, $0x80000000;
	v4 =	vand.u32 $0x7FF, v6;
	v0 =	vor.u32 v2, v3;
	(pc) =	sbr.rel @p0 .LBB2_3-.Ltmp3, $4  }
0x47: {  	v3 =	vsel vm1, $0xFFFFFFFF, v5;
	v4 =	vsel vm1, $0xFFFFFFFF, v4  }
0x48: {  	v2 =	vand.u32 $0x7F, v4;
	v4 =	vshll.u32 v4, $0x1;
	v5 =	vshll.u32 v3, $0x7  }
0x49: {  	v3 =	vand.u32 $0xFFFFF000, v3;
	v4 =	vand.u32 $0xFFFFFF00, v4  }
0x4a: {  	s18 =	sadd.s32 $0x10, s18;
	s15 =	sadd.s32 $0x10, s15;
	v3 =	vadd.s32 v3, v4;
	v4 =	vand.u32 $0x80, v5;
	(ifvalue) =	ssetifvalue $0x7FFFFFFF  }
.Ltmp4:
0x4b: {  	_ = 	snop;
	(pc) =	sbr.rel .LBB2_4-.Ltmp4, $1  }
0x4c: {  	_ =	sdelay $0x3  }
.LBB2_6:
0x4d: {  	_ =	sfence.sel $0x180000  }
0x4e: {  	s2 =	simm.s32 $0x2;
	[bflag:$0x0] =	sbarrier.arrive $0xFFFF  }
0x4f: {  	s30 =	simm.s32 $0x3;
	[sflag:s2] =	ssyncpa.u1 $0x1  }
0x50: {  	s31 =	simm.s32 $0x1;
	[sflag:s30] =	ssyncpa.u1 $0x1  }
0x51: {  	[sflag:s31] =	ssyncpa.u1 $0x1  }
0x52: {  	p0 =	sne.s32 s1, $0x0;
	_ =	strace $0x90000050  }
0x53: {  	s0 =	sadd.s32 @!p0 $0x100000, s0;
	[bflag:$0x2] =	sbarrier.arrive $0xFFFF  }
0x54: {  	[sflag:s0] =	ssyncadd.tile.s32 @!p0 $0x1;
	_ =	shalt  }
.Lfunc_end2:
_tile_overlayer_lowered:
.L_overlay_start_2:
0x55: {  	(tag) =	ssettag $0x2  }
0x56: {  	s0 =	rddreg [dreg:$0x0];
	s2 =	stileid.u32  }
0x57: {  	s1 =	rddreg [dreg:$0x1];
	p0 =	sne.s32 s2, $0x0  }
0x58: {  	s3 =	rddreg [dreg:$0x2];
	[bflag:$0x3] =	sbarrier.arrive $0xFFFF;
	s2 =	simm.s32 @!p0 $0x1C01  }
0x59: {  	[timem:s3], [sflag:s2] =	dma.local @!p0 [hbm:s0], s1  }
0x5a: {  	s0 =	simm.s32 @!p0 $0x1  }
0x5b: {  	_ =	swait.ge @!p0 [sflag:s0], s1  }
0x5c: {  	s1 =	ssub.s32 @!p0 $0x0, s1;
	[sflag:s0] =	ssyncset.done @!p0 $0x0  }
0x5d: {  	[sflag:s0] =	ssyncadd.s32 @!p0 s1  }
0x5e: {  	[bflag:$0x3] =	sbarrier.arrive $0xFFFF  }
0x5f: {  	_ =	shalt  }

// kernel: gather_offload_async_start.3
scs
__scs_entry_jumppad:
0x0: {  	(pc) =	sbr.rel $0x88, $3  }
0x1: {  	(tag) =	ssettag $0x0;
	lr =	simm.s32 $0x1  }
0x2: {  	[smem:$0x3F9E] =	sst lr;
	_ =	strace $0xD0000000  }
0x3: {  	_ = 	snop  }
0x4: {  	_ = 	snop  }
0x5: {  	_ = 	snop  }
0x6: {  	_ = 	snop  }
0x7: {  	_ = 	snop  }
__scs_overlays_trampoline_lowered:
0x8: {  	[smem:$0x3FAD] =	sst s0  }
0x9: {  	[smem:$0x3FAE] =	sst s1  }
0xa: {  	[smem:$0x3FAF] =	sst s2  }
0xb: {  	[smem:$0x3FB0] =	sst s3  }
0xc: {  	[smem:$0x3FB1] =	sst s4  }
0xd: {  	[smem:$0x3FB2] =	sst s5  }
0xe: {  	[smem:$0x3FB3] =	sst s6  }
0xf: {  	[smem:$0x3FB4] =	sst s7  }
0x10: {  	[smem:$0x3FB5] =	sst s8  }
0x11: {  	[smem:$0x3FB6] =	sst s9;
	s0 =	simm.s32 @!p0 $0x0  }
0x12: {  	s1 =	sld [smem:$0x3F9C];
	s0 =	simm.s32 @p0 $0x1  }
0x13: {  	[smem:$0x3FB7] =	sst s0;
	s0 =	simm.s32 @!p1 $0x0  }
0x14: {  	s2 =	sld [smem:$0x3F9B];
	s0 =	simm.s32 @p1 $0x1  }
0x15: {  	[smem:$0x3FB8] =	sst s0;
	s0 =	simm.s32 @!p2 $0x0  }
0x16: {  	s3 =	sld [smem:$0x3FDB];
	s0 =	simm.s32 @p2 $0x1  }
0x17: {  	s4 =	simm.s32 $0x1BF5;
	[smem:$0x3FBA] =	sst s0  }
0x18: {  	s0 =	sld [smem:$0x3F9D];
	_ =	swait.ge [sflag:s4], $0x0  }
0x19: {  	s7 =	sld [smem:$0x3F9E]  }
0x1a: {  	s8 =	sadd.s32 $0xFFFFE003, lr  }
0x1b: {  	s9 =	sadd.s32 $0xFFFFFEF7, lr;
	s5 =	simm.s32 $0xFFFFFFFF;
	p2 =	slt.u32 s8, $0xFFFFF086  }
0x1c: {  	p1 =	slt.u32 s9, $0xF7A;
	s5 =	simm.s32 @!p2 $0x0  }
0x1d: {  	s5 =	simm.s32 @p1 $0x1;
	p0 =	seq.s32 s7, s2  }
0x1e: {  	s7 =	smul.u32 @!p0 $0xF7A, s2;
	p2 =	seq.s32 @!p0 s5, $0x0  }
0x1f: {  	s9 =	smul.u32 $0xF7A, s1;
	s8 =	simm.s32 @!p0 $0x1BF5;
	p2 =	por !p2, p0  }
0x20: {  	[sflag:s8] =	ssyncset.s32 @!p0 $0xFFFFF086;
	s6 =	sadd.s32 @!p0 s3, s7;
	s7 =	simm.s32 @!p0 $0x108  }
0x21: {  	s3 =	sadd.s32 s3, s9;
	s6 =	sadd.s32 @!p0 $0x88, s6;
	s7 =	simm.s32 @p2 $0x1082  }
0x22: {  	[simem:s7], [sflag:s8] =	dma.local @!p0 [hbm:s6], $0xF7A  }
0x23: {  	s9 =	sor.u32 $0xD0000000, s2;
	s6 =	simm.s32 $0x108;
	_ =	swait.ge @!p0 [sflag:s8], $0x0  }
0x24: {  	s3 =	sadd.s32 $0x88, s3;
	s6 =	simm.s32 @!p1 $0x1082;
	[sflag:s4] =	ssyncset.s32 $0xFFFFF086  }
0x25: {  	[simem:s6], [sflag:s4] =	dma.local [hbm:s3], $0xF7A  }
0x26: {  	[smem:$0x3F9E] =	sst s1;
	(tag) =	ssettag s2;
	_ =	strace s9  }
0x27: {  	s1 =	sld [smem:$0x3FAE]  }
0x28: {  	s2 =	sld [smem:$0x3FAF]  }
0x29: {  	s4 =	sld [smem:$0x3FB1]  }
0x2a: {  	p0 =	seq.s32 s5, $0x0;
	s5 =	sld [smem:$0x3FB2]  }
0x2b: {  	s6 =	sld [smem:$0x3FB3]  }
0x2c: {  	s7 =	sld [smem:$0x3FB4]  }
0x2d: {  	s3 =	simm.s32 $0x108;
	s8 =	sld [smem:$0x3FB5]  }
0x2e: {  	s3 =	simm.s32 @!p0 $0x1082;
	s9 =	sld [smem:$0x3FB6]  }
0x2f: {  	lr =	sadd.s32 s0, s3;
	s0 =	sld [smem:$0x3FAD]  }
0x30: {  	s3 =	sld [smem:$0x3FB0]  }
0x31: {  	[smem:$0x3FB9] =	sst s10  }
0x32: {  	s10 =	sld [smem:$0x3FB7];
	_ =	sdelay $0x3  }
0x33: {  	p0 =	seq.s32 s10, $0x1;
	s10 =	sld [smem:$0x3FB9];
	_ =	sdelay $0x3  }
0x34: {  	[smem:$0x3FB9] =	sst s10  }
0x35: {  	s10 =	sld [smem:$0x3FB8];
	_ =	sdelay $0x3  }
0x36: {  	p1 =	seq.s32 s10, $0x1;
	s10 =	sld [smem:$0x3FB9];
	_ =	sdelay $0x3  }
0x37: {  	[smem:$0x3FB9] =	sst s10  }
0x38: {  	s10 =	sld [smem:$0x3FBA]  }
0x39: {  	_ = 	snop;
	(pc) =	sbr.ind lr, $3  }
0x3a: {  	_ = 	snop  }
0x3b: {  	_ = 	snop  }
0x3c: {  	p2 =	seq.s32 s10, $0x1;
	s10 =	sld [smem:$0x3FB9]  }
0x3d: {  	_ =	shalt  }
0x3e: {  	_ =	shalt  }
0x3f: {  	_ =	shalt  }
0x40: {  	_ =	shalt  }
0x41: {  	_ =	shalt  }
0x42: {  	_ =	shalt  }
0x43: {  	_ =	shalt  }
0x44: {  	_ =	shalt  }
0x45: {  	_ =	shalt  }
0x46: {  	_ =	shalt  }
0x47: {  	_ =	shalt  }
0x48: {  	_ =	shalt  }
0x49: {  	_ =	shalt  }
0x4a: {  	_ =	shalt  }
0x4b: {  	_ =	shalt  }
0x4c: {  	_ =	shalt  }
0x4d: {  	_ =	shalt  }
0x4e: {  	_ =	shalt  }
0x4f: {  	_ =	shalt  }
0x50: {  	_ =	shalt  }
0x51: {  	_ =	shalt  }
0x52: {  	_ =	shalt  }
0x53: {  	_ =	shalt  }
0x54: {  	_ =	shalt  }
0x55: {  	_ =	shalt  }
0x56: {  	_ =	shalt  }
0x57: {  	_ =	shalt  }
0x58: {  	_ =	shalt  }
0x59: {  	_ =	shalt  }
0x5a: {  	_ =	shalt  }
0x5b: {  	_ =	shalt  }
0x5c: {  	_ =	shalt  }
0x5d: {  	_ =	shalt  }
0x5e: {  	_ =	shalt  }
0x5f: {  	_ =	shalt  }
0x60: {  	_ =	shalt  }
0x61: {  	_ =	shalt  }
0x62: {  	_ =	shalt  }
0x63: {  	_ =	shalt  }
0x64: {  	_ =	shalt  }
0x65: {  	_ =	shalt  }
0x66: {  	_ =	shalt  }
0x67: {  	_ =	shalt  }
0x68: {  	_ =	shalt  }
0x69: {  	_ =	shalt  }
0x6a: {  	_ =	shalt  }
0x6b: {  	_ =	shalt  }
0x6c: {  	_ =	shalt  }
0x6d: {  	_ =	shalt  }
0x6e: {  	_ =	shalt  }
0x6f: {  	_ =	shalt  }
0x70: {  	_ =	shalt  }
0x71: {  	_ =	shalt  }
0x72: {  	_ =	shalt  }
0x73: {  	_ =	shalt  }
0x74: {  	_ =	shalt  }
0x75: {  	_ =	shalt  }
0x76: {  	_ =	shalt  }
0x77: {  	_ =	shalt  }
0x78: {  	_ =	shalt  }
0x79: {  	_ =	shalt  }
0x7a: {  	_ =	shalt  }
0x7b: {  	_ =	shalt  }
0x7c: {  	_ =	shalt  }
0x7d: {  	_ =	shalt  }
0x7e: {  	_ =	shalt  }
0x7f: {  	_ =	shalt  }
0x80: {  	_ =	shalt  }
0x81: {  	_ =	shalt  }
0x82: {  	_ =	shalt  }
0x83: {  	_ =	shalt  }
0x84: {  	_ =	shalt  }
0x85: {  	_ =	shalt  }
0x86: {  	_ =	shalt  }
0x87: {  	_ =	shalt  }
.Lfunc_end0:
.L_simem_size_0:
called_computation.3_lowered:
.L_overlay_start_0:
0x88: {  	s2 =	sld [smem:$0x3FD9]  }
0x89: {  	s3 =	sld [smem:$0x3FFE];
	_ =	sdelay $0x1  }
0x8a: {  	s1 =	srdreg.scid  }
0x8b: {  	s0 =	sand.u32 $0x1, s1  }
0x8c: {  	s17 =	sshll.u32 s0, $0xA;
	s2 =	sadd.s32 s3, s2  }
0x8d: {  	s2 =	sadd.s32 s2, s17  }
0x8e: {  	[smem:$0x3FC5] =	sst s2  }
0x8f: {  	_ = 	snop  }
0x90: {  	s18 =	sld [smem:$0x3FD0];
	(tm) =	ssettm $0x1  }
0x91: {  	s19 =	sld [smem:$0x3FFB];
	_ =	sdelay $0x3  }
0x92: {  	_ =	strace s19  }
0x93: {  	s2 =	sld [smem:$0x3FFC];
	_ =	sdelay $0x3  }
0x94: {  	_ =	strace s2  }
0x95: {  	s2 =	sld [smem:$0x3FFD];
	_ =	sdelay $0x3  }
0x96: {  	_ =	strace s2  }
0x97: {  	_ =	strace $0x8FFFFFFF  }
0x98: {  	s20 =	sld [smem:$0x3FDB];
	_ =	sdelay $0x1  }
0x99: {  	s4 =	simm.s32 $_scs_section_size  }
0x9a: {  	s5 =	simm.s32 $_size__tile_overlayer_lowered;
	s6 =	simm.s32 $_tile_overlayer_lowered  }
0x9b: {  	s7 =	simm.s32 $0x1BFF;
	s21 =	sshll.u32 s6, $0x1;
	s4 =	sadd.s32 s4, s20  }
0x9c: {  	s22 =	simm.s32 $0x0;
	s5 =	sshll.u32 s5, $0x1;
	s6 =	sadd.s32 s21, s4  }
0x9d: {  	[timem:s22], [sflag:s7] =	dma.local [hbm:s6], s5  }
0x9e: {  	_ =	swait.ge [sflag:s7], s5  }
0x9f: {  	s5 =	ssub.s32 $0x0, s5;
	[sflag:s7] =	ssyncset.done $0x0  }
0xa0: {  	[sflag:s7] =	ssyncadd.s32 s5;
	_ =	sdelay $0x1  }
0xa1: {  	s23 =	simm.s32 $0x1B8B  }
0xa2: {  	_ =	swait.ge [sflag:s23], $0x1  }
0xa3: {  	[sflag:s23] =	ssyncset.done $0x0  }
0xa4: {  	[sflag:s23] =	ssyncadd.s32 $0xFFFFFFFF  }
0xa5: {  	s5 =	sld [smem:$0x0]  }
0xa6: {  	s6 =	sand.u32 $0xFFFFFFFE, s1  }
0xa7: {  	p0 =	sne.s32 s1, s6  }
0xa8: {  	s6 =	sshll.u32 @p0 s6, $0xE  }
0xa9: {  	s6 =	sadd.s32 @p0 $0x11B8D, s6;
	s7 =	sshll.u32 @p0 s5, $0x11  }
0xaa: {  	s6 =	sor.u32 @p0 s7, s6  }
0xab: {  	[sflag:s6] =	ssyncadd.remote.s32 @p0 $0x1;
	_ =	sdelay $0x1  }
0xac: {  	s6 =	simm.s32 @p0 $0x1B8D  }
0xad: {  	_ =	swait.eq @p0 [sflag:s6], $0x1  }
0xae: {  	[sflag:s6] =	ssyncadd.s32 @p0 $0xFFFFFFFF  }
0xaf: {  	s7 =	sshll.u32 @!p0 s1, $0xE  }
0xb0: {  	s7 =	sor.u32 @!p0 $0x4000, s7;
	s6 =	simm.s32 @!p0 $0x1B8D  }
0xb1: {  	s5 =	sshll.u32 @!p0 s5, $0x11;
	s7 =	sadd.s32 @!p0 $0x11B8D, s7;
	_ =	swait.eq @!p0 [sflag:s6], $0x1  }
0xb2: {  	s5 =	sor.u32 @!p0 s5, s7;
	[sflag:s6] =	ssyncadd.s32 @!p0 $0xFFFFFFFF  }
0xb3: {  	s25 =	simm.s32 $0x1B8E;
	s24 =	sld [smem:$0x3FFE];
	[sflag:s5] =	ssyncadd.remote.s32 @!p0 $0x1  }
0xb4: {  	s26 =	simm.s32 $execute0_lowered;
	[smem:$0x3FD2] =	sst s25  }
0xb5: {  	s6 =	sshll.u32 s26, $0x1;
	_ =	strace $0x80000049;
	[dreg:$0x1] =	wrdreg $0xFFFFFFFF  }
0xb6: {  	s28 =	simm.s32 $_size_execute0_lowered;
	s4 =	sadd.s32 s4, s6;
	[dreg:$0x0] =	wrdreg $0x0  }
0xb7: {  	s6 =	sshll.u32 s28, $0x1;
	[dreg:$0x2] =	wrdreg s4  }
0xb8: {  	[dreg:$0x3] =	wrdreg s6  }
0xb9: {  	[dreg:$0x4] =	wrdreg $0xC0  }
0xba: {  	_ =	task [dreg:s22], $0x5FFFF  }
0xbb: {  	[dreg:$0x1] =	wrdreg $0xFFFFFFFF  }
0xbc: {  	[dreg:$0x0] =	wrdreg $0x60  }
0xbd: {  	[dreg:$0x2] =	wrdreg s24  }
0xbe: {  	[dreg:$0x3] =	wrdreg s18  }
0xbf: {  	[dreg:$0x4] =	wrdreg $0x9  }
0xc0: {  	_ =	task.clear_ibuf [dreg:s22], $0x5FFFF;
	_ =	strace $0x90000049  }
0xc1: {  	s29 =	simm.s32 $0x9;
	_ =	strace $0x8000004B  }
0xc2: {  	_ =	swait.ge [sflag:s29], $0x1  }
0xc3: {  	[sflag:s29] =	ssyncadd.s32 $0xFFFFFFFF  }
0xc4: {  	_ =	strace $0x9000004B  }
0xc5: {  	_ =	sfence  }
0xc6: {  	s30 =	sld [smem:$0x0];
	_ =	sdelay $0x2  }
0xc7: {  	s31 =	sshll.u32 s1, $0xD;
	s1 =	sshrl.u32 s1, $0x2  }
0xc8: {  	s4 =	sand.u32 $0x4000, s31;
	s1 =	sadd.s32 s1, s30  }
0xc9: {  	s0 =	sor.u32 s4, s0;
	s1 =	sshll.u32 s1, $0x11  }
0xca: {  	s0 =	sor.u32 s1, s0  }
0xcb: {  	s0 =	sadd.s32 $0x8F2B, s0  }
0xcc: {  	[sflag:s0] =	ssyncadd.remote.s32 $0x1  }
0xcd: {  	_ =	sfence.sel $0xFFFF  }
0xce: {  	[dreg:$0x0] =	wrdreg $0xFFFFFFFF;
	(pc) =	sbr.abs _section_cstart, $3  }
0xcf: {  	[dreg:$0x1] =	wrdreg $0xFFFFFFFF  }
0xd0: {  	_ =	task.clear_ibuf [dreg:s22], $0x2FFFF;
	_ =	strace $0x9FFFFFFF  }
0xd1: {  	(tm) =	ssettm $0x7FFFFFFF  }
tec
execute0_lowered:
.L_overlay_start_1:
0x0: {  	(tag) =	ssettag $0x1  }
0x1: {  	s0 =	srdreg.scid  }
0x2: {  	s1 =	sshll.u32 s0, $0x4  }
0x3: {  	s0 =	stileid.u32;
	s1 =	sand.u32 $0x10, s1  }
0x4: {  	s2 =	sor.u32 s0, s1  }
0x5: {  	s1 =	smin.u32 s2, $0x12  }
0x6: {  	s1 =	sadd.s32 s2, s1  }
0x7: {  	p0 =	slt.u32 s2, $0x12;
	s2 =	simm.s32 $0xA0;
	s1 =	smul.u32 $0x50, s1  }
0x8: {  	s2 =	simm.s32 @!p0 $0x50  }
0x9: {  	s2 =	sadd.s32 s2, s1  }
0xa: {  	s3 =	smin.u32 s2, $0xFA0  }
0xb: {  	s7 =	ssub.s32 s3, s1  }
0xc: {  	p0 =	sgt.s32 s7, $0x0  }
0xd: {  	s7 =	simm.s32 @!p0 $0x0  }
0xe: {  	s9 =	rddreg [dreg:$0x0];
	s31 =	smul.u32 $0xCCCD, s7  }
0xf: {  	s4 =	rddreg [dreg:$0x1];
	s6 =	simm.s32 $0x1  }
0x10: {  	s11 =	simm.s32 $0x3;
	s13 =	simm.s32 $0x0;
	s8 =	sshrl.u32 s31, $0x16  }
0x11: {  	s12 =	simm.s32 $0x0;
	s5 =	sadd.s32 $0x18FA00, s9;
	s10 =	smul.u32 $0x50, s8  }
.Ltmp0:
0x12: {  	s9 =	sadd.s32 $0x30FA00, s9;
	s2 =	rddreg [dreg:$0x2];
	(pc) =	sbr.rel .LBB2_1-.Ltmp0, $4  }
0x13: {  	_ =	strace $0x8000004A;
	p0 =	sne.s32 s7, s10;
	s10 =	simm.s32 $0x1  }
0x14: {  	[sflag:s6] =	ssyncpa.u1 $0x0;
	s7 =	simm.s32 $0x2;
	s10 =	simm.s32 @!p0 $0x0  }
0x15: {  	[sflag:s7] =	ssyncpa.u1 $0x0;
	p0 =	por $0x0, $0x0;
	s8 =	sadd.s32 s8, s10  }
0x16: {  	v0 =	vimm.s32 $0x0;
	vm0 =	vmmov $0xff;
	vm1 =	vcmask $0x3F20;
	[sflag:s11] =	ssyncpa.u1 $0x0;
	s11 =	smov.u32 s1;
	s10 =	sadd.s32 $0x1, s8  }
.LBB2_6:
0x17: {  	[hbm:s17] =	stream.linear.scatter [tilespmem:s14], [sflag:$0x3], $0x400, $0x38;
	[tilespmem:$0x50A0] =	vst v63  }
.LBB2_7:
0x18: {  	s13 =	sadd.s32 $0x50, s11  }
0x19: {  	s15 =	smov.u32 s1;
	p2 =	slt.s32 s13, s3  }
0x1a: {  	s15 =	smov.u32 @p2 s13;
	p2 =	sne.s32 s12, s10  }
.Ltmp1:
0x1b: {  	p1 =	slt.u32 s12, $0x2;
	(pc) =	sbr.rel @!p2 .LBB2_8-.Ltmp1, $4  }
0x1c: {  	s14 =	simm.s32 @!p1 $0x3  }
0x1d: {  	s16 =	sadd.s32 $0x1, s12;
	_ =	swait.ge @!p1 [sflag:s14], $0x2800  }
0x1e: {  	p0 =	por !p0, !p0;
	s13 =	smov.u32 s11;
	[sflag:s14] =	ssyncset.done @!p1 $0x0  }
0x1f: {  	s12 =	smov.u32 s16;
	s11 =	smov.u32 s15;
	[sflag:s14] =	ssyncadd.s32 @!p1 $0xFFFFD800  }
.LBB2_1:
0x20: {  	p1 =	sge.u32 s12, s8  }
0x21: {  	s14 =	sxor.u32 @!p1 $0xFFFFFFFF, s12  }
0x22: {  	s14 =	sand.u32 @!p1 $0x1, s14  }
0x23: {  	s14 =	smul.u32 @!p1 $0x140, s14  }
0x24: {  	s31 =	sadd.s32 $0xFFFFFFFF, s12;
	s15 =	sshrl.u32 @!p1 s11, $0x3  }
0x25: {  	s16 =	sand.u32 @!p1 $0x7, s11;
	s15 =	sadd.s32 @!p1 s4, s15;
	s14 =	sshrl.u32 @!p1 s14, $0x2  }
0x26: {  	[tilespmem:s14], [sflag:$0x2] =	stream.linear.gather @!p1 [hbm4b:s15+s16], $0x50, $0x38;
	[tilespmem:$0x50A0] =	vst v63  }
0x27: {  	p1 =	sge.u32 s31, s8  }
.Ltmp2:
0x28: {  	_ = 	snop;
	(pc) =	sbr.rel @p1 .LBB2_7-.Ltmp2, $1  }
0x29: {  	_ =	sdelay $0x3  }
0x2a: {  	s14 =	simm.s32 $0x1  }
0x2b: {  	s14 =	simm.s32 @!p0 $0x0  }
0x2c: {  	s15 =	smul.u32 $0x140, s14  }
0x2d: {  	_ =	swait.ge [sflag:s7], $0x50  }
0x2e: {  	[sflag:s7] =	ssyncset.done $0x0;
	s16 =	sshrl.u32 s15, $0x2  }
0x2f: {  	[sflag:s7] =	ssyncadd.s32 $0xFFFFFFB0;
	s15 =	sadd.s32 $0x0, s16  }
0x30: {  	v1 =	vld.msk [tilespmem:s15+$0x0 ss:$0x1], $0xffff;
	_ =	sdelay $0x4  }
0x31: {  	v2 =	vand.u32 $0x1, v1;
	v3 =	vshll.u32 v1, $0x6  }
0x32: {  	vm2 =	veq.s32 v1, $0x80000000;
	vm3 =	veq.s32 v2, $0x1;
	v1 =	vand.u32 $0x7FFF80, v3  }
0x33: {  	v2 =	vsel vm3, $0x600000, v0;
	v1 =	vsel vm2, $0xFFFFFF80, v1  }
0x34: {  	v2 =	vsel vm2, $0xFFA00000, v2;
	v3 =	vand.u32 $0xFFFFFC00, v1  }
0x35: {  	v1 =	vand.u32 $0x380, v1;
	v2 =	vadd.s32 v2, v3  }
0x36: {  	v1 =	vor.u32 v1, v2  }
0x37: {  	v1 =	vshrl.u32 v1, $0x3  }
0x38: {  	s14 =	smul.u32 $0xA000, s14;
	_ =	sdelay $0x1  }
0x39: {  	s14 =	sshrl.u32 s14, $0x2  }
0x3a: {  	s14 =	sor.u32 $0xA0, s14  }
0x3b: {  	[tilespmem:s14], [sflag:$0x1] =	stream.indirect_vreg.gather [hbm:s5], $0x80, v1, vm0, $0x38;
	[tilespmem:$0x50A0] =	vst v63  }
0x3c: {  	s17 =	sadd.s32 $0x10, s16;
	s15 =	sadd.s32 $0x400, s14  }
0x3d: {  	[tilespmem:s15], [sflag:$0x1] =	stream.indirect_vreg.gather [hbm:s5], $0x80, v1, vm1, $0x38;
	[tilespmem:$0x50A0] =	vst v63  }
0x3e: {  	s18 =	simm.s32 $0x80;
	v1 =	vld.msk [tilespmem:s17+$0x0 ss:$0x1], $0xffff;
	s17 =	smov.u32 s14  }
.LBB2_3:
0x3f: {  	p1 =	sne.s32 s18, $0x100;
	_ =	sdelay $0x4  }
0x40: {  	v2 =	vand.u32 $0x1, v1;
	v3 =	vshll.u32 v1, $0x6  }
0x41: {  	vm2 =	veq.s32 v1, $0x80000000;
	vm3 =	veq.s32 v2, $0x1;
	v1 =	vand.u32 $0x7FFF80, v3  }
0x42: {  	v2 =	vsel vm3, $0x600000, v0;
	v1 =	vsel vm2, $0xFFFFFF80, v1  }
0x43: {  	v2 =	vsel vm2, $0xFFA00000, v2;
	v3 =	vand.u32 $0xFFFFFC00, v1  }
0x44: {  	v1 =	vand.u32 $0x380, v1;
	v2 =	vadd.s32 v2, v3  }
0x45: {  	v1 =	vor.u32 v1, v2  }
0x46: {  	v1 =	vshrl.u32 v1, $0x3;
	_ =	sdelay $0x3  }
.Ltmp3:
0x47: {  	s19 =	sshra.s32 s18, $0x2;
	s17 =	sadd.s32 $0x800, s17;
	(pc) =	sbr.rel @p1 .LBB2_3-.Ltmp3, $4  }
0x48: {  	[tilespmem:s17], [sflag:$0x1] =	stream.indirect_vreg.gather [hbm:s5], $0x80, v1, vm0, $0x38;
	[tilespmem:$0x50A0] =	vst v63  }
0x49: {  	s19 =	sadd.s32 s19, s16;
	s20 =	sadd.s32 $0x400, s17  }
0x4a: {  	[tilespmem:s20], [sflag:$0x1] =	stream.indirect_vreg.gather [hbm:s5], $0x80, v1, vm1, $0x38;
	[tilespmem:$0x50A0] =	vst v63  }
0x4b: {  	s18 =	sadd.s32 $0x40, s18;
	v1 =	vld.msk [tilespmem:s19+$0x0 ss:$0x1], $0xffff  }
0x4c: {  	_ =	sdelay $0x3  }
0x4d: {  	v2 =	vand.u32 $0x1, v1;
	v3 =	vshll.u32 v1, $0x6  }
0x4e: {  	vm2 =	veq.s32 v1, $0x80000000;
	vm3 =	veq.s32 v2, $0x1;
	v1 =	vand.u32 $0x7FFF80, v3  }
0x4f: {  	v2 =	vsel vm3, $0x600000, v0;
	v1 =	vsel vm2, $0xFFFFFF80, v1  }
0x50: {  	v2 =	vsel vm2, $0xFFA00000, v2;
	v3 =	vand.u32 $0xFFFFFC00, v1  }
0x51: {  	v1 =	vand.u32 $0x380, v1;
	v2 =	vadd.s32 v2, v3  }
0x52: {  	v1 =	vor.u32 v1, v2  }
0x53: {  	v1 =	vshrl.u32 v1, $0x3;
	_ =	sdelay $0x3  }
0x54: {  	s16 =	sadd.s32 $0x800, s17  }
0x55: {  	[tilespmem:s16], [sflag:$0x1] =	stream.indirect_vreg.gather [hbm:s5], $0x80, v1, vm0, $0x38;
	[tilespmem:$0x50A0] =	vst v63  }
0x56: {  	s16 =	sadd.s32 $0x400, s16  }
0x57: {  	[tilespmem:s16], [sflag:$0x1] =	stream.indirect_vreg.gather [hbm:s5], $0x80, v1, vm1, $0x38;
	[tilespmem:$0x50A0] =	vst v63  }
0x58: {  	s13 =	sshll.u32 s13, $0x4;
	_ =	swait.ge [sflag:s6], $0x2800  }
0x59: {  	s13 =	sadd.s32 s13, s9;
	[sflag:s6] =	ssyncset.done $0x0  }
0x5a: {  	s17 =	sadd.s32 $0x0, s13;
	s16 =	simm.s32 $0x80;
	[sflag:s6] =	ssyncadd.s32 $0xFFFFD800  }
.LBB2_5:
0x5b: {  	[hbm:s17] =	stream.linear.scatter [tilespmem:s14], [sflag:$0x3], $0x400, $0x38;
	[tilespmem:$0x50A0] =	vst v63  }
0x5c: {  	s17 =	smov.u32 s16;
	s14 =	smov.u32 s15;
	p1 =	sne.s32 s16, $0x480  }
.Ltmp4:
0x5d: {  	s16 =	sadd.s32 $0x80, s16;
	(pc) =	sbr.rel @p1 .LBB2_5-.Ltmp4, $2  }
0x5e: {  	_ =	sdelay $0x2  }
0x5f: {  	s15 =	sadd.s32 $0x400, s15;
	s17 =	sadd.s32 s17, s13  }
.Ltmp5:
0x60: {  	_ = 	snop;
	(pc) =	sbr.rel .LBB2_6-.Ltmp5, $1  }
0x61: {  	_ =	sdelay $0x3  }
.LBB2_8:
0x62: {  	_ =	sfence.sel $0x180000  }
0x63: {  	s1 =	simm.s32 $0x2;
	[bflag:$0x0] =	sbarrier.arrive $0xFFFF  }
0x64: {  	s30 =	simm.s32 $0x3;
	[sflag:s1] =	ssyncpa.u1 $0x1  }
0x65: {  	s31 =	simm.s32 $0x1;
	[sflag:s30] =	ssyncpa.u1 $0x1  }
0x66: {  	[sflag:s31] =	ssyncpa.u1 $0x1  }
0x67: {  	p0 =	sne.s32 s0, $0x0;
	_ =	strace $0x9000004A  }
0x68: {  	s0 =	sadd.s32 @!p0 $0x100000, s2;
	[bflag:$0x2] =	sbarrier.arrive $0xFFFF  }
0x69: {  	[sflag:s0] =	ssyncadd.tile.s32 @!p0 $0x1;
	_ =	shalt  }
.Lfunc_end2:
_tile_overlayer_lowered:
.L_overlay_start_2:
0x6a: {  	(tag) =	ssettag $0x2  }
0x6b: {  	s0 =	rddreg [dreg:$0x0];
	s2 =	stileid.u32  }
0x6c: {  	s1 =	rddreg [dreg:$0x1];
	p0 =	sne.s32 s2, $0x0  }
0x6d: {  	s3 =	rddreg [dreg:$0x2];
	[bflag:$0x3] =	sbarrier.arrive $0xFFFF;
	s2 =	simm.s32 @!p0 $0x1C01  }
0x6e: {  	[timem:s3], [sflag:s2] =	dma.local @!p0 [hbm:s0], s1  }
0x6f: {  	s0 =	simm.s32 @!p0 $0x1  }
0x70: {  	_ =	swait.ge @!p0 [sflag:s0], s1  }
0x71: {  	s1 =	ssub.s32 @!p0 $0x0, s1;
	[sflag:s0] =	ssyncset.done @!p0 $0x0  }
0x72: {  	[sflag:s0] =	ssyncadd.s32 @!p0 s1  }
0x73: {  	[bflag:$0x3] =	sbarrier.arrive $0xFFFF  }
0x74: {  	_ =	shalt  }

// kernel: gather_offload_async_start.4
scs
__scs_entry_jumppad:
0x0: {  	(pc) =	sbr.rel $0x88, $3  }
0x1: {  	(tag) =	ssettag $0x0;
	lr =	simm.s32 $0x1  }
0x2: {  	[smem:$0x3F9E] =	sst lr;
	_ =	strace $0xD0000000  }
0x3: {  	_ = 	snop  }
0x4: {  	_ = 	snop  }
0x5: {  	_ = 	snop  }
0x6: {  	_ = 	snop  }
0x7: {  	_ = 	snop  }
__scs_overlays_trampoline_lowered:
0x8: {  	[smem:$0x3FAD] =	sst s0  }
0x9: {  	[smem:$0x3FAE] =	sst s1  }
0xa: {  	[smem:$0x3FAF] =	sst s2  }
0xb: {  	[smem:$0x3FB0] =	sst s3  }
0xc: {  	[smem:$0x3FB1] =	sst s4  }
0xd: {  	[smem:$0x3FB2] =	sst s5  }
0xe: {  	[smem:$0x3FB3] =	sst s6  }
0xf: {  	[smem:$0x3FB4] =	sst s7  }
0x10: {  	[smem:$0x3FB5] =	sst s8  }
0x11: {  	[smem:$0x3FB6] =	sst s9;
	s0 =	simm.s32 @!p0 $0x0  }
0x12: {  	s1 =	sld [smem:$0x3F9C];
	s0 =	simm.s32 @p0 $0x1  }
0x13: {  	[smem:$0x3FB7] =	sst s0;
	s0 =	simm.s32 @!p1 $0x0  }
0x14: {  	s2 =	sld [smem:$0x3F9B];
	s0 =	simm.s32 @p1 $0x1  }
0x15: {  	[smem:$0x3FB8] =	sst s0;
	s0 =	simm.s32 @!p2 $0x0  }
0x16: {  	s3 =	sld [smem:$0x3FDB];
	s0 =	simm.s32 @p2 $0x1  }
0x17: {  	s4 =	simm.s32 $0x1BF5;
	[smem:$0x3FBA] =	sst s0  }
0x18: {  	s0 =	sld [smem:$0x3F9D];
	_ =	swait.ge [sflag:s4], $0x0  }
0x19: {  	s7 =	sld [smem:$0x3F9E]  }
0x1a: {  	s8 =	sadd.s32 $0xFFFFE003, lr  }
0x1b: {  	s9 =	sadd.s32 $0xFFFFFEF7, lr;
	s5 =	simm.s32 $0xFFFFFFFF;
	p2 =	slt.u32 s8, $0xFFFFF086  }
0x1c: {  	p1 =	slt.u32 s9, $0xF7A;
	s5 =	simm.s32 @!p2 $0x0  }
0x1d: {  	s5 =	simm.s32 @p1 $0x1;
	p0 =	seq.s32 s7, s2  }
0x1e: {  	s7 =	smul.u32 @!p0 $0xF7A, s2;
	p2 =	seq.s32 @!p0 s5, $0x0  }
0x1f: {  	s9 =	smul.u32 $0xF7A, s1;
	s8 =	simm.s32 @!p0 $0x1BF5;
	p2 =	por !p2, p0  }
0x20: {  	[sflag:s8] =	ssyncset.s32 @!p0 $0xFFFFF086;
	s6 =	sadd.s32 @!p0 s3, s7;
	s7 =	simm.s32 @!p0 $0x108  }
0x21: {  	s3 =	sadd.s32 s3, s9;
	s6 =	sadd.s32 @!p0 $0x88, s6;
	s7 =	simm.s32 @p2 $0x1082  }
0x22: {  	[simem:s7], [sflag:s8] =	dma.local @!p0 [hbm:s6], $0xF7A  }
0x23: {  	s9 =	sor.u32 $0xD0000000, s2;
	s6 =	simm.s32 $0x108;
	_ =	swait.ge @!p0 [sflag:s8], $0x0  }
0x24: {  	s3 =	sadd.s32 $0x88, s3;
	s6 =	simm.s32 @!p1 $0x1082;
	[sflag:s4] =	ssyncset.s32 $0xFFFFF086  }
0x25: {  	[simem:s6], [sflag:s4] =	dma.local [hbm:s3], $0xF7A  }
0x26: {  	[smem:$0x3F9E] =	sst s1;
	(tag) =	ssettag s2;
	_ =	strace s9  }
0x27: {  	s1 =	sld [smem:$0x3FAE]  }
0x28: {  	s2 =	sld [smem:$0x3FAF]  }
0x29: {  	s4 =	sld [smem:$0x3FB1]  }
0x2a: {  	p0 =	seq.s32 s5, $0x0;
	s5 =	sld [smem:$0x3FB2]  }
0x2b: {  	s6 =	sld [smem:$0x3FB3]  }
0x2c: {  	s7 =	sld [smem:$0x3FB4]  }
0x2d: {  	s3 =	simm.s32 $0x108;
	s8 =	sld [smem:$0x3FB5]  }
0x2e: {  	s3 =	simm.s32 @!p0 $0x1082;
	s9 =	sld [smem:$0x3FB6]  }
0x2f: {  	lr =	sadd.s32 s0, s3;
	s0 =	sld [smem:$0x3FAD]  }
0x30: {  	s3 =	sld [smem:$0x3FB0]  }
0x31: {  	[smem:$0x3FB9] =	sst s10  }
0x32: {  	s10 =	sld [smem:$0x3FB7];
	_ =	sdelay $0x3  }
0x33: {  	p0 =	seq.s32 s10, $0x1;
	s10 =	sld [smem:$0x3FB9];
	_ =	sdelay $0x3  }
0x34: {  	[smem:$0x3FB9] =	sst s10  }
0x35: {  	s10 =	sld [smem:$0x3FB8];
	_ =	sdelay $0x3  }
0x36: {  	p1 =	seq.s32 s10, $0x1;
	s10 =	sld [smem:$0x3FB9];
	_ =	sdelay $0x3  }
0x37: {  	[smem:$0x3FB9] =	sst s10  }
0x38: {  	s10 =	sld [smem:$0x3FBA]  }
0x39: {  	_ = 	snop;
	(pc) =	sbr.ind lr, $3  }
0x3a: {  	_ = 	snop  }
0x3b: {  	_ = 	snop  }
0x3c: {  	p2 =	seq.s32 s10, $0x1;
	s10 =	sld [smem:$0x3FB9]  }
0x3d: {  	_ =	shalt  }
0x3e: {  	_ =	shalt  }
0x3f: {  	_ =	shalt  }
0x40: {  	_ =	shalt  }
0x41: {  	_ =	shalt  }
0x42: {  	_ =	shalt  }
0x43: {  	_ =	shalt  }
0x44: {  	_ =	shalt  }
0x45: {  	_ =	shalt  }
0x46: {  	_ =	shalt  }
0x47: {  	_ =	shalt  }
0x48: {  	_ =	shalt  }
0x49: {  	_ =	shalt  }
0x4a: {  	_ =	shalt  }
0x4b: {  	_ =	shalt  }
0x4c: {  	_ =	shalt  }
0x4d: {  	_ =	shalt  }
0x4e: {  	_ =	shalt  }
0x4f: {  	_ =	shalt  }
0x50: {  	_ =	shalt  }
0x51: {  	_ =	shalt  }
0x52: {  	_ =	shalt  }
0x53: {  	_ =	shalt  }
0x54: {  	_ =	shalt  }
0x55: {  	_ =	shalt  }
0x56: {  	_ =	shalt  }
0x57: {  	_ =	shalt  }
0x58: {  	_ =	shalt  }
0x59: {  	_ =	shalt  }
0x5a: {  	_ =	shalt  }
0x5b: {  	_ =	shalt  }
0x5c: {  	_ =	shalt  }
0x5d: {  	_ =	shalt  }
0x5e: {  	_ =	shalt  }
0x5f: {  	_ =	shalt  }
0x60: {  	_ =	shalt  }
0x61: {  	_ =	shalt  }
0x62: {  	_ =	shalt  }
0x63: {  	_ =	shalt  }
0x64: {  	_ =	shalt  }
0x65: {  	_ =	shalt  }
0x66: {  	_ =	shalt  }
0x67: {  	_ =	shalt  }
0x68: {  	_ =	shalt  }
0x69: {  	_ =	shalt  }
0x6a: {  	_ =	shalt  }
0x6b: {  	_ =	shalt  }
0x6c: {  	_ =	shalt  }
0x6d: {  	_ =	shalt  }
0x6e: {  	_ =	shalt  }
0x6f: {  	_ =	shalt  }
0x70: {  	_ =	shalt  }
0x71: {  	_ =	shalt  }
0x72: {  	_ =	shalt  }
0x73: {  	_ =	shalt  }
0x74: {  	_ =	shalt  }
0x75: {  	_ =	shalt  }
0x76: {  	_ =	shalt  }
0x77: {  	_ =	shalt  }
0x78: {  	_ =	shalt  }
0x79: {  	_ =	shalt  }
0x7a: {  	_ =	shalt  }
0x7b: {  	_ =	shalt  }
0x7c: {  	_ =	shalt  }
0x7d: {  	_ =	shalt  }
0x7e: {  	_ =	shalt  }
0x7f: {  	_ =	shalt  }
0x80: {  	_ =	shalt  }
0x81: {  	_ =	shalt  }
0x82: {  	_ =	shalt  }
0x83: {  	_ =	shalt  }
0x84: {  	_ =	shalt  }
0x85: {  	_ =	shalt  }
0x86: {  	_ =	shalt  }
0x87: {  	_ =	shalt  }
.Lfunc_end0:
.L_simem_size_0:
called_computation.4_lowered:
.L_overlay_start_0:
0x88: {  	s2 =	sld [smem:$0x3FD9]  }
0x89: {  	s3 =	sld [smem:$0x3FFE];
	_ =	sdelay $0x1  }
0x8a: {  	s1 =	srdreg.scid  }
0x8b: {  	s0 =	sand.u32 $0x1, s1  }
0x8c: {  	s17 =	sshll.u32 s0, $0xA;
	s2 =	sadd.s32 s3, s2  }
0x8d: {  	s2 =	sadd.s32 s2, s17  }
0x8e: {  	[smem:$0x3FC5] =	sst s2  }
0x8f: {  	_ = 	snop  }
0x90: {  	s2 =	sld [smem:$0x3FD0];
	(tm) =	ssettm $0x1  }
0x91: {  	s18 =	sld [smem:$0x3FFB];
	_ =	sdelay $0x3  }
0x92: {  	_ =	strace s18  }
0x93: {  	s3 =	sld [smem:$0x3FFC];
	_ =	sdelay $0x3  }
0x94: {  	_ =	strace s3  }
0x95: {  	s3 =	sld [smem:$0x3FFD];
	_ =	sdelay $0x3  }
0x96: {  	_ =	strace s3  }
0x97: {  	_ =	strace $0x8FFFFFFF  }
0x98: {  	s19 =	sld [smem:$0x3FDB];
	_ =	sdelay $0x1  }
0x99: {  	s4 =	simm.s32 $_scs_section_size  }
0x9a: {  	s5 =	simm.s32 $_size__tile_overlayer_lowered;
	s6 =	simm.s32 $_tile_overlayer_lowered  }
0x9b: {  	s22 =	simm.s32 $0x1BFF;
	s21 =	sshll.u32 s6, $0x1;
	s3 =	sadd.s32 s4, s19  }
0x9c: {  	s7 =	simm.s32 $0x0;
	s20 =	sshll.u32 s5, $0x1;
	s5 =	sadd.s32 s21, s3  }
0x9d: {  	[timem:s7], [sflag:s22] =	dma.local [hbm:s5], s20  }
0x9e: {  	_ =	swait.ge [sflag:s22], s20  }
0x9f: {  	s4 =	ssub.s32 $0x0, s20;
	[sflag:s22] =	ssyncset.done $0x0  }
0xa0: {  	[sflag:s22] =	ssyncadd.s32 s4;
	_ =	sdelay $0x1  }
0xa1: {  	s23 =	simm.s32 $0x1B8B  }
0xa2: {  	_ =	swait.ge [sflag:s23], $0x1  }
0xa3: {  	[sflag:s23] =	ssyncset.done $0x0  }
0xa4: {  	s25 =	simm.s32 $0x1B8E;
	s24 =	sld [smem:$0x3FFE];
	[sflag:s23] =	ssyncadd.s32 $0xFFFFFFFF  }
0xa5: {  	s26 =	simm.s32 $execute0_lowered;
	[smem:$0x3FD2] =	sst s25  }
0xa6: {  	s5 =	sshll.u32 s26, $0x1;
	_ =	strace $0x80000046;
	[dreg:$0x1] =	wrdreg $0xFFFFFFFF  }
0xa7: {  	s28 =	simm.s32 $_size_execute0_lowered;
	s3 =	sadd.s32 s3, s5;
	[dreg:$0x0] =	wrdreg $0x0  }
0xa8: {  	s5 =	sshll.u32 s28, $0x1;
	[dreg:$0x2] =	wrdreg s3  }
0xa9: {  	[dreg:$0x3] =	wrdreg s5  }
0xaa: {  	[dreg:$0x4] =	wrdreg $0xC0  }
0xab: {  	_ =	task [dreg:s7], $0x5FFFF  }
0xac: {  	[dreg:$0x1] =	wrdreg $0xFFFFFFFF  }
0xad: {  	[dreg:$0x0] =	wrdreg $0x60  }
0xae: {  	[dreg:$0x2] =	wrdreg s24  }
0xaf: {  	[dreg:$0x3] =	wrdreg s2  }
0xb0: {  	[dreg:$0x4] =	wrdreg $0xA  }
0xb1: {  	_ =	task.clear_ibuf [dreg:s7], $0x5FFFF;
	_ =	strace $0x90000046  }
0xb2: {  	s29 =	simm.s32 $0xA;
	_ =	strace $0x80000048  }
0xb3: {  	_ =	swait.ge [sflag:s29], $0x1  }
0xb4: {  	[sflag:s29] =	ssyncadd.s32 $0xFFFFFFFF  }
0xb5: {  	_ =	strace $0x90000048  }
0xb6: {  	_ =	sfence  }
0xb7: {  	s30 =	sld [smem:$0x0];
	_ =	sdelay $0x2  }
0xb8: {  	s31 =	sshll.u32 s1, $0xD;
	s1 =	sshrl.u32 s1, $0x2  }
0xb9: {  	s3 =	sand.u32 $0x4000, s31;
	s1 =	sadd.s32 s1, s30  }
0xba: {  	s0 =	sor.u32 s3, s0;
	s1 =	sshll.u32 s1, $0x11  }
0xbb: {  	s0 =	sor.u32 s1, s0  }
0xbc: {  	s0 =	sadd.s32 $0x8F2B, s0  }
0xbd: {  	[sflag:s0] =	ssyncadd.remote.s32 $0x1  }
0xbe: {  	_ =	sfence.sel $0xFFFF  }
0xbf: {  	[dreg:$0x0] =	wrdreg $0xFFFFFFFF;
	(pc) =	sbr.abs _section_cstart, $3  }
0xc0: {  	[dreg:$0x1] =	wrdreg $0xFFFFFFFF  }
0xc1: {  	_ =	task.clear_ibuf [dreg:s7], $0x2FFFF;
	_ =	strace $0x9FFFFFFF  }
0xc2: {  	(tm) =	ssettm $0x7FFFFFFF  }
0xc3: {  	_ =	shalt  }
tec
execute0_lowered:
.L_overlay_start_1:
0x0: {  	(tag) =	ssettag $0x1  }
0x1: {  	s0 =	srdreg.scid  }
0x2: {  	s1 =	sshll.u32 s0, $0x4  }
0x3: {  	s0 =	stileid.u32;
	s1 =	sand.u32 $0x10, s1  }
0x4: {  	s2 =	sor.u32 s0, s1  }
0x5: {  	s1 =	smin.u32 s2, $0x12  }
0x6: {  	s1 =	sadd.s32 s2, s1  }
0x7: {  	p0 =	slt.u32 s2, $0x12;
	s2 =	simm.s32 $0xA0;
	s1 =	smul.u32 $0x50, s1  }
0x8: {  	s2 =	simm.s32 @!p0 $0x50  }
0x9: {  	s2 =	sadd.s32 s2, s1  }
0xa: {  	s3 =	smin.u32 s2, $0xFA0  }
0xb: {  	s7 =	ssub.s32 s3, s1  }
0xc: {  	p0 =	sgt.s32 s7, $0x0  }
0xd: {  	s7 =	simm.s32 @!p0 $0x0  }
0xe: {  	s4 =	rddreg [dreg:$0x0];
	s31 =	smul.u32 $0xCCCD, s7  }
0xf: {  	s5 =	rddreg [dreg:$0x1]  }
0x10: {  	s6 =	simm.s32 $0x1;
	s10 =	simm.s32 $0x3;
	s8 =	sshrl.u32 s31, $0x16  }
0x11: {  	s13 =	simm.s32 $0x0;
	s12 =	simm.s32 $0x0;
	s9 =	smul.u32 $0x50, s8  }
.Ltmp0:
0x12: {  	s11 =	smov.u32 s1;
	s2 =	rddreg [dreg:$0x2];
	(pc) =	sbr.rel .LBB2_1-.Ltmp0, $4  }
0x13: {  	_ =	strace $0x80000047;
	p0 =	sne.s32 s7, s9;
	s9 =	simm.s32 $0x1  }
0x14: {  	[sflag:s6] =	ssyncpa.u1 $0x0;
	s7 =	simm.s32 $0x2;
	s9 =	simm.s32 @!p0 $0x0  }
0x15: {  	[sflag:s7] =	ssyncpa.u1 $0x0;
	p0 =	por $0x0, $0x0;
	s8 =	sadd.s32 s8, s9  }
0x16: {  	v0 =	vimm.s32 $0x0;
	vm0 =	vmmov $0xff;
	vm1 =	vcmask $0x3F20;
	s9 =	sadd.s32 $0x180000, s4;
	[sflag:s10] =	ssyncpa.u1 $0x0;
	s10 =	sadd.s32 $0x1, s8  }
.LBB2_6:
0x17: {  	[hbm:s17] =	stream.linear.scatter [tilespmem:s14], [sflag:$0x3], $0x400, $0x38;
	[tilespmem:$0x50A0] =	vst v63  }
.LBB2_7:
0x18: {  	s13 =	sadd.s32 $0x50, s11  }
0x19: {  	s15 =	smov.u32 s1;
	p2 =	slt.s32 s13, s3  }
0x1a: {  	s15 =	smov.u32 @p2 s13;
	p2 =	sne.s32 s12, s10  }
.Ltmp1:
0x1b: {  	p1 =	slt.u32 s12, $0x2;
	(pc) =	sbr.rel @!p2 .LBB2_8-.Ltmp1, $4  }
0x1c: {  	s14 =	simm.s32 @!p1 $0x3  }
0x1d: {  	s16 =	sadd.s32 $0x1, s12;
	_ =	swait.ge @!p1 [sflag:s14], $0x2800  }
0x1e: {  	p0 =	por !p0, !p0;
	s13 =	smov.u32 s11;
	[sflag:s14] =	ssyncset.done @!p1 $0x0  }
0x1f: {  	s12 =	smov.u32 s16;
	s11 =	smov.u32 s15;
	[sflag:s14] =	ssyncadd.s32 @!p1 $0xFFFFD800  }
.LBB2_1:
0x20: {  	p1 =	sge.u32 s12, s8  }
0x21: {  	s14 =	sxor.u32 @!p1 $0xFFFFFFFF, s12  }
0x22: {  	s14 =	sand.u32 @!p1 $0x1, s14  }
0x23: {  	s14 =	smul.u32 @!p1 $0x140, s14  }
0x24: {  	s31 =	sadd.s32 $0xFFFFFFFF, s12;
	s15 =	sshrl.u32 @!p1 s11, $0x3  }
0x25: {  	s16 =	sand.u32 @!p1 $0x7, s11;
	s15 =	sadd.s32 @!p1 s5, s15;
	s14 =	sshrl.u32 @!p1 s14, $0x2  }
0x26: {  	[tilespmem:s14], [sflag:$0x2] =	stream.linear.gather @!p1 [hbm4b:s15+s16], $0x50, $0x38;
	[tilespmem:$0x50A0] =	vst v63  }
0x27: {  	p1 =	sge.u32 s31, s8  }
.Ltmp2:
0x28: {  	_ = 	snop;
	(pc) =	sbr.rel @p1 .LBB2_7-.Ltmp2, $1  }
0x29: {  	_ =	sdelay $0x3  }
0x2a: {  	s14 =	simm.s32 $0x1  }
0x2b: {  	s14 =	simm.s32 @!p0 $0x0  }
0x2c: {  	s15 =	smul.u32 $0x140, s14  }
0x2d: {  	_ =	swait.ge [sflag:s7], $0x50  }
0x2e: {  	[sflag:s7] =	ssyncset.done $0x0;
	s16 =	sshrl.u32 s15, $0x2  }
0x2f: {  	[sflag:s7] =	ssyncadd.s32 $0xFFFFFFB0;
	s15 =	sadd.s32 $0x0, s16  }
0x30: {  	v1 =	vld.msk [tilespmem:s15+$0x0 ss:$0x1], $0xffff;
	_ =	sdelay $0x4  }
0x31: {  	v2 =	vand.u32 $0x1, v1;
	v3 =	vshll.u32 v1, $0x6  }
0x32: {  	vm2 =	veq.s32 v1, $0x80000000;
	vm3 =	veq.s32 v2, $0x1;
	v1 =	vand.u32 $0x7FFF80, v3  }
0x33: {  	v2 =	vsel vm3, $0x600000, v0;
	v1 =	vsel vm2, $0xFFFFFF80, v1  }
0x34: {  	v2 =	vsel vm2, $0xFFA00000, v2;
	v3 =	vand.u32 $0xFFFFFC00, v1  }
0x35: {  	v1 =	vand.u32 $0x380, v1;
	v2 =	vadd.s32 v2, v3  }
0x36: {  	v1 =	vor.u32 v1, v2  }
0x37: {  	v1 =	vshrl.u32 v1, $0x3  }
0x38: {  	s14 =	smul.u32 $0xA000, s14;
	_ =	sdelay $0x1  }
0x39: {  	s14 =	sshrl.u32 s14, $0x2  }
0x3a: {  	s14 =	sor.u32 $0xA0, s14  }
0x3b: {  	[tilespmem:s14], [sflag:$0x1] =	stream.indirect_vreg.gather [hbm:s4], $0x80, v1, vm0, $0x38;
	[tilespmem:$0x50A0] =	vst v63  }
0x3c: {  	s17 =	sadd.s32 $0x10, s16;
	s15 =	sadd.s32 $0x400, s14  }
0x3d: {  	[tilespmem:s15], [sflag:$0x1] =	stream.indirect_vreg.gather [hbm:s4], $0x80, v1, vm1, $0x38;
	[tilespmem:$0x50A0] =	vst v63  }
0x3e: {  	s18 =	simm.s32 $0x80;
	v1 =	vld.msk [tilespmem:s17+$0x0 ss:$0x1], $0xffff;
	s17 =	smov.u32 s14  }
.LBB2_3:
0x3f: {  	p1 =	sne.s32 s18, $0x100;
	_ =	sdelay $0x4  }
0x40: {  	v2 =	vand.u32 $0x1, v1;
	v3 =	vshll.u32 v1, $0x6  }
0x41: {  	vm2 =	veq.s32 v1, $0x80000000;
	vm3 =	veq.s32 v2, $0x1;
	v1 =	vand.u32 $0x7FFF80, v3  }
0x42: {  	v2 =	vsel vm3, $0x600000, v0;
	v1 =	vsel vm2, $0xFFFFFF80, v1  }
0x43: {  	v2 =	vsel vm2, $0xFFA00000, v2;
	v3 =	vand.u32 $0xFFFFFC00, v1  }
0x44: {  	v1 =	vand.u32 $0x380, v1;
	v2 =	vadd.s32 v2, v3  }
0x45: {  	v1 =	vor.u32 v1, v2  }
0x46: {  	v1 =	vshrl.u32 v1, $0x3;
	_ =	sdelay $0x3  }
.Ltmp3:
0x47: {  	s19 =	sshra.s32 s18, $0x2;
	s17 =	sadd.s32 $0x800, s17;
	(pc) =	sbr.rel @p1 .LBB2_3-.Ltmp3, $4  }
0x48: {  	[tilespmem:s17], [sflag:$0x1] =	stream.indirect_vreg.gather [hbm:s4], $0x80, v1, vm0, $0x38;
	[tilespmem:$0x50A0] =	vst v63  }
0x49: {  	s19 =	sadd.s32 s19, s16;
	s20 =	sadd.s32 $0x400, s17  }
0x4a: {  	[tilespmem:s20], [sflag:$0x1] =	stream.indirect_vreg.gather [hbm:s4], $0x80, v1, vm1, $0x38;
	[tilespmem:$0x50A0] =	vst v63  }
0x4b: {  	s18 =	sadd.s32 $0x40, s18;
	v1 =	vld.msk [tilespmem:s19+$0x0 ss:$0x1], $0xffff  }
0x4c: {  	_ =	sdelay $0x3  }
0x4d: {  	v2 =	vand.u32 $0x1, v1;
	v3 =	vshll.u32 v1, $0x6  }
0x4e: {  	vm2 =	veq.s32 v1, $0x80000000;
	vm3 =	veq.s32 v2, $0x1;
	v1 =	vand.u32 $0x7FFF80, v3  }
0x4f: {  	v2 =	vsel vm3, $0x600000, v0;
	v1 =	vsel vm2, $0xFFFFFF80, v1  }
0x50: {  	v2 =	vsel vm2, $0xFFA00000, v2;
	v3 =	vand.u32 $0xFFFFFC00, v1  }
0x51: {  	v1 =	vand.u32 $0x380, v1;
	v2 =	vadd.s32 v2, v3  }
0x52: {  	v1 =	vor.u32 v1, v2  }
0x53: {  	v1 =	vshrl.u32 v1, $0x3;
	_ =	sdelay $0x3  }
0x54: {  	s16 =	sadd.s32 $0x800, s17  }
0x55: {  	[tilespmem:s16], [sflag:$0x1] =	stream.indirect_vreg.gather [hbm:s4], $0x80, v1, vm0, $0x38;
	[tilespmem:$0x50A0] =	vst v63  }
0x56: {  	s16 =	sadd.s32 $0x400, s16  }
0x57: {  	[tilespmem:s16], [sflag:$0x1] =	stream.indirect_vreg.gather [hbm:s4], $0x80, v1, vm1, $0x38;
	[tilespmem:$0x50A0] =	vst v63  }
0x58: {  	s13 =	sshll.u32 s13, $0x4;
	_ =	swait.ge [sflag:s6], $0x2800  }
0x59: {  	s13 =	sadd.s32 s13, s9;
	[sflag:s6] =	ssyncset.done $0x0  }
0x5a: {  	s17 =	sadd.s32 $0x0, s13;
	s16 =	simm.s32 $0x80;
	[sflag:s6] =	ssyncadd.s32 $0xFFFFD800  }
.LBB2_5:
0x5b: {  	[hbm:s17] =	stream.linear.scatter [tilespmem:s14], [sflag:$0x3], $0x400, $0x38;
	[tilespmem:$0x50A0] =	vst v63  }
0x5c: {  	s17 =	smov.u32 s16;
	s14 =	smov.u32 s15;
	p1 =	sne.s32 s16, $0x480  }
.Ltmp4:
0x5d: {  	s16 =	sadd.s32 $0x80, s16;
	(pc) =	sbr.rel @p1 .LBB2_5-.Ltmp4, $2  }
0x5e: {  	_ =	sdelay $0x2  }
0x5f: {  	s15 =	sadd.s32 $0x400, s15;
	s17 =	sadd.s32 s17, s13  }
.Ltmp5:
0x60: {  	_ = 	snop;
	(pc) =	sbr.rel .LBB2_6-.Ltmp5, $1  }
0x61: {  	_ =	sdelay $0x3  }
.LBB2_8:
0x62: {  	_ =	sfence.sel $0x180000  }
0x63: {  	s1 =	simm.s32 $0x2;
	[bflag:$0x0] =	sbarrier.arrive $0xFFFF  }
0x64: {  	s30 =	simm.s32 $0x3;
	[sflag:s1] =	ssyncpa.u1 $0x1  }
0x65: {  	s31 =	simm.s32 $0x1;
	[sflag:s30] =	ssyncpa.u1 $0x1  }
0x66: {  	[sflag:s31] =	ssyncpa.u1 $0x1  }
0x67: {  	p0 =	sne.s32 s0, $0x0;
	_ =	strace $0x90000047  }
0x68: {  	s0 =	sadd.s32 @!p0 $0x100000, s2;
	[bflag:$0x2] =	sbarrier.arrive $0xFFFF  }
0x69: {  	[sflag:s0] =	ssyncadd.tile.s32 @!p0 $0x1;
	_ =	shalt  }
.Lfunc_end2:
_tile_overlayer_lowered:
.L_overlay_start_2:
0x6a: {  	(tag) =	ssettag $0x2  }
0x6b: {  	s0 =	rddreg [dreg:$0x0];
	s2 =	stileid.u32  }
0x6c: {  	s1 =	rddreg [dreg:$0x1];
	p0 =	sne.s32 s2, $0x0  }
0x6d: {  	s3 =	rddreg [dreg:$0x2];
	[bflag:$0x3] =	sbarrier.arrive $0xFFFF;
	s2 =	simm.s32 @!p0 $0x1C01  }
0x6e: {  	[timem:s3], [sflag:s2] =	dma.local @!p0 [hbm:s0], s1  }
0x6f: {  	s0 =	simm.s32 @!p0 $0x1  }
0x70: {  	_ =	swait.ge @!p0 [sflag:s0], s1  }
0x71: {  	s1 =	ssub.s32 @!p0 $0x0, s1;
	[sflag:s0] =	ssyncset.done @!p0 $0x0  }
0x72: {  	[sflag:s0] =	ssyncadd.s32 @!p0 s1  }
0x73: {  	[bflag:$0x3] =	sbarrier.arrive $0xFFFF  }
0x74: {  	_ =	shalt  }

// kernel: gather_offload_async_start
scs
__scs_entry_jumppad:
0x0: {  	(pc) =	sbr.rel $0x88, $3  }
0x1: {  	(tag) =	ssettag $0x0;
	lr =	simm.s32 $0x1  }
0x2: {  	[smem:$0x3F9E] =	sst lr;
	_ =	strace $0xD0000000  }
0x3: {  	_ = 	snop  }
0x4: {  	_ = 	snop  }
0x5: {  	_ = 	snop  }
0x6: {  	_ = 	snop  }
0x7: {  	_ = 	snop  }
__scs_overlays_trampoline_lowered:
0x8: {  	[smem:$0x3FAD] =	sst s0  }
0x9: {  	[smem:$0x3FAE] =	sst s1  }
0xa: {  	[smem:$0x3FAF] =	sst s2  }
0xb: {  	[smem:$0x3FB0] =	sst s3  }
0xc: {  	[smem:$0x3FB1] =	sst s4  }
0xd: {  	[smem:$0x3FB2] =	sst s5  }
0xe: {  	[smem:$0x3FB3] =	sst s6  }
0xf: {  	[smem:$0x3FB4] =	sst s7  }
0x10: {  	[smem:$0x3FB5] =	sst s8  }
0x11: {  	[smem:$0x3FB6] =	sst s9;
	s0 =	simm.s32 @!p0 $0x0  }
0x12: {  	s1 =	sld [smem:$0x3F9C];
	s0 =	simm.s32 @p0 $0x1  }
0x13: {  	[smem:$0x3FB7] =	sst s0;
	s0 =	simm.s32 @!p1 $0x0  }
0x14: {  	s2 =	sld [smem:$0x3F9B];
	s0 =	simm.s32 @p1 $0x1  }
0x15: {  	[smem:$0x3FB8] =	sst s0;
	s0 =	simm.s32 @!p2 $0x0  }
0x16: {  	s3 =	sld [smem:$0x3FDB];
	s0 =	simm.s32 @p2 $0x1  }
0x17: {  	s4 =	simm.s32 $0x1BF5;
	[smem:$0x3FBA] =	sst s0  }
0x18: {  	s0 =	sld [smem:$0x3F9D];
	_ =	swait.ge [sflag:s4], $0x0  }
0x19: {  	s7 =	sld [smem:$0x3F9E]  }
0x1a: {  	s8 =	sadd.s32 $0xFFFFE003, lr  }
0x1b: {  	s9 =	sadd.s32 $0xFFFFFEF7, lr;
	s5 =	simm.s32 $0xFFFFFFFF;
	p2 =	slt.u32 s8, $0xFFFFF086  }
0x1c: {  	p1 =	slt.u32 s9, $0xF7A;
	s5 =	simm.s32 @!p2 $0x0  }
0x1d: {  	s5 =	simm.s32 @p1 $0x1;
	p0 =	seq.s32 s7, s2  }
0x1e: {  	s7 =	smul.u32 @!p0 $0xF7A, s2;
	p2 =	seq.s32 @!p0 s5, $0x0  }
0x1f: {  	s9 =	smul.u32 $0xF7A, s1;
	s8 =	simm.s32 @!p0 $0x1BF5;
	p2 =	por !p2, p0  }
0x20: {  	[sflag:s8] =	ssyncset.s32 @!p0 $0xFFFFF086;
	s6 =	sadd.s32 @!p0 s3, s7;
	s7 =	simm.s32 @!p0 $0x108  }
0x21: {  	s3 =	sadd.s32 s3, s9;
	s6 =	sadd.s32 @!p0 $0x88, s6;
	s7 =	simm.s32 @p2 $0x1082  }
0x22: {  	[simem:s7], [sflag:s8] =	dma.local @!p0 [hbm:s6], $0xF7A  }
0x23: {  	s9 =	sor.u32 $0xD0000000, s2;
	s6 =	simm.s32 $0x108;
	_ =	swait.ge @!p0 [sflag:s8], $0x0  }
0x24: {  	s3 =	sadd.s32 $0x88, s3;
	s6 =	simm.s32 @!p1 $0x1082;
	[sflag:s4] =	ssyncset.s32 $0xFFFFF086  }
0x25: {  	[simem:s6], [sflag:s4] =	dma.local [hbm:s3], $0xF7A  }
0x26: {  	[smem:$0x3F9E] =	sst s1;
	(tag) =	ssettag s2;
	_ =	strace s9  }
0x27: {  	s1 =	sld [smem:$0x3FAE]  }
0x28: {  	s2 =	sld [smem:$0x3FAF]  }
0x29: {  	s4 =	sld [smem:$0x3FB1]  }
0x2a: {  	p0 =	seq.s32 s5, $0x0;
	s5 =	sld [smem:$0x3FB2]  }
0x2b: {  	s6 =	sld [smem:$0x3FB3]  }
0x2c: {  	s7 =	sld [smem:$0x3FB4]  }
0x2d: {  	s3 =	simm.s32 $0x108;
	s8 =	sld [smem:$0x3FB5]  }
0x2e: {  	s3 =	simm.s32 @!p0 $0x1082;
	s9 =	sld [smem:$0x3FB6]  }
0x2f: {  	lr =	sadd.s32 s0, s3;
	s0 =	sld [smem:$0x3FAD]  }
0x30: {  	s3 =	sld [smem:$0x3FB0]  }
0x31: {  	[smem:$0x3FB9] =	sst s10  }
0x32: {  	s10 =	sld [smem:$0x3FB7];
	_ =	sdelay $0x3  }
0x33: {  	p0 =	seq.s32 s10, $0x1;
	s10 =	sld [smem:$0x3FB9];
	_ =	sdelay $0x3  }
0x34: {  	[smem:$0x3FB9] =	sst s10  }
0x35: {  	s10 =	sld [smem:$0x3FB8];
	_ =	sdelay $0x3  }
0x36: {  	p1 =	seq.s32 s10, $0x1;
	s10 =	sld [smem:$0x3FB9];
	_ =	sdelay $0x3  }
0x37: {  	[smem:$0x3FB9] =	sst s10  }
0x38: {  	s10 =	sld [smem:$0x3FBA]  }
0x39: {  	_ = 	snop;
	(pc) =	sbr.ind lr, $3  }
0x3a: {  	_ = 	snop  }
0x3b: {  	_ = 	snop  }
0x3c: {  	p2 =	seq.s32 s10, $0x1;
	s10 =	sld [smem:$0x3FB9]  }
0x3d: {  	_ =	shalt  }
0x3e: {  	_ =	shalt  }
0x3f: {  	_ =	shalt  }
0x40: {  	_ =	shalt  }
0x41: {  	_ =	shalt  }
0x42: {  	_ =	shalt  }
0x43: {  	_ =	shalt  }
0x44: {  	_ =	shalt  }
0x45: {  	_ =	shalt  }
0x46: {  	_ =	shalt  }
0x47: {  	_ =	shalt  }
0x48: {  	_ =	shalt  }
0x49: {  	_ =	shalt  }
0x4a: {  	_ =	shalt  }
0x4b: {  	_ =	shalt  }
0x4c: {  	_ =	shalt  }
0x4d: {  	_ =	shalt  }
0x4e: {  	_ =	shalt  }
0x4f: {  	_ =	shalt  }
0x50: {  	_ =	shalt  }
0x51: {  	_ =	shalt  }
0x52: {  	_ =	shalt  }
0x53: {  	_ =	shalt  }
0x54: {  	_ =	shalt  }
0x55: {  	_ =	shalt  }
0x56: {  	_ =	shalt  }
0x57: {  	_ =	shalt  }
0x58: {  	_ =	shalt  }
0x59: {  	_ =	shalt  }
0x5a: {  	_ =	shalt  }
0x5b: {  	_ =	shalt  }
0x5c: {  	_ =	shalt  }
0x5d: {  	_ =	shalt  }
0x5e: {  	_ =	shalt  }
0x5f: {  	_ =	shalt  }
0x60: {  	_ =	shalt  }
0x61: {  	_ =	shalt  }
0x62: {  	_ =	shalt  }
0x63: {  	_ =	shalt  }
0x64: {  	_ =	shalt  }
0x65: {  	_ =	shalt  }
0x66: {  	_ =	shalt  }
0x67: {  	_ =	shalt  }
0x68: {  	_ =	shalt  }
0x69: {  	_ =	shalt  }
0x6a: {  	_ =	shalt  }
0x6b: {  	_ =	shalt  }
0x6c: {  	_ =	shalt  }
0x6d: {  	_ =	shalt  }
0x6e: {  	_ =	shalt  }
0x6f: {  	_ =	shalt  }
0x70: {  	_ =	shalt  }
0x71: {  	_ =	shalt  }
0x72: {  	_ =	shalt  }
0x73: {  	_ =	shalt  }
0x74: {  	_ =	shalt  }
0x75: {  	_ =	shalt  }
0x76: {  	_ =	shalt  }
0x77: {  	_ =	shalt  }
0x78: {  	_ =	shalt  }
0x79: {  	_ =	shalt  }
0x7a: {  	_ =	shalt  }
0x7b: {  	_ =	shalt  }
0x7c: {  	_ =	shalt  }
0x7d: {  	_ =	shalt  }
0x7e: {  	_ =	shalt  }
0x7f: {  	_ =	shalt  }
0x80: {  	_ =	shalt  }
0x81: {  	_ =	shalt  }
0x82: {  	_ =	shalt  }
0x83: {  	_ =	shalt  }
0x84: {  	_ =	shalt  }
0x85: {  	_ =	shalt  }
0x86: {  	_ =	shalt  }
0x87: {  	_ =	shalt  }
.Lfunc_end0:
.L_simem_size_0:
called_computation_lowered:
.L_overlay_start_0:
0x88: {  	s0 =	sld [smem:$0x3FD9]  }
0x89: {  	s1 =	sld [smem:$0x3FFE];
	_ =	sdelay $0x3  }
0x8a: {  	s0 =	sadd.s32 s1, s0  }
0x8b: {  	[smem:$0x3FC5] =	sst s0  }
0x8c: {  	_ = 	snop  }
0x8d: {  	(tm) =	ssettm $0x1  }
0x8e: {  	s15 =	sld [smem:$0x3FFB];
	_ =	sdelay $0x3  }
0x8f: {  	_ =	strace s15  }
0x90: {  	s0 =	sld [smem:$0x3FFC];
	_ =	sdelay $0x3  }
0x91: {  	_ =	strace s0  }
0x92: {  	s0 =	sld [smem:$0x3FFD];
	_ =	sdelay $0x3  }
0x93: {  	_ =	strace s0  }
0x94: {  	_ =	strace $0x8FFFFFFF  }
0x95: {  	s16 =	sld [smem:$0x3FDB];
	_ =	sdelay $0x1  }
0x96: {  	s17 =	simm.s32 $_scs_section_size  }
0x97: {  	s2 =	simm.s32 $_size__tile_overlayer_lowered;
	s3 =	simm.s32 $_tile_overlayer_lowered  }
0x98: {  	s20 =	simm.s32 $0x1BFF;
	s19 =	sshll.u32 s3, $0x1;
	s0 =	sadd.s32 s17, s16  }
0x99: {  	s4 =	simm.s32 $0x0;
	s18 =	sshll.u32 s2, $0x1;
	s2 =	sadd.s32 s19, s0  }
0x9a: {  	[timem:s4], [sflag:s20] =	dma.local [hbm:s2], s18  }
0x9b: {  	_ =	swait.ge [sflag:s20], s18  }
0x9c: {  	s1 =	ssub.s32 $0x0, s18;
	[sflag:s20] =	ssyncset.done $0x0  }
0x9d: {  	[sflag:s20] =	ssyncadd.s32 s1;
	_ =	sdelay $0x1  }
0x9e: {  	s21 =	simm.s32 $0x1B8B  }
0x9f: {  	_ =	swait.ge [sflag:s21], $0x1  }
0xa0: {  	[sflag:s21] =	ssyncset.done $0x0  }
0xa1: {  	s23 =	simm.s32 $0x1B8E;
	s22 =	sld [smem:$0x3FFE];
	[sflag:s21] =	ssyncadd.s32 $0xFFFFFFFF  }
0xa2: {  	s24 =	simm.s32 $execute0_lowered;
	[smem:$0x3FD2] =	sst s23  }
0xa3: {  	s2 =	sshll.u32 s24, $0x1;
	_ =	strace $0x8000004C;
	[dreg:$0x1] =	wrdreg $0xFFFFFFFF  }
0xa4: {  	s25 =	simm.s32 $_size_execute0_lowered;
	s0 =	sadd.s32 s0, s2;
	[dreg:$0x0] =	wrdreg $0x0  }
0xa5: {  	s2 =	sshll.u32 s25, $0x1;
	[dreg:$0x2] =	wrdreg s0  }
0xa6: {  	[dreg:$0x3] =	wrdreg s2  }
0xa7: {  	[dreg:$0x4] =	wrdreg $0xC0  }
0xa8: {  	_ =	task [dreg:s4], $0x5FFFF  }
0xa9: {  	[dreg:$0x1] =	wrdreg $0xFFFFFFFF  }
0xaa: {  	[dreg:$0x0] =	wrdreg $0x60  }
0xab: {  	[dreg:$0x2] =	wrdreg s22  }
0xac: {  	[dreg:$0x3] =	wrdreg $0x9  }
0xad: {  	_ =	task.clear_ibuf [dreg:s4], $0x4FFFF;
	_ =	strace $0x9000004C  }
0xae: {  	s26 =	simm.s32 $0x9;
	_ =	strace $0x8000004E  }
0xaf: {  	_ =	swait.ge [sflag:s26], $0x1  }
0xb0: {  	[sflag:s26] =	ssyncadd.s32 $0xFFFFFFFF  }
0xb1: {  	_ =	strace $0x9000004E  }
0xb2: {  	_ =	sfence  }
0xb3: {  	s28 =	sld [smem:$0x0];
	_ =	sdelay $0x1  }
0xb4: {  	s29 =	srdreg.scid  }
0xb5: {  	s30 =	sshll.u32 s29, $0xD;
	s31 =	sshrl.u32 s29, $0x2  }
0xb6: {  	s1 =	sand.u32 $0x1, s29;
	s2 =	sand.u32 $0x4000, s30;
	s0 =	sadd.s32 s31, s28  }
0xb7: {  	s1 =	sor.u32 s2, s1;
	s0 =	sshll.u32 s0, $0x11  }
0xb8: {  	s0 =	sor.u32 s0, s1  }
0xb9: {  	s0 =	sadd.s32 $0x8F2B, s0  }
0xba: {  	[sflag:s0] =	ssyncadd.remote.s32 $0x1  }
0xbb: {  	_ =	sfence.sel $0xFFFF  }
0xbc: {  	[dreg:$0x0] =	wrdreg $0xFFFFFFFF;
	(pc) =	sbr.abs _section_cstart, $3  }
0xbd: {  	[dreg:$0x1] =	wrdreg $0xFFFFFFFF  }
0xbe: {  	_ =	task.clear_ibuf [dreg:s4], $0x2FFFF;
	_ =	strace $0x9FFFFFFF  }
0xbf: {  	(tm) =	ssettm $0x7FFFFFFF  }
tec
execute0_lowered:
.L_overlay_start_1:
0x0: {  	(tag) =	ssettag $0x1  }
0x1: {  	s0 =	stileid.u32;
	s3 =	simm.s32 $0x200;
	s10 =	simm.s32 $0x1  }
0x2: {  	s6 =	simm.s32 $0x2;
	s1 =	smin.u32 s0, $0x4;
	p0 =	slt.u32 s0, $0x4  }
0x3: {  	s11 =	simm.s32 $0x4;
	s2 =	sshll.u32 s1, $0x9;
	s3 =	simm.s32 @!p0 $0x0  }
0x4: {  	s12 =	simm.s32 $0xFFFFF800;
	s13 =	simm.s32 $0xFFFFFE00;
	s1 =	sadd.s32 s3, s2  }
0x5: {  	s14 =	simm.s32 $0xFFFFFFFF;
	s18 =	simm.s32 $0x0;
	s4 =	smin.u32 s1, $0x7D0  }
0x6: {  	s15 =	simm.s32 $0x0;
	s17 =	simm.s32 $0x0;
	s9 =	ssub.s32 s4, s2  }
0x7: {  	s3 =	rddreg [dreg:$0x0];
	s16 =	smov.u32 s2;
	p0 =	sgt.s32 s9, $0x0  }
0x8: {  	s1 =	rddreg [dreg:$0x1];
	_ =	strace $0x8000004D;
	s9 =	simm.s32 @!p0 $0x0  }
.Ltmp0:
0x9: {  	[sflag:s10] =	ssyncpa.u1 $0x0;
	s8 =	sand.u32 $0x1D0, s9;
	(pc) =	sbr.rel .LBB2_1-.Ltmp0, $4  }
0xa: {  	s5 =	sadd.s32 $0x200, s3;
	[sflag:s6] =	ssyncpa.u1 $0x0;
	p0 =	sne.s32 s8, $0x0  }
0xb: {  	s9 =	sshrl.u32 s9, $0x9;
	s8 =	simm.s32 $0x3;
	s10 =	simm.s32 @!p0 $0x0  }
0xc: {  	s7 =	sadd.s32 $0xFE00, s3;
	[sflag:s8] =	ssyncpa.u1 $0x0;
	s9 =	sadd.s32 s10, s9  }
0xd: {  	v0 =	vlaneseq.u32;
	vm0 =	vmmov $0xffff;
	[sflag:s11] =	ssyncpa.u1 $0x0;
	s11 =	simm.s32 $0x0;
	s10 =	sadd.s32 $0x2, s9  }
.LBB2_7:
0xe: {  	p0 =	slt.u32 s17, $0x3  }
0xf: {  	s18 =	simm.s32 @!p0 $0x4  }
0x10: {  	_ =	swait.ge @!p0 [sflag:s18], $0x80  }
0x11: {  	s19 =	sadd.s32 $0x200, s16;
	[sflag:s18] =	ssyncset.done @!p0 $0x0  }
0x12: {  	s20 =	smov.u32 s2;
	[sflag:s18] =	ssyncadd.s32 @!p0 $0xFFFFFF80;
	p0 =	slt.s32 s19, s4  }
0x13: {  	s20 =	smov.u32 @p0 s19;
	p0 =	sne.s32 s17, s10  }
.Ltmp1:
0x14: {  	_ = 	snop;
	(pc) =	sbr.rel @!p0 .LBB2_8-.Ltmp1, $4  }
0x15: {  	_ = 	snop  }
0x16: {  	s31 =	sadd.s32 $0x1, s17;
	s12 =	sadd.s32 $0x800, s12  }
0x17: {  	s13 =	sadd.s32 $0x200, s13;
	s14 =	sadd.s32 $0x1, s14;
	s18 =	smov.u32 s15  }
0x18: {  	s15 =	smov.u32 s16;
	s17 =	smov.u32 s31;
	s16 =	smov.u32 s20  }
.LBB2_1:
0x19: {  	p0 =	sge.u32 s17, s9  }
0x1a: {  	s19 =	smulhi.u32 @!p0 $0xAAAAAAAB, s17;
	_ =	sdelay $0x1  }
0x1b: {  	s19 =	sshrl.u32 @!p0 s19, $0x1  }
0x1c: {  	s19 =	smul.u32 @!p0 $0x3, s19;
	_ =	sdelay $0x1  }
0x1d: {  	s31 =	sadd.s32 $0xFFFFFFFF, s17;
	s20 =	sshrl.u32 @!p0 s16, $0x3;
	s19 =	ssub.s32 @!p0 s17, s19  }
0x1e: {  	s21 =	sand.u32 @!p0 $0x7, s16;
	s20 =	sadd.s32 @!p0 s5, s20;
	s19 =	sshll.u32 @!p0 s19, $0x9  }
0x1f: {  	[tilespmem:s19], [sflag:$0x2] =	stream.linear.gather @!p0 [hbm4b:s20+s21], $0x200, $0x38;
	[tilespmem:$0xB00] =	vst v63  }
0x20: {  	p0 =	sge.u32 s31, s9  }
.Ltmp2:
0x21: {  	_ = 	snop;
	(pc) =	sbr.rel @p0 .LBB2_5-.Ltmp2, $1  }
0x22: {  	_ =	sdelay $0x3  }
0x23: {  	s19 =	smulhi.u32 $0xAAAAAAAB, s14;
	_ =	sdelay $0x1  }
0x24: {  	s19 =	sshrl.u32 s19, $0x1  }
0x25: {  	s19 =	smul.u32 $0xFFFFE800, s19  }
0x26: {  	_ =	swait.ge [sflag:s6], $0x200;
	s20 =	ssub.s32 $0x7D0, s15  }
0x27: {  	[sflag:s6] =	ssyncset.done $0x0;
	p0 =	slt.s32 s20, $0x200;
	s19 =	sshra.s32 s19, $0x2  }
0x28: {  	[sflag:s6] =	ssyncadd.s32 $0xFFFFFE00;
	s20 =	simm.s32 @!p0 $0x200;
	s21 =	sadd.s32 s19, s13  }
0x29: {  	(ifvalue) =	ssetifvalue $0x7FFFFFFF;
	p0 =	sgt.s32 s20, $0x0;
	s19 =	sadd.s32 $0xFFFFFFF0, s20;
	v1 =	vld.msk [tilespmem:s21+$0x0 ss:$0x1], $0xffff  }
0x2a: {  	s20 =	simm.s32 @!p0 $0x0;
	p0 =	sgt.s32 s19, $0x0  }
0x2b: {  	s22 =	sadd.s32 $0xFFFFFFF0, s19;
	s20 =	smin.u32 s20, $0x10;
	s19 =	simm.s32 @!p0 $0x0  }
0x2c: {  	v2 =	vmov s20;
	s19 =	smin.u32 s19, $0x10  }
0x2d: {  	s24 =	sadd.s32 $0x10, s21;
	vm1 =	vgt.u32 v2, v0;
	v2 =	vmov s19  }
0x2e: {  	v3 =	vld.msk [tilespmem:s24+$0x0 ss:$0x1], $0xffff;
	vm1 =	vmmov vm1;
	vm2 =	vgt.u32 v2, v0;
	v2 =	vshll.u32 v1, $0x1  }
0x2f: {  	p0 =	sgt.s32 s22, $0x0;
	s19 =	smov.u32 s22;
	v4 =	vand.u32 $0x1, v1;
	vm3 =	veq.s32 v1, $0x80000000;
	v1 =	vand.u32 $0x1FFC, v2  }
0x30: {  	s19 =	simm.s32 @!p0 $0x0;
	vm1 =	vmmov vm1;
	v2 =	vsel vm3, $0xFFFFFFFF, v4;
	v1 =	vsel vm3, $0xFFFFFFFC, v1  }
0x31: {  	s19 =	smin.u32 s19, $0x10;
	vm2 =	vmmov vm2;
	v4 =	vand.u32 $0xFFFFE000, v2;
	v5 =	vand.u32 $0xFFFFFE00, v1  }
0x32: {  	s25 =	sadd.s32 $0xFFFFFFF0, s22;
	v6 =	vmov s19;
	v1 =	vand.u32 $0x1FC, v1;
	v4 =	vadd.s32 v4, v5  }
0x33: {  	s23 =	smov.u32 s25;
	p0 =	sgt.s32 s25, $0x0;
	vm4 =	veq.s32 v3, $0x80000000;
	v2 =	vand.u32 $0x3, v2;
	v1 =	vor.u32 v1, v4  }
0x34: {  	s23 =	simm.s32 @!p0 $0x0;
	s19 =	sadd.s32 $0x10, s24;
	vm3 =	vgt.u32 v6, v0;
	v5 =	vshll.u32 v3, $0x1;
	v1 =	vshrl.u32 v1, $0x2  }
0x35: {  	s31 =	smin.u32 s23, $0x10;
	s20 =	sadd.s32 $0x10, s19;
	v4 =	vand.u32 $0x1, v3;
	v3 =	vand.u32 $0x1FFC, v5;
	v1 =	vnsel vm1, $0x7FFFFFFF, v1  }
0x36: {  	s29 =	sshrl.u32 s12, $0x2;
	v8 =	vmov s31;
	[tilespmem:s21+$0x0] =	vst v2;
	v2 =	vld.msk [tilespmem:s20+$0x0 ss:$0x1], $0xffff;
	v4 =	vsel vm4, $0xFFFFFFFF, v4;
	v5 =	vsel vm4, $0xFFFFFFFC, v3  }
0x37: {  	s30 =	sand.u32 $0x200, s29;
	vm3 =	vmmov vm3;
	v3 =	vld.msk [tilespmem:s19+$0x0 ss:$0x1], $0xffff;
	v6 =	vand.u32 $0xFFFFE000, v4;
	v7 =	vand.u32 $0xFFFFFE00, v5  }
0x38: {  	s22 =	sadd.s32 $0x600, s30;
	s25 =	sadd.s32 $0xFFFFFFF0, s25;
	s23 =	simm.s32 $0x30;
	v4 =	vand.u32 $0x3, v4;
	v5 =	vand.u32 $0x1FC, v5;
	v6 =	vadd.s32 v6, v7  }
0x39: {  	s21 =	sadd.s32 $0x10, s22;
	vm1 =	vmmov vm2;
	vm2 =	vgt.u32 v8, v0;
	[tilespmem:s24+$0x0] =	vst v4;
	s24 =	sadd.s32 $0x10, s20;
	(ifvalue) =	ssetifvalue $0x7FFFFFFF;
	v4 =	vor.u32 v5, v6  }
.LBB2_3:
0x3a: {  	[tilespmem:s22], [sflag:$0x3] =	stream.indirect_vreg.gather [hbm4b:s3+s11], $0x1, v1, vm0, $0x4038;
	[tilespmem:$0xB00] =	vst v63  }
0x3b: {  	p0 =	sgt.s32 s25, $0x0;
	s23 =	sadd.s32 $0x10, s23;
	s26 =	smov.u32 s25  }
0x3c: {  	v5 =	vand.u32 $0x1, v3;
	v6 =	vshll.u32 v3, $0x1;
	v4 =	vshrl.u32 v4, $0x2;
	v7 =	vmovc v2;
	v2 =	vld.msk [tilespmem:s24+$0x0 ss:$0x1], $0xffff;
	s26 =	simm.s32 @!p0 $0x0;
	p0 =	slt.u32 s23, $0x1F0  }
.Ltmp3:
0x3d: {  	vm4 =	veq.s32 v3, $0x80000000;
	v6 =	vand.u32 $0x1FFC, v6;
	v1 =	vnsel vm1, $0x7FFFFFFF, v4;
	v3 =	vmovc v7;
	(pc) =	sbr.rel @p0 .LBB2_3-.Ltmp3, $4  }
0x3e: {  	s22 =	smov.u32 s21;
	v4 =	vsel vm4, $0xFFFFFFFF, v5;
	vm1 =	vmmov vm3;
	v5 =	vsel vm4, $0xFFFFFFFC, v6  }
0x3f: {  	s28 =	smov.u32 s19;
	s19 =	smov.u32 s20;
	s26 =	smin.u32 s26, $0x10;
	v6 =	vand.u32 $0xFFFFE000, v4;
	v7 =	vand.u32 $0xFFFFFE00, v5;
	v5 =	vand.u32 $0x1FC, v5  }
0x40: {  	s21 =	sadd.s32 $0x10, s21;
	s20 =	smov.u32 s24;
	v9 =	vand.u32 $0x3, v4;
	v8 =	vmov s26;
	v4 =	vadd.s32 v6, v7  }
0x41: {  	s24 =	sadd.s32 $0x10, s24;
	s25 =	sadd.s32 $0xFFFFFFF0, s25;
	vm3 =	vmmov vm2;
	vm2 =	vgt.u32 v8, v0;
	v4 =	vor.u32 v5, v4;
	[tilespmem:s28+$0x0] =	vst v9;
	(ifvalue) =	ssetifvalue $0x7FFFFFFF  }
0x42: {  	v5 =	vshll.u32 v3, $0x1  }
0x43: {  	v6 =	vand.u32 $0x1, v3;
	vm4 =	veq.s32 v3, $0x80000000;
	v4 =	vshrl.u32 v4, $0x2  }
0x44: {  	v60 =	vshll.u32 v2, $0x1;
	v8 =	vand.u32 $0x1, v2;
	vm15 =	veq.s32 v2, $0x80000000  }
0x45: {  	v3 =	vand.u32 $0x1FFC, v5;
	v59 =	vsel vm4, $0xFFFFFFFF, v6;
	v2 =	vand.u32 $0x1FFC, v60  }
0x46: {  	v61 =	vsel vm15, $0xFFFFFFFF, v8;
	v4 =	vnsel vm1, $0x7FFFFFFF, v4;
	v3 =	vsel vm4, $0xFFFFFFFC, v3  }
0x47: {  	vm1 =	vmmov vm3;
	v6 =	vand.u32 $0xFFFFE000, v59;
	v7 =	vand.u32 $0xFFFFFE00, v3  }
0x48: {  	v2 =	vsel vm15, $0xFFFFFFFC, v2;
	v3 =	vand.u32 $0x1FC, v3;
	v6 =	vadd.s32 v6, v7  }
0x49: {  	v62 =	vand.u32 $0xFFFFE000, v61;
	v63 =	vand.u32 $0xFFFFFE00, v2;
	v3 =	vor.u32 v3, v6  }
0x4a: {  	v2 =	vand.u32 $0x1FC, v2;
	v6 =	vadd.s32 v62, v63;
	v3 =	vshrl.u32 v3, $0x2  }
0x4b: {  	vm2 =	vmmov vm2;
	v2 =	vor.u32 v2, v6;
	v3 =	vnsel vm1, $0x7FFFFFFF, v3  }
0x4c: {  	[tilespmem:s22], [sflag:$0x3] =	stream.indirect_vreg.gather [hbm4b:s3+s11], $0x1, v1, vm0, $0x4038;
	v5 =	vand.u32 $0x3, v59;
	vm1 =	vmmov vm2;
	v1 =	vshrl.u32 v2, $0x2;
	[tilespmem:$0xB00] =	vst v63  }
0x4d: {  	[tilespmem:s19+$0x0] =	vst v5;
	(ifvalue) =	ssetifvalue $0x7FFFFFFF;
	v1 =	vnsel vm1, $0x7FFFFFFF, v1  }
0x4e: {  	[tilespmem:s21], [sflag:$0x3] =	stream.indirect_vreg.gather [hbm4b:s3+s11], $0x1, v4, vm0, $0x4038;
	v2 =	vand.u32 $0x3, v61;
	[tilespmem:$0xB00] =	vst v63  }
0x4f: {  	s31 =	sadd.s32 $0x10, s21;
	[tilespmem:s20+$0x0] =	vst v2;
	(ifvalue) =	ssetifvalue $0x7FFFFFFF  }
0x50: {  	[tilespmem:s31], [sflag:$0x3] =	stream.indirect_vreg.gather [hbm4b:s3+s11], $0x1, v3, vm0, $0x4038;
	[tilespmem:$0xB00] =	vst v63  }
0x51: {  	s19 =	sadd.s32 $0x10, s31;
	(ifvalue) =	ssetifvalue $0x7FFFFFFF  }
0x52: {  	[tilespmem:s19], [sflag:$0x3] =	stream.indirect_vreg.gather [hbm4b:s3+s11], $0x1, v1, vm0, $0x4038;
	[tilespmem:$0xB00] =	vst v63  }
.LBB2_5:
0x53: {  	p0 =	slt.u32 s17, $0x2  }
0x54: {  	p1 =	sge.u32 @!p0 s17, s10  }
0x55: {  	p0 =	por p0, p1  }
.Ltmp4:
0x56: {  	_ = 	snop;
	(pc) =	sbr.rel @p0 .LBB2_7-.Ltmp4, $1  }
0x57: {  	_ =	sdelay $0x3  }
0x58: {  	s19 =	sadd.s32 $0xFFFFFFFE, s17  }
0x59: {  	s20 =	smulhi.u32 $0xAAAAAAAB, s19  }
0x5a: {  	_ =	swait.ge [sflag:s8], $0x200  }
0x5b: {  	s21 =	sand.u32 $0x1, s17;
	[sflag:s8] =	ssyncset.done $0x0;
	s20 =	sshrl.u32 s20, $0x1  }
0x5c: {  	s28 =	sshll.u32 s21, $0x9;
	[sflag:s8] =	ssyncadd.s32 $0xFFFFFE00;
	s20 =	smul.u32 $0x3, s20  }
0x5d: {  	v1 =	vld [tilespmem:s28+$0x600]  }
0x5e: {  	v3 =	vld [tilespmem:s28+$0x680];
	s20 =	ssub.s32 s19, s20  }
0x5f: {  	v6 =	vld [tilespmem:s28+$0x700];
	s20 =	sshll.u32 s20, $0x9  }
0x60: {  	v2 =	vld [tilespmem:s20+$0x0]  }
0x61: {  	v4 =	vld [tilespmem:s20+$0x80]  }
0x62: {  	v5 =	vld [tilespmem:s20+$0x100]  }
0x63: {  	v7 =	vld [tilespmem:s20+$0x180];
	_ =	sdelay $0x1  }
0x64: {  	v8 =	vld [tilespmem:s28+$0x780]  }
0x65: {  	v2 =	vshll.u32 v2, $0x3;
	v4 =	vshll.u32 v4, $0x3  }
0x66: {  	v1 =	vshrl.u32 v1, v2;
	v2 =	vshrl.u32 v3, v4;
	v3 =	vshll.u32 v5, $0x3  }
0x67: {  	v21 =	vshll.u32 v7, $0x3;
	v2 =	vshll.u32 v2, $0x8;
	v3 =	vshrl.u32 v6, v3  }
0x68: {  	v1 =	vand.u32 $0xFF, v1;
	v2 =	vand.u32 $0xFF00, v2;
	v3 =	vshll.u32 v3, $0x10  }
0x69: {  	v1 =	vor.u32 v1, v2;
	v2 =	vand.u32 $0xFF0000, v3;
	v3 =	vshrl.u32 v8, v21  }
0x6a: {  	v1 =	vor.u32 v2, v1;
	v2 =	vshll.u32 v3, $0x18  }
0x6b: {  	s21 =	sshll.u32 s21, $0x7;
	v1 =	vor.u32 v2, v1  }
0x6c: {  	[tilespmem:s21+$0xA00] =	vst v1  }
0x6d: {  	v1 =	vld [tilespmem:s28+$0x610]  }
0x6e: {  	v2 =	vld [tilespmem:s20+$0x10]  }
0x6f: {  	v3 =	vld [tilespmem:s28+$0x690]  }
0x70: {  	v22 =	vld [tilespmem:s20+$0x90]  }
0x71: {  	v23 =	vld [tilespmem:s20+$0x110]  }
0x72: {  	v24 =	vld [tilespmem:s28+$0x710]  }
0x73: {  	v25 =	vld [tilespmem:s20+$0x190];
	_ =	sdelay $0x1  }
0x74: {  	v26 =	vld [tilespmem:s28+$0x790]  }
0x75: {  	v2 =	vshll.u32 v2, $0x3;
	v4 =	vshll.u32 v22, $0x3  }
0x76: {  	v1 =	vshrl.u32 v1, v2;
	v2 =	vshrl.u32 v3, v4;
	v3 =	vshll.u32 v23, $0x3  }
0x77: {  	v27 =	vshll.u32 v25, $0x3;
	v2 =	vshll.u32 v2, $0x8;
	v3 =	vshrl.u32 v24, v3  }
0x78: {  	v1 =	vand.u32 $0xFF, v1;
	v2 =	vand.u32 $0xFF00, v2;
	v3 =	vshll.u32 v3, $0x10  }
0x79: {  	v1 =	vor.u32 v1, v2;
	v2 =	vand.u32 $0xFF0000, v3;
	v3 =	vshrl.u32 v26, v27  }
0x7a: {  	v1 =	vor.u32 v2, v1;
	v2 =	vshll.u32 v3, $0x18  }
0x7b: {  	v1 =	vor.u32 v2, v1  }
0x7c: {  	[tilespmem:s21+$0xA10] =	vst v1  }
0x7d: {  	v1 =	vld [tilespmem:s28+$0x620]  }
0x7e: {  	v2 =	vld [tilespmem:s20+$0x20]  }
0x7f: {  	v3 =	vld [tilespmem:s28+$0x6A0]  }
0x80: {  	v28 =	vld [tilespmem:s20+$0xA0]  }
0x81: {  	v29 =	vld [tilespmem:s20+$0x120]  }
0x82: {  	v30 =	vld [tilespmem:s28+$0x720]  }
0x83: {  	v31 =	vld [tilespmem:s20+$0x1A0];
	_ =	sdelay $0x1  }
0x84: {  	v32 =	vld [tilespmem:s28+$0x7A0]  }
0x85: {  	v2 =	vshll.u32 v2, $0x3;
	v4 =	vshll.u32 v28, $0x3  }
0x86: {  	v1 =	vshrl.u32 v1, v2;
	v2 =	vshrl.u32 v3, v4;
	v3 =	vshll.u32 v29, $0x3  }
0x87: {  	v33 =	vshll.u32 v31, $0x3;
	v2 =	vshll.u32 v2, $0x8;
	v3 =	vshrl.u32 v30, v3  }
0x88: {  	v1 =	vand.u32 $0xFF, v1;
	v2 =	vand.u32 $0xFF00, v2;
	v3 =	vshll.u32 v3, $0x10  }
0x89: {  	v1 =	vor.u32 v1, v2;
	v2 =	vand.u32 $0xFF0000, v3;
	v3 =	vshrl.u32 v32, v33  }
0x8a: {  	v1 =	vor.u32 v2, v1;
	v2 =	vshll.u32 v3, $0x18  }
0x8b: {  	v1 =	vor.u32 v2, v1  }
0x8c: {  	[tilespmem:s21+$0xA20] =	vst v1  }
0x8d: {  	v1 =	vld [tilespmem:s28+$0x630]  }
0x8e: {  	v2 =	vld [tilespmem:s20+$0x30]  }
0x8f: {  	v3 =	vld [tilespmem:s28+$0x6B0]  }
0x90: {  	v34 =	vld [tilespmem:s20+$0xB0]  }
0x91: {  	v35 =	vld [tilespmem:s20+$0x130]  }
0x92: {  	v36 =	vld [tilespmem:s28+$0x730]  }
0x93: {  	v37 =	vld [tilespmem:s20+$0x1B0];
	_ =	sdelay $0x1  }
0x94: {  	v38 =	vld [tilespmem:s28+$0x7B0]  }
0x95: {  	v2 =	vshll.u32 v2, $0x3;
	v4 =	vshll.u32 v34, $0x3  }
0x96: {  	v1 =	vshrl.u32 v1, v2;
	v2 =	vshrl.u32 v3, v4;
	v3 =	vshll.u32 v35, $0x3  }
0x97: {  	v39 =	vshll.u32 v37, $0x3;
	v2 =	vshll.u32 v2, $0x8;
	v3 =	vshrl.u32 v36, v3  }
0x98: {  	v1 =	vand.u32 $0xFF, v1;
	v2 =	vand.u32 $0xFF00, v2;
	v3 =	vshll.u32 v3, $0x10  }
0x99: {  	v1 =	vor.u32 v1, v2;
	v2 =	vand.u32 $0xFF0000, v3;
	v3 =	vshrl.u32 v38, v39  }
0x9a: {  	v1 =	vor.u32 v2, v1;
	v2 =	vshll.u32 v3, $0x18  }
0x9b: {  	v1 =	vor.u32 v2, v1  }
0x9c: {  	[tilespmem:s21+$0xA30] =	vst v1  }
0x9d: {  	v1 =	vld [tilespmem:s28+$0x640]  }
0x9e: {  	v2 =	vld [tilespmem:s20+$0x40]  }
0x9f: {  	v3 =	vld [tilespmem:s28+$0x6C0]  }
0xa0: {  	v40 =	vld [tilespmem:s20+$0xC0]  }
0xa1: {  	v41 =	vld [tilespmem:s20+$0x140]  }
0xa2: {  	v42 =	vld [tilespmem:s28+$0x740]  }
0xa3: {  	v43 =	vld [tilespmem:s20+$0x1C0];
	_ =	sdelay $0x1  }
0xa4: {  	v44 =	vld [tilespmem:s28+$0x7C0]  }
0xa5: {  	v2 =	vshll.u32 v2, $0x3;
	v4 =	vshll.u32 v40, $0x3  }
0xa6: {  	v1 =	vshrl.u32 v1, v2;
	v2 =	vshrl.u32 v3, v4;
	v3 =	vshll.u32 v41, $0x3  }
0xa7: {  	v45 =	vshll.u32 v43, $0x3;
	v2 =	vshll.u32 v2, $0x8;
	v3 =	vshrl.u32 v42, v3  }
0xa8: {  	v1 =	vand.u32 $0xFF, v1;
	v2 =	vand.u32 $0xFF00, v2;
	v3 =	vshll.u32 v3, $0x10  }
0xa9: {  	v1 =	vor.u32 v1, v2;
	v2 =	vand.u32 $0xFF0000, v3;
	v3 =	vshrl.u32 v44, v45  }
0xaa: {  	v1 =	vor.u32 v2, v1;
	v2 =	vshll.u32 v3, $0x18  }
0xab: {  	v1 =	vor.u32 v2, v1  }
0xac: {  	[tilespmem:s21+$0xA40] =	vst v1  }
0xad: {  	v1 =	vld [tilespmem:s28+$0x650]  }
0xae: {  	v2 =	vld [tilespmem:s20+$0x50]  }
0xaf: {  	v3 =	vld [tilespmem:s28+$0x6D0]  }
0xb0: {  	v46 =	vld [tilespmem:s20+$0xD0]  }
0xb1: {  	v47 =	vld [tilespmem:s20+$0x150]  }
0xb2: {  	v48 =	vld [tilespmem:s28+$0x750]  }
0xb3: {  	v49 =	vld [tilespmem:s20+$0x1D0];
	_ =	sdelay $0x1  }
0xb4: {  	v50 =	vld [tilespmem:s28+$0x7D0]  }
0xb5: {  	v2 =	vshll.u32 v2, $0x3;
	v4 =	vshll.u32 v46, $0x3  }
0xb6: {  	v1 =	vshrl.u32 v1, v2;
	v2 =	vshrl.u32 v3, v4;
	v3 =	vshll.u32 v47, $0x3  }
0xb7: {  	v51 =	vshll.u32 v49, $0x3;
	v2 =	vshll.u32 v2, $0x8;
	v3 =	vshrl.u32 v48, v3  }
0xb8: {  	v1 =	vand.u32 $0xFF, v1;
	v2 =	vand.u32 $0xFF00, v2;
	v3 =	vshll.u32 v3, $0x10  }
0xb9: {  	v1 =	vor.u32 v1, v2;
	v2 =	vand.u32 $0xFF0000, v3;
	v3 =	vshrl.u32 v50, v51  }
0xba: {  	v1 =	vor.u32 v2, v1;
	v2 =	vshll.u32 v3, $0x18  }
0xbb: {  	v1 =	vor.u32 v2, v1  }
0xbc: {  	[tilespmem:s21+$0xA50] =	vst v1  }
0xbd: {  	v1 =	vld [tilespmem:s28+$0x660]  }
0xbe: {  	v2 =	vld [tilespmem:s20+$0x60]  }
0xbf: {  	v3 =	vld [tilespmem:s28+$0x6E0]  }
0xc0: {  	v52 =	vld [tilespmem:s20+$0xE0]  }
0xc1: {  	v53 =	vld [tilespmem:s20+$0x160]  }
0xc2: {  	v54 =	vld [tilespmem:s28+$0x760]  }
0xc3: {  	v55 =	vld [tilespmem:s20+$0x1E0];
	_ =	sdelay $0x1  }
0xc4: {  	v56 =	vld [tilespmem:s28+$0x7E0]  }
0xc5: {  	v2 =	vshll.u32 v2, $0x3;
	v4 =	vshll.u32 v52, $0x3  }
0xc6: {  	v1 =	vshrl.u32 v1, v2;
	v2 =	vshrl.u32 v3, v4;
	v3 =	vshll.u32 v53, $0x3  }
0xc7: {  	v57 =	vshll.u32 v55, $0x3;
	v2 =	vshll.u32 v2, $0x8;
	v3 =	vshrl.u32 v54, v3  }
0xc8: {  	v1 =	vand.u32 $0xFF, v1;
	v2 =	vand.u32 $0xFF00, v2;
	v3 =	vshll.u32 v3, $0x10  }
0xc9: {  	v1 =	vor.u32 v1, v2;
	v2 =	vand.u32 $0xFF0000, v3;
	v3 =	vshrl.u32 v56, v57  }
0xca: {  	v1 =	vor.u32 v2, v1;
	v2 =	vshll.u32 v3, $0x18  }
0xcb: {  	v1 =	vor.u32 v2, v1  }
0xcc: {  	[tilespmem:s21+$0xA60] =	vst v1  }
0xcd: {  	v1 =	vld [tilespmem:s28+$0x670]  }
0xce: {  	v2 =	vld [tilespmem:s20+$0x70]  }
0xcf: {  	v3 =	vld [tilespmem:s28+$0x6F0]  }
0xd0: {  	v58 =	vld [tilespmem:s20+$0xF0]  }
0xd1: {  	v59 =	vld [tilespmem:s20+$0x170]  }
0xd2: {  	v60 =	vld [tilespmem:s28+$0x770]  }
0xd3: {  	v61 =	vld [tilespmem:s20+$0x1F0];
	_ =	sdelay $0x1  }
0xd4: {  	v62 =	vld [tilespmem:s28+$0x7F0]  }
0xd5: {  	v2 =	vshll.u32 v2, $0x3;
	v4 =	vshll.u32 v58, $0x3  }
0xd6: {  	v1 =	vshrl.u32 v1, v2;
	v2 =	vshrl.u32 v3, v4;
	v3 =	vshll.u32 v59, $0x3  }
0xd7: {  	v63 =	vshll.u32 v61, $0x3;
	v3 =	vshrl.u32 v60, v3;
	v2 =	vshll.u32 v2, $0x8  }
0xd8: {  	v1 =	vand.u32 $0xFF, v1;
	v2 =	vand.u32 $0xFF00, v2;
	v3 =	vshll.u32 v3, $0x10  }
.Ltmp5:
0xd9: {  	v1 =	vor.u32 v1, v2;
	v2 =	vshrl.u32 v62, v63;
	v3 =	vand.u32 $0xFF0000, v3;
	(pc) =	sbr.rel .LBB2_7-.Ltmp5, $4  }
0xda: {  	v1 =	vor.u32 v3, v1;
	v2 =	vshll.u32 v2, $0x18  }
0xdb: {  	s29 =	sshrl.u32 s18, $0x2;
	s30 =	sshrl.u32 s18, $0x5;
	v1 =	vor.u32 v2, v1  }
0xdc: {  	s18 =	sadd.s32 s30, s7;
	s31 =	sor.u32 $0xA00, s21;
	s19 =	sand.u32 $0x7, s29;
	[tilespmem:s21+$0xA70] =	vst v1  }
0xdd: {  	[hbm4b:s18+s19] =	stream.linear.scatter [tilespmem:s31], [sflag:$0x4], $0x80, $0x38;
	[tilespmem:$0xB00] =	vst v63  }
.LBB2_8:
0xde: {  	_ =	sfence.sel $0x180000  }
0xdf: {  	s2 =	simm.s32 $0x2;
	[bflag:$0x0] =	sbarrier.arrive $0xFFFF  }
0xe0: {  	s29 =	simm.s32 $0x3;
	[sflag:s2] =	ssyncpa.u1 $0x1  }
0xe1: {  	s30 =	simm.s32 $0x4;
	[sflag:s29] =	ssyncpa.u1 $0x1  }
0xe2: {  	s31 =	simm.s32 $0x1;
	[sflag:s30] =	ssyncpa.u1 $0x1  }
0xe3: {  	[sflag:s31] =	ssyncpa.u1 $0x1  }
0xe4: {  	p0 =	sne.s32 s0, $0x0;
	_ =	strace $0x9000004D  }
0xe5: {  	s0 =	sadd.s32 @!p0 $0x100000, s1;
	[bflag:$0x2] =	sbarrier.arrive $0xFFFF  }
0xe6: {  	[sflag:s0] =	ssyncadd.tile.s32 @!p0 $0x1;
	_ =	shalt  }
.Lfunc_end2:
_tile_overlayer_lowered:
.L_overlay_start_2:
0xe7: {  	(tag) =	ssettag $0x2  }
0xe8: {  	s0 =	rddreg [dreg:$0x0];
	s2 =	stileid.u32  }
0xe9: {  	s1 =	rddreg [dreg:$0x1];
	p0 =	sne.s32 s2, $0x0  }
0xea: {  	s3 =	rddreg [dreg:$0x2];
	[bflag:$0x3] =	sbarrier.arrive $0xFFFF;
	s2 =	simm.s32 @!p0 $0x1C01  }
0xeb: {  	[timem:s3], [sflag:s2] =	dma.local @!p0 [hbm:s0], s1  }
0xec: {  	s0 =	simm.s32 @!p0 $0x1  }
0xed: {  	_ =	swait.ge @!p0 [sflag:s0], s1  }
0xee: {  	s1 =	ssub.s32 @!p0 $0x0, s1;
	[sflag:s0] =	ssyncset.done @!p0 $0x0  }
0xef: {  	[sflag:s0] =	ssyncadd.s32 @!p0 s1  }
0xf0: {  	[bflag:$0x3] =	sbarrier.arrive $0xFFFF  }
0xf1: {  	_ =	shalt  }

</sc_bundles>
